<compile_context>
chip_gen: v7x
topology: tpu7x:2x2x1
jax: 0.10.2.dev20260603
libtpu: 0.0.44.dev20260713+nightly
codegen_flags: <defaults>
</compile_context>

<pallas_src>
import jax
import jax.numpy as jnp
from jax import lax
from jax.experimental import pallas as pl
from jax.experimental.pallas import tpu as pltpu
from jax.experimental.pallas import tpu_sc as plsc

N_NODES = 10000
N_EDGES = 320000
D = 128

NC = 2
NS = 16
NW = NC * NS

CHUNK = 128
IDX_BLK = 8
NIDX0 = 19
NIDX1 = 1
BLK_E = IDX_BLK * CHUNK
PADDED_E = NS * (NIDX0 + NIDX1) * BLK_E
E_CORE0 = NS * NIDX0 * BLK_E

ACC_ROWS = 10240
ROWS_PER_TILE = ACC_ROWS // NS
PAD_DST = ACC_ROWS - 1


def _edge_loop(x_hbm, src_hbm, dst_hbm, s, nidx, src_v, dst_v, bufs, sems, acc_sh):
    @pl.loop(0, nidx)
    def _(blk):
        pltpu.sync_copy(src_hbm.at[s].at[blk], src_v)
        pltpu.sync_copy(dst_hbm.at[s].at[blk], dst_v)

        pending = pltpu.async_copy(x_hbm.at[src_v.at[0]], bufs[0], sems[0])
        for j in range(IDX_BLK):
            nxt = None
            if j + 1 < IDX_BLK:
                nxt = pltpu.async_copy(
                    x_hbm.at[src_v.at[j + 1]], bufs[(j + 1) % 2], sems[(j + 1) % 2])
            pending.wait()
            pltpu.sync_copy(bufs[j % 2], acc_sh.at[dst_v.at[j]], add=True)
            if nxt is not None:
                pending = nxt


def _agg_body(x_hbm, srcA_hbm, dstA_hbm, srcB_hbm, dstB_hbm,
              outA_hbm, outB_hbm,
              src_v, dst_v, rows0, rows1, acc_sh, sem0, sem1):
    c = lax.axis_index("c")
    s = lax.axis_index("s")

    @pl.loop(0, CHUNK)
    def _(i):
        @pl.loop(0, D, step=16)
        def _(j):
            rows0[i, pl.ds(j, 16)] = jnp.zeros((16,), jnp.float32)

    @pl.loop(0, ROWS_PER_TILE // CHUNK)
    def _(k):
        zbase = pl.multiple_of(s * ROWS_PER_TILE + k * CHUNK, 8)
        pltpu.sync_copy(rows0, acc_sh.at[pl.ds(zbase, CHUNK)])

    plsc.subcore_barrier()

    @pl.when(c == 0)
    def _():
        _edge_loop(x_hbm, srcA_hbm, dstA_hbm, s, NIDX0,
                   src_v, dst_v, (rows0, rows1), (sem0, sem1), acc_sh)

    @pl.when(c == 1)
    def _():
        _edge_loop(x_hbm, srcB_hbm, dstB_hbm, s, NIDX1,
                   src_v, dst_v, (rows0, rows1), (sem0, sem1), acc_sh)

    plsc.subcore_barrier()

    obase = pl.multiple_of(s * ROWS_PER_TILE, 8)

    @pl.when(c == 0)
    def _():
        pltpu.sync_copy(acc_sh.at[pl.ds(obase, ROWS_PER_TILE)],
                        outA_hbm.at[pl.ds(obase, ROWS_PER_TILE)])

    @pl.when(c == 1)
    def _():
        pltpu.sync_copy(acc_sh.at[pl.ds(obase, ROWS_PER_TILE)],
                        outB_hbm.at[pl.ds(obase, ROWS_PER_TILE)])


_agg = pl.kernel(
    _agg_body,
    out_type=(jax.ShapeDtypeStruct((ACC_ROWS, D), jnp.float32),
              jax.ShapeDtypeStruct((ACC_ROWS, D), jnp.float32)),
    mesh=plsc.VectorSubcoreMesh(core_axis_name="c", subcore_axis_name="s"),
    scratch_types=[
        pltpu.VMEM((IDX_BLK, CHUNK), jnp.int32),
        pltpu.VMEM((IDX_BLK, CHUNK), jnp.int32),
        pltpu.VMEM((CHUNK, D), jnp.float32),
        pltpu.VMEM((CHUNK, D), jnp.float32),
        pltpu.VMEM_SHARED((ACC_ROWS, D), jnp.float32),
        pltpu.SemaphoreType.DMA,
        pltpu.SemaphoreType.DMA,
    ],
)

ROW_BLK = 1000


def _mlp_call(xin, parts, W, b2d, relu):
    def body(x_ref, pa_ref, pb_ref, w_ref, b_ref, o_ref):
        a = x_ref[...] + pa_ref[...] + pb_ref[...]
        y = jnp.dot(a, w_ref[...], preferred_element_type=jnp.float32)
        y = y + b_ref[...]
        if relu:
            y = jnp.maximum(y, 0.0)
        o_ref[...] = y

    pa, pb = parts
    return pl.pallas_call(
        body,
        grid=(N_NODES // ROW_BLK,),
        in_specs=[
            pl.BlockSpec((ROW_BLK, D), lambda i: (i, 0)),
            pl.BlockSpec((ROW_BLK, D), lambda i: (i, 0)),
            pl.BlockSpec((ROW_BLK, D), lambda i: (i, 0)),
            pl.BlockSpec((D, D), lambda i: (0, 0)),
            pl.BlockSpec((1, D), lambda i: (0, 0)),
        ],
        out_specs=pl.BlockSpec((ROW_BLK, D), lambda i: (i, 0)),
        out_shape=jax.ShapeDtypeStruct((N_NODES, D), jnp.float32),
    )(xin, pa, pb, W, b2d)


def kernel(x, edge_index, W1, b1, W2, b2):
    pad = PADDED_E - N_EDGES
    src = jnp.concatenate(
        [edge_index[0].astype(jnp.int32), jnp.zeros((pad,), jnp.int32)])
    dst = jnp.concatenate(
        [edge_index[1].astype(jnp.int32), jnp.full((pad,), PAD_DST, jnp.int32)])
    srcA = src[:E_CORE0].reshape(NS, NIDX0, IDX_BLK, CHUNK)
    dstA = dst[:E_CORE0].reshape(NS, NIDX0, IDX_BLK, CHUNK)
    srcB = src[E_CORE0:].reshape(NS, NIDX1, IDX_BLK, CHUNK)
    dstB = dst[E_CORE0:].reshape(NS, NIDX1, IDX_BLK, CHUNK)
    b1_2d = b1.reshape(1, D)
    b2_2d = b2.reshape(1, D)

    p1 = _agg(x, srcA, dstA, srcB, dstB)
    h = _mlp_call(x, p1, W1, b1_2d, relu=True)
    p2 = _agg(h, srcA, dstA, srcB, dstB)
    out = _mlp_call(h, p2, W2, b2_2d, relu=False)
    return out

# --- scband reference (transcript-rebuilt; emitter-appended) ---
"""Pipeline reference for scband-gin-54898271977857 (READ-ONLY COPY).

The authoritative reference and input builder live on the scoring server;
editing this copy changes nothing except your own understanding.
"""

import jax, jax.numpy as jnp
import numpy as np

N_NODES = 10000
N_EDGES = 320000
D_IN = 128
D_HID = 128
D_OUT = 128


def setup_inputs(seed: int = 0) -> dict:
    key = jax.random.key(seed)
    k_x, k_e, k_w1, k_b1, k_w2, k_b2 = jax.random.split(key, 6)
    x = jax.random.normal(k_x, (N_NODES, D_IN), dtype=jnp.float32)
    edge_index = jax.random.randint(k_e, (2, N_EDGES), 0, N_NODES, dtype=jnp.int64)
    # Linear layers: PyTorch nn.Linear(in, out) -> weight [out, in]; store transposed [in, out]
    s1 = 1.0 / np.sqrt(D_IN)
    W1 = jax.random.uniform(k_w1, (D_IN, D_HID), dtype=jnp.float32, minval=-s1, maxval=s1)
    b1 = jax.random.uniform(k_b1, (D_HID,), dtype=jnp.float32, minval=-s1, maxval=s1)
    s2 = 1.0 / np.sqrt(D_HID)
    W2 = jax.random.uniform(k_w2, (D_HID, D_OUT), dtype=jnp.float32, minval=-s2, maxval=s2)
    b2 = jax.random.uniform(k_b2, (D_OUT,), dtype=jnp.float32, minval=-s2, maxval=s2)
    return {"x": x, "edge_index": edge_index, "W1": W1, "b1": b1, "W2": W2, "b2": b2}


def _gin_conv(x, src, dst, W, b, num_nodes):
    # GINConv with eps=0: nn((1+eps)*x + sum_{j in N(i)} x_j)
    msgs = jnp.take(x, src, axis=0)
    agg = jax.ops.segment_sum(msgs, dst, num_segments=num_nodes)
    return (x + agg) @ W + b


def reference(x, edge_index, W1, b1, W2, b2):
    src = edge_index[0]
    dst = edge_index[1]
    n = x.shape[0]
    h = _gin_conv(x, src, dst, W1, b1, n)
    h = jax.nn.relu(h)
    out = _gin_conv(h, src, dst, W2, b2, n)
    return out

if __name__ == "__main__":
    import jax
    _d = setup_inputs()
    print(jax.jit(kernel)(*tuple(_d.values())))

</pallas_src>

<mosaic_0001>
#map = affine_map<(d0, d1) -> (0, 0)>
#map1 = affine_map<(d0, d1) -> (0, 0, 0, 0)>
module attributes {stable_mosaic.version = 14 : i64} {
  func.func @_agg_body(%arg0: i32, %arg1: i32, %arg2: memref<10000x128xf32, #tpu.memory_space<hbm>>, %arg3: memref<16x19x8x128xi32, #tpu.memory_space<hbm>>, %arg4: memref<16x19x8x128xi32, #tpu.memory_space<hbm>>, %arg5: memref<16x1x8x128xi32, #tpu.memory_space<hbm>>, %arg6: memref<16x1x8x128xi32, #tpu.memory_space<hbm>>, %arg7: memref<10240x128xf32, #tpu.memory_space<hbm>>, %arg8: memref<10240x128xf32, #tpu.memory_space<hbm>>, %arg9: memref<8x128xi32, #tpu.memory_space<vmem>>, %arg10: memref<8x128xi32, #tpu.memory_space<vmem>>, %arg11: memref<128x128xf32, #tpu.memory_space<vmem>>, %arg12: memref<128x128xf32, #tpu.memory_space<vmem>>, %arg13: memref<10240x128xf32, #tpu.memory_space<vmem_shared>>, %arg14: memref<!tpu.dma_semaphore, #tpu.memory_space<semaphore_mem>>, %arg15: memref<!tpu.dma_semaphore, #tpu.memory_space<semaphore_mem>>) attributes {dimension_semantics = [#tpu.dimension_semantics<core_parallel>, #tpu.dimension_semantics<subcore_parallel>], iteration_bounds = array<i64: 2, 16>, scalar_prefetch = 0 : i64, scratch_operands = 7 : i64, tpu.core_type = #tpu.core_type<sc_vector_subcore>, window_params = [{transform_indices = #map}, {transform_indices = #map1}, {transform_indices = #map1}, {transform_indices = #map1}, {transform_indices = #map1}, {transform_indices = #map}, {transform_indices = #map}]} {
    %scan3A = arith.constant 0 : i32
    %scan3A_0 = arith.constant 128 : i32
    %scan3A_1 = arith.addi %scan3A, %scan3A_0 : i32
    %scan3A_2 = arith.constant 1 : i32
    scf.for %scan3A_28 = %scan3A to %scan3A_1 step %scan3A_2  : i32 {
      %mul3A_29 = arith.constant 1 : i32
      %mul3A_30 = arith.muli %scan3A_28, %mul3A_29 : i32
      %add3A = arith.constant 0 : i32
      %add3A_31 = arith.addi %add3A, %mul3A_30 : i32
      %scan3A_32 = arith.constant 0 : i32
      %scan3A_33 = arith.constant 8 : i32
      %scan3A_34 = arith.addi %scan3A_32, %scan3A_33 : i32
      %scan3A_35 = arith.constant 1 : i32
      scf.for %scan3A_37 = %scan3A_32 to %scan3A_34 step %scan3A_35  : i32 {
        %mul3A_38 = arith.constant 16 : i32
        %mul3A_39 = arith.muli %scan3A_37, %mul3A_38 : i32
        %add3A_40 = arith.constant 0 : i32
        %add3A_41 = arith.addi %add3A_40, %mul3A_39 : i32
        %broadcast_in_dim3A = arith.constant 0.000000e+00 : f32
        %broadcast_in_dim3A_42 = vector.broadcast %broadcast_in_dim3A : f32 to vector<16xf32>
        %swap3A = arith.index_cast %add3A_31 : i32 to index
        %swap3A_43 = arith.index_cast %add3A_41 : i32 to index
        %swap3A_44 = tpu.vector_load %arg11[%swap3A, %swap3A_43] {strides = array<i32>} : memref<128x128xf32, #tpu.memory_space<vmem>>, vector<1x16xf32>,
        %swap3A_45 = vector.shape_cast %swap3A_44 : vector<1x16xf32> to vector<16xf32>
        %swap3A_46 = vector.shape_cast %broadcast_in_dim3A_42 : vector<16xf32> to vector<1x16xf32>
        tpu.vector_store %arg11[%swap3A, %swap3A_43], %swap3A_46 {strides = array<i32>} : memref<128x128xf32, #tpu.memory_space<vmem>>, vector<1x16xf32>,
      }
      %scan3A_36 = arith.constant 8 : i32
    }
    %scan3A_3 = arith.constant 128 : i32
    %scan3A_4 = arith.constant 0 : i32
    %scan3A_5 = arith.constant 5 : i32
    %scan3A_6 = arith.addi %scan3A_4, %scan3A_5 : i32
    %scan3A_7 = arith.constant 1 : i32
    scf.for %scan3A_28 = %scan3A_4 to %scan3A_6 step %scan3A_7  : i32 {
      %mul3A_29 = arith.constant 1 : i32
      %mul3A_30 = arith.muli %scan3A_28, %mul3A_29 : i32
      %add3A = arith.constant 0 : i32
      %add3A_31 = arith.addi %add3A, %mul3A_30 : i32
      %mul3A_32 = arith.constant 640 : i32
      %mul3A_33 = arith.muli %arg1, %mul3A_32 : i32
      %mul3A_34 = arith.constant 128 : i32
      %mul3A_35 = arith.muli %add3A_31, %mul3A_34 : i32
      %add3A_36 = arith.addi %mul3A_33, %mul3A_35 : i32
      %multiple_of3A_37 = tpu.assume_multiple %add3A_36, 8 : i32
      "tpu.region"() ({
        %run_scoped3A = tpu.sem_alloc : memref<!tpu.dma_semaphore, #tpu.memory_space<semaphore_mem>>
        %dma_start3A = arith.constant 0 : i32
        %dma_start3A_38 = tpu.memref_slice %arg13[%multiple_of3A_37, %dma_start3A] : memref<10240x128xf32, #tpu.memory_space<vmem_shared>> -> memref<128x128xf32, #tpu.memory_space<vmem_shared>>
        %dma_start3A_39 = arith.constant 0 : i32
        %dma_start3A_40 = tpu.memref_slice %arg13[%multiple_of3A_37, %dma_start3A_39] : memref<10240x128xf32, #tpu.memory_space<vmem_shared>> -> memref<128x128xf32, #tpu.memory_space<vmem_shared>>
        tpu.enqueue_dma source(%arg11 : memref<128x128xf32, #tpu.memory_space<vmem>>) target(%dma_start3A_40 : memref<128x128xf32, #tpu.memory_space<vmem_shared>>) target_semaphore(%run_scoped3A : memref<!tpu.dma_semaphore, #tpu.memory_space<semaphore_mem>>)
        %dma_wait3A = arith.constant 0 : i32
        %dma_wait3A_41 = tpu.memref_slice %arg13[%multiple_of3A_37, %dma_wait3A] : memref<10240x128xf32, #tpu.memory_space<vmem_shared>> -> memref<128x128xf32, #tpu.memory_space<vmem_shared>>
        %dma_wait3A_42 = arith.constant 0 : i32
        %dma_wait3A_43 = tpu.memref_slice %arg13[%multiple_of3A_37, %dma_wait3A_42] : memref<10240x128xf32, #tpu.memory_space<vmem_shared>> -> memref<128x128xf32, #tpu.memory_space<vmem_shared>>
        tpu.wait_dma2 semaphore(%run_scoped3A : memref<!tpu.dma_semaphore, #tpu.memory_space<semaphore_mem>>) src(%arg11 : memref<128x128xf32, #tpu.memory_space<vmem>>) dst(%dma_wait3A_43 : memref<128x128xf32, #tpu.memory_space<vmem_shared>>)
        tpu.yield
      }) : () -> ()
    }
    %scan3A_8 = arith.constant 5 : i32
    %barrier3A = arith.constant 0 : index
    tpu.barrier barrier_id(%barrier3A)
    %eq3A = arith.constant 0 : i32
    %eq3A_9 = arith.cmpi eq, %arg0, %eq3A : i32
    %convert_element_type3A = arith.extui %eq3A_9 : i1 to i32
    %cond3A = arith.constant 0 : i32
    %cond3A_10 = arith.cmpi ne, %convert_element_type3A, %cond3A : i32
    scf.if %cond3A_10 {
      %scan3A_28 = arith.constant 0 : i32
      %scan3A_29 = arith.constant 19 : i32
      %scan3A_30 = arith.addi %scan3A_28, %scan3A_29 : i32
      %scan3A_31 = arith.constant 1 : i32
      scf.for %scan3A_33 = %scan3A_28 to %scan3A_30 step %scan3A_31  : i32 {
        %mul3A_34 = arith.constant 1 : i32
        %mul3A_35 = arith.muli %scan3A_33, %mul3A_34 : i32
        %add3A = arith.constant 0 : i32
        %add3A_36 = arith.addi %add3A, %mul3A_35 : i32
        "tpu.region"() ({
          %run_scoped3A_154 = tpu.sem_alloc : memref<!tpu.dma_semaphore, #tpu.memory_space<semaphore_mem>>
          %dma_start3A_155 = arith.constant 0 : i32
          %dma_start3A_156 = arith.constant 0 : i32
          %dma_start3A_157 = arith.constant 0 : i32
          %dma_start3A_158 = tpu.memref_slice %arg3[%arg1, %dma_start3A_155, %dma_start3A_156, %dma_start3A_157] : memref<16x19x8x128xi32, #tpu.memory_space<hbm>> -> memref<1x19x8x128xi32, #tpu.memory_space<hbm>>
          %dma_start3A_159 = tpu.memref_squeeze %dma_start3A_158 : memref<1x19x8x128xi32, #tpu.memory_space<hbm>> -> memref<19x8x128xi32, #tpu.memory_space<hbm>>
          %dma_start3A_160 = arith.constant 0 : i32
          %dma_start3A_161 = arith.constant 0 : i32
          %dma_start3A_162 = tpu.memref_slice %dma_start3A_159[%add3A_36, %dma_start3A_160, %dma_start3A_161] : memref<19x8x128xi32, #tpu.memory_space<hbm>> -> memref<1x8x128xi32, #tpu.memory_space<hbm>>
          %dma_start3A_163 = tpu.memref_squeeze %dma_start3A_162 : memref<1x8x128xi32, #tpu.memory_space<hbm>> -> memref<8x128xi32, #tpu.memory_space<hbm>>
          %dma_start3A_164 = arith.constant 0 : i32
          %dma_start3A_165 = arith.constant 0 : i32
          %dma_start3A_166 = arith.constant 0 : i32
          %dma_start3A_167 = tpu.memref_slice %arg3[%arg1, %dma_start3A_164, %dma_start3A_165, %dma_start3A_166] : memref<16x19x8x128xi32, #tpu.memory_space<hbm>> -> memref<1x19x8x128xi32, #tpu.memory_space<hbm>>
          %dma_start3A_168 = tpu.memref_squeeze %dma_start3A_167 : memref<1x19x8x128xi32, #tpu.memory_space<hbm>> -> memref<19x8x128xi32, #tpu.memory_space<hbm>>
          %dma_start3A_169 = arith.constant 0 : i32
          %dma_start3A_170 = arith.constant 0 : i32
          %dma_start3A_171 = tpu.memref_slice %dma_start3A_168[%add3A_36, %dma_start3A_169, %dma_start3A_170] : memref<19x8x128xi32, #tpu.memory_space<hbm>> -> memref<1x8x128xi32, #tpu.memory_space<hbm>>
          %dma_start3A_172 = tpu.memref_squeeze %dma_start3A_171 : memref<1x8x128xi32, #tpu.memory_space<hbm>> -> memref<8x128xi32, #tpu.memory_space<hbm>>
          tpu.enqueue_dma source(%dma_start3A_172 : memref<8x128xi32, #tpu.memory_space<hbm>>) target(%arg9 : memref<8x128xi32, #tpu.memory_space<vmem>>) target_semaphore(%run_scoped3A_154 : memref<!tpu.dma_semaphore, #tpu.memory_space<semaphore_mem>>)
          %dma_wait3A_173 = arith.constant 0 : i32
          %dma_wait3A_174 = arith.constant 0 : i32
          %dma_wait3A_175 = arith.constant 0 : i32
          %dma_wait3A_176 = tpu.memref_slice %arg3[%arg1, %dma_wait3A_173, %dma_wait3A_174, %dma_wait3A_175] : memref<16x19x8x128xi32, #tpu.memory_space<hbm>> -> memref<1x19x8x128xi32, #tpu.memory_space<hbm>>
          %dma_wait3A_177 = tpu.memref_squeeze %dma_wait3A_176 : memref<1x19x8x128xi32, #tpu.memory_space<hbm>> -> memref<19x8x128xi32, #tpu.memory_space<hbm>>
          %dma_wait3A_178 = arith.constant 0 : i32
          %dma_wait3A_179 = arith.constant 0 : i32
          %dma_wait3A_180 = tpu.memref_slice %dma_wait3A_177[%add3A_36, %dma_wait3A_178, %dma_wait3A_179] : memref<19x8x128xi32, #tpu.memory_space<hbm>> -> memref<1x8x128xi32, #tpu.memory_space<hbm>>
          %dma_wait3A_181 = tpu.memref_squeeze %dma_wait3A_180 : memref<1x8x128xi32, #tpu.memory_space<hbm>> -> memref<8x128xi32, #tpu.memory_space<hbm>>
          %dma_wait3A_182 = arith.constant 0 : i32
          %dma_wait3A_183 = arith.constant 0 : i32
          %dma_wait3A_184 = arith.constant 0 : i32
          %dma_wait3A_185 = tpu.memref_slice %arg3[%arg1, %dma_wait3A_182, %dma_wait3A_183, %dma_wait3A_184] : memref<16x19x8x128xi32, #tpu.memory_space<hbm>> -> memref<1x19x8x128xi32, #tpu.memory_space<hbm>>
          %dma_wait3A_186 = tpu.memref_squeeze %dma_wait3A_185 : memref<1x19x8x128xi32, #tpu.memory_space<hbm>> -> memref<19x8x128xi32, #tpu.memory_space<hbm>>
          %dma_wait3A_187 = arith.constant 0 : i32
          %dma_wait3A_188 = arith.constant 0 : i32
          %dma_wait3A_189 = tpu.memref_slice %dma_wait3A_186[%add3A_36, %dma_wait3A_187, %dma_wait3A_188] : memref<19x8x128xi32, #tpu.memory_space<hbm>> -> memref<1x8x128xi32, #tpu.memory_space<hbm>>
          %dma_wait3A_190 = tpu.memref_squeeze %dma_wait3A_189 : memref<1x8x128xi32, #tpu.memory_space<hbm>> -> memref<8x128xi32, #tpu.memory_space<hbm>>
          tpu.wait_dma2 semaphore(%run_scoped3A_154 : memref<!tpu.dma_semaphore, #tpu.memory_space<semaphore_mem>>) src(%dma_wait3A_190 : memref<8x128xi32, #tpu.memory_space<hbm>>) dst(%arg9 : memref<8x128xi32, #tpu.memory_space<vmem>>)
          tpu.yield
        }) : () -> ()
        "tpu.region"() ({
          %run_scoped3A_154 = tpu.sem_alloc : memref<!tpu.dma_semaphore, #tpu.memory_space<semaphore_mem>>
          %dma_start3A_155 = arith.constant 0 : i32
          %dma_start3A_156 = arith.constant 0 : i32
          %dma_start3A_157 = arith.constant 0 : i32
          %dma_start3A_158 = tpu.memref_slice %arg4[%arg1, %dma_start3A_155, %dma_start3A_156, %dma_start3A_157] : memref<16x19x8x128xi32, #tpu.memory_space<hbm>> -> memref<1x19x8x128xi32, #tpu.memory_space<hbm>>
          %dma_start3A_159 = tpu.memref_squeeze %dma_start3A_158 : memref<1x19x8x128xi32, #tpu.memory_space<hbm>> -> memref<19x8x128xi32, #tpu.memory_space<hbm>>
          %dma_start3A_160 = arith.constant 0 : i32
          %dma_start3A_161 = arith.constant 0 : i32
          %dma_start3A_162 = tpu.memref_slice %dma_start3A_159[%add3A_36, %dma_start3A_160, %dma_start3A_161] : memref<19x8x128xi32, #tpu.memory_space<hbm>> -> memref<1x8x128xi32, #tpu.memory_space<hbm>>
          %dma_start3A_163 = tpu.memref_squeeze %dma_start3A_162 : memref<1x8x128xi32, #tpu.memory_space<hbm>> -> memref<8x128xi32, #tpu.memory_space<hbm>>
          %dma_start3A_164 = arith.constant 0 : i32
          %dma_start3A_165 = arith.constant 0 : i32
          %dma_start3A_166 = arith.constant 0 : i32
          %dma_start3A_167 = tpu.memref_slice %arg4[%arg1, %dma_start3A_164, %dma_start3A_165, %dma_start3A_166] : memref<16x19x8x128xi32, #tpu.memory_space<hbm>> -> memref<1x19x8x128xi32, #tpu.memory_space<hbm>>
          %dma_start3A_168 = tpu.memref_squeeze %dma_start3A_167 : memref<1x19x8x128xi32, #tpu.memory_space<hbm>> -> memref<19x8x128xi32, #tpu.memory_space<hbm>>
          %dma_start3A_169 = arith.constant 0 : i32
          %dma_start3A_170 = arith.constant 0 : i32
          %dma_start3A_171 = tpu.memref_slice %dma_start3A_168[%add3A_36, %dma_start3A_169, %dma_start3A_170] : memref<19x8x128xi32, #tpu.memory_space<hbm>> -> memref<1x8x128xi32, #tpu.memory_space<hbm>>
          %dma_start3A_172 = tpu.memref_squeeze %dma_start3A_171 : memref<1x8x128xi32, #tpu.memory_space<hbm>> -> memref<8x128xi32, #tpu.memory_space<hbm>>
          tpu.enqueue_dma source(%dma_start3A_172 : memref<8x128xi32, #tpu.memory_space<hbm>>) target(%arg10 : memref<8x128xi32, #tpu.memory_space<vmem>>) target_semaphore(%run_scoped3A_154 : memref<!tpu.dma_semaphore, #tpu.memory_space<semaphore_mem>>)
          %dma_wait3A_173 = arith.constant 0 : i32
          %dma_wait3A_174 = arith.constant 0 : i32
          %dma_wait3A_175 = arith.constant 0 : i32
          %dma_wait3A_176 = tpu.memref_slice %arg4[%arg1, %dma_wait3A_173, %dma_wait3A_174, %dma_wait3A_175] : memref<16x19x8x128xi32, #tpu.memory_space<hbm>> -> memref<1x19x8x128xi32, #tpu.memory_space<hbm>>
          %dma_wait3A_177 = tpu.memref_squeeze %dma_wait3A_176 : memref<1x19x8x128xi32, #tpu.memory_space<hbm>> -> memref<19x8x128xi32, #tpu.memory_space<hbm>>
          %dma_wait3A_178 = arith.constant 0 : i32
          %dma_wait3A_179 = arith.constant 0 : i32
          %dma_wait3A_180 = tpu.memref_slice %dma_wait3A_177[%add3A_36, %dma_wait3A_178, %dma_wait3A_179] : memref<19x8x128xi32, #tpu.memory_space<hbm>> -> memref<1x8x128xi32, #tpu.memory_space<hbm>>
          %dma_wait3A_181 = tpu.memref_squeeze %dma_wait3A_180 : memref<1x8x128xi32, #tpu.memory_space<hbm>> -> memref<8x128xi32, #tpu.memory_space<hbm>>
          %dma_wait3A_182 = arith.constant 0 : i32
          %dma_wait3A_183 = arith.constant 0 : i32
          %dma_wait3A_184 = arith.constant 0 : i32
          %dma_wait3A_185 = tpu.memref_slice %arg4[%arg1, %dma_wait3A_182, %dma_wait3A_183, %dma_wait3A_184] : memref<16x19x8x128xi32, #tpu.memory_space<hbm>> -> memref<1x19x8x128xi32, #tpu.memory_space<hbm>>
          %dma_wait3A_186 = tpu.memref_squeeze %dma_wait3A_185 : memref<1x19x8x128xi32, #tpu.memory_space<hbm>> -> memref<19x8x128xi32, #tpu.memory_space<hbm>>
          %dma_wait3A_187 = arith.constant 0 : i32
          %dma_wait3A_188 = arith.constant 0 : i32
          %dma_wait3A_189 = tpu.memref_slice %dma_wait3A_186[%add3A_36, %dma_wait3A_187, %dma_wait3A_188] : memref<19x8x128xi32, #tpu.memory_space<hbm>> -> memref<1x8x128xi32, #tpu.memory_space<hbm>>
          %dma_wait3A_190 = tpu.memref_squeeze %dma_wait3A_189 : memref<1x8x128xi32, #tpu.memory_space<hbm>> -> memref<8x128xi32, #tpu.memory_space<hbm>>
          tpu.wait_dma2 semaphore(%run_scoped3A_154 : memref<!tpu.dma_semaphore, #tpu.memory_space<semaphore_mem>>) src(%dma_wait3A_190 : memref<8x128xi32, #tpu.memory_space<hbm>>) dst(%arg10 : memref<8x128xi32, #tpu.memory_space<vmem>>)
          tpu.yield
        }) : () -> ()
        %dma_start3A = arith.constant 0 : i32
        %dma_start3A_37 = arith.constant 0 : i32
        %dma_start3A_38 = tpu.memref_slice %arg9[%dma_start3A, %dma_start3A_37] : memref<8x128xi32, #tpu.memory_space<vmem>> -> memref<1x128xi32, #tpu.memory_space<vmem>>
        %dma_start3A_39 = tpu.memref_squeeze %dma_start3A_38 : memref<1x128xi32, #tpu.memory_space<vmem>> -> memref<128xi32, #tpu.memory_space<vmem>>
        %dma_start3A_40 = arith.constant 0 : i32
        %dma_start3A_41 = arith.constant 0 : i32
        %dma_start3A_42 = tpu.memref_slice %arg2[%dma_start3A_40, %dma_start3A_41] : memref<10000x128xf32, #tpu.memory_space<hbm>> -> memref<10000x128xf32, #tpu.memory_space<hbm>>
        tpu.enqueue_indirect_dma source(%dma_start3A_42 : memref<10000x128xf32, #tpu.memory_space<hbm>>) target(%arg11 : memref<128x128xf32, #tpu.memory_space<vmem>>) offsets(%dma_start3A_39 : memref<128xi32, #tpu.memory_space<vmem>>) semaphore(%arg14 : memref<!tpu.dma_semaphore, #tpu.memory_space<semaphore_mem>>)
        %dma_start3A_43 = arith.constant 1 : i32
        %dma_start3A_44 = arith.constant 0 : i32
        %dma_start3A_45 = tpu.memref_slice %arg9[%dma_start3A_43, %dma_start3A_44] : memref<8x128xi32, #tpu.memory_space<vmem>> -> memref<1x128xi32, #tpu.memory_space<vmem>>
        %dma_start3A_46 = tpu.memref_squeeze %dma_start3A_45 : memref<1x128xi32, #tpu.memory_space<vmem>> -> memref<128xi32, #tpu.memory_space<vmem>>
        %dma_start3A_47 = arith.constant 0 : i32
        %dma_start3A_48 = arith.constant 0 : i32
        %dma_start3A_49 = tpu.memref_slice %arg2[%dma_start3A_47, %dma_start3A_48] : memref<10000x128xf32, #tpu.memory_space<hbm>> -> memref<10000x128xf32, #tpu.memory_space<hbm>>
        tpu.enqueue_indirect_dma source(%dma_start3A_49 : memref<10000x128xf32, #tpu.memory_space<hbm>>) target(%arg12 : memref<128x128xf32, #tpu.memory_space<vmem>>) offsets(%dma_start3A_46 : memref<128xi32, #tpu.memory_space<vmem>>) semaphore(%arg15 : memref<!tpu.dma_semaphore, #tpu.memory_space<semaphore_mem>>)
        %dma_wait3A = arith.constant 0 : i32
        %dma_wait3A_50 = arith.constant 0 : i32
        %dma_wait3A_51 = tpu.memref_slice %arg9[%dma_wait3A, %dma_wait3A_50] : memref<8x128xi32, #tpu.memory_space<vmem>> -> memref<1x128xi32, #tpu.memory_space<vmem>>
        %dma_wait3A_52 = tpu.memref_squeeze %dma_wait3A_51 : memref<1x128xi32, #tpu.memory_space<vmem>> -> memref<128xi32, #tpu.memory_space<vmem>>
        %dma_wait3A_53 = arith.constant 0 : i32
        %dma_wait3A_54 = arith.constant 0 : i32
        %dma_wait3A_55 = tpu.memref_slice %arg2[%dma_wait3A_53, %dma_wait3A_54] : memref<10000x128xf32, #tpu.memory_space<hbm>> -> memref<10000x128xf32, #tpu.memory_space<hbm>>
        tpu.wait_indirect_dma semaphore(%arg14 : memref<!tpu.dma_semaphore, #tpu.memory_space<semaphore_mem>>) src(%dma_wait3A_55 : memref<10000x128xf32, #tpu.memory_space<hbm>>) dst(%arg11 : memref<128x128xf32, #tpu.memory_space<vmem>>)
        %run_scoped3A = arith.constant 0 : i32
        "tpu.region"() ({
          %run_scoped3A_154 = tpu.sem_alloc : memref<!tpu.dma_semaphore, #tpu.memory_space<semaphore_mem>>
          %dma_start3A_155 = arith.constant 0 : i32
          %dma_start3A_156 = tpu.memref_slice %arg10[%run_scoped3A, %dma_start3A_155] : memref<8x128xi32, #tpu.memory_space<vmem>> -> memref<1x128xi32, #tpu.memory_space<vmem>>
          %dma_start3A_157 = tpu.memref_squeeze %dma_start3A_156 : memref<1x128xi32, #tpu.memory_space<vmem>> -> memref<128xi32, #tpu.memory_space<vmem>>
          %dma_start3A_158 = arith.constant 0 : i32
          %dma_start3A_159 = arith.constant 0 : i32
          %dma_start3A_160 = tpu.memref_slice %arg13[%dma_start3A_158, %dma_start3A_159] : memref<10240x128xf32, #tpu.memory_space<vmem_shared>> -> memref<10240x128xf32, #tpu.memory_space<vmem_shared>>
          tpu.enqueue_indirect_dma source(%arg11 : memref<128x128xf32, #tpu.memory_space<vmem>>) target(%dma_start3A_160 : memref<10240x128xf32, #tpu.memory_space<vmem_shared>>) offsets(%dma_start3A_157 : memref<128xi32, #tpu.memory_space<vmem>>) semaphore(%run_scoped3A_154 : memref<!tpu.dma_semaphore, #tpu.memory_space<semaphore_mem>>) {add = true}
          %dma_wait3A_161 = arith.constant 0 : i32
          %dma_wait3A_162 = tpu.memref_slice %arg10[%run_scoped3A, %dma_wait3A_161] : memref<8x128xi32, #tpu.memory_space<vmem>> -> memref<1x128xi32, #tpu.memory_space<vmem>>
          %dma_wait3A_163 = tpu.memref_squeeze %dma_wait3A_162 : memref<1x128xi32, #tpu.memory_space<vmem>> -> memref<128xi32, #tpu.memory_space<vmem>>
          %dma_wait3A_164 = arith.constant 0 : i32
          %dma_wait3A_165 = arith.constant 0 : i32
          %dma_wait3A_166 = tpu.memref_slice %arg13[%dma_wait3A_164, %dma_wait3A_165] : memref<10240x128xf32, #tpu.memory_space<vmem_shared>> -> memref<10240x128xf32, #tpu.memory_space<vmem_shared>>
          tpu.wait_indirect_dma semaphore(%run_scoped3A_154 : memref<!tpu.dma_semaphore, #tpu.memory_space<semaphore_mem>>) src(%arg11 : memref<128x128xf32, #tpu.memory_space<vmem>>) dst(%dma_wait3A_166 : memref<10240x128xf32, #tpu.memory_space<vmem_shared>>)
          tpu.yield
        }) : () -> ()
        %dma_start3A_56 = arith.constant 2 : i32
        %dma_start3A_57 = arith.constant 0 : i32
        %dma_start3A_58 = tpu.memref_slice %arg9[%dma_start3A_56, %dma_start3A_57] : memref<8x128xi32, #tpu.memory_space<vmem>> -> memref<1x128xi32, #tpu.memory_space<vmem>>
        %dma_start3A_59 = tpu.memref_squeeze %dma_start3A_58 : memref<1x128xi32, #tpu.memory_space<vmem>> -> memref<128xi32, #tpu.memory_space<vmem>>
        %dma_start3A_60 = arith.constant 0 : i32
        %dma_start3A_61 = arith.constant 0 : i32
        %dma_start3A_62 = tpu.memref_slice %arg2[%dma_start3A_60, %dma_start3A_61] : memref<10000x128xf32, #tpu.memory_space<hbm>> -> memref<10000x128xf32, #tpu.memory_space<hbm>>
        tpu.enqueue_indirect_dma source(%dma_start3A_62 : memref<10000x128xf32, #tpu.memory_space<hbm>>) target(%arg11 : memref<128x128xf32, #tpu.memory_space<vmem>>) offsets(%dma_start3A_59 : memref<128xi32, #tpu.memory_space<vmem>>) semaphore(%arg14 : memref<!tpu.dma_semaphore, #tpu.memory_space<semaphore_mem>>)
        %dma_wait3A_63 = arith.constant 1 : i32
        %dma_wait3A_64 = arith.constant 0 : i32
        %dma_wait3A_65 = tpu.memref_slice %arg9[%dma_wait3A_63, %dma_wait3A_64] : memref<8x128xi32, #tpu.memory_space<vmem>> -> memref<1x128xi32, #tpu.memory_space<vmem>>
        %dma_wait3A_66 = tpu.memref_squeeze %dma_wait3A_65 : memref<1x128xi32, #tpu.memory_space<vmem>> -> memref<128xi32, #tpu.memory_space<vmem>>
        %dma_wait3A_67 = arith.constant 0 : i32
        %dma_wait3A_68 = arith.constant 0 : i32
        %dma_wait3A_69 = tpu.memref_slice %arg2[%dma_wait3A_67, %dma_wait3A_68] : memref<10000x128xf32, #tpu.memory_space<hbm>> -> memref<10000x128xf32, #tpu.memory_space<hbm>>
        tpu.wait_indirect_dma semaphore(%arg15 : memref<!tpu.dma_semaphore, #tpu.memory_space<semaphore_mem>>) src(%dma_wait3A_69 : memref<10000x128xf32, #tpu.memory_space<hbm>>) dst(%arg12 : memref<128x128xf32, #tpu.memory_space<vmem>>)
        %run_scoped3A_70 = arith.constant 1 : i32
        "tpu.region"() ({
          %run_scoped3A_154 = tpu.sem_alloc : memref<!tpu.dma_semaphore, #tpu.memory_space<semaphore_mem>>
          %dma_start3A_155 = arith.constant 0 : i32
          %dma_start3A_156 = tpu.memref_slice %arg10[%run_scoped3A_70, %dma_start3A_155] : memref<8x128xi32, #tpu.memory_space<vmem>> -> memref<1x128xi32, #tpu.memory_space<vmem>>
          %dma_start3A_157 = tpu.memref_squeeze %dma_start3A_156 : memref<1x128xi32, #tpu.memory_space<vmem>> -> memref<128xi32, #tpu.memory_space<vmem>>
          %dma_start3A_158 = arith.constant 0 : i32
          %dma_start3A_159 = arith.constant 0 : i32
          %dma_start3A_160 = tpu.memref_slice %arg13[%dma_start3A_158, %dma_start3A_159] : memref<10240x128xf32, #tpu.memory_space<vmem_shared>> -> memref<10240x128xf32, #tpu.memory_space<vmem_shared>>
          tpu.enqueue_indirect_dma source(%arg12 : memref<128x128xf32, #tpu.memory_space<vmem>>) target(%dma_start3A_160 : memref<10240x128xf32, #tpu.memory_space<vmem_shared>>) offsets(%dma_start3A_157 : memref<128xi32, #tpu.memory_space<vmem>>) semaphore(%run_scoped3A_154 : memref<!tpu.dma_semaphore, #tpu.memory_space<semaphore_mem>>) {add = true}
          %dma_wait3A_161 = arith.constant 0 : i32
          %dma_wait3A_162 = tpu.memref_slice %arg10[%run_scoped3A_70, %dma_wait3A_161] : memref<8x128xi32, #tpu.memory_space<vmem>> -> memref<1x128xi32, #tpu.memory_space<vmem>>
          %dma_wait3A_163 = tpu.memref_squeeze %dma_wait3A_162 : memref<1x128xi32, #tpu.memory_space<vmem>> -> memref<128xi32, #tpu.memory_space<vmem>>
          %dma_wait3A_164 = arith.constant 0 : i32
          %dma_wait3A_165 = arith.constant 0 : i32
          %dma_wait3A_166 = tpu.memref_slice %arg13[%dma_wait3A_164, %dma_wait3A_165] : memref<10240x128xf32, #tpu.memory_space<vmem_shared>> -> memref<10240x128xf32, #tpu.memory_space<vmem_shared>>
          tpu.wait_indirect_dma semaphore(%run_scoped3A_154 : memref<!tpu.dma_semaphore, #tpu.memory_space<semaphore_mem>>) src(%arg12 : memref<128x128xf32, #tpu.memory_space<vmem>>) dst(%dma_wait3A_166 : memref<10240x128xf32, #tpu.memory_space<vmem_shared>>)
          tpu.yield
        }) : () -> ()
        %dma_start3A_71 = arith.constant 3 : i32
        %dma_start3A_72 = arith.constant 0 : i32
        %dma_start3A_73 = tpu.memref_slice %arg9[%dma_start3A_71, %dma_start3A_72] : memref<8x128xi32, #tpu.memory_space<vmem>> -> memref<1x128xi32, #tpu.memory_space<vmem>>
        %dma_start3A_74 = tpu.memref_squeeze %dma_start3A_73 : memref<1x128xi32, #tpu.memory_space<vmem>> -> memref<128xi32, #tpu.memory_space<vmem>>
        %dma_start3A_75 = arith.constant 0 : i32
        %dma_start3A_76 = arith.constant 0 : i32
        %dma_start3A_77 = tpu.memref_slice %arg2[%dma_start3A_75, %dma_start3A_76] : memref<10000x128xf32, #tpu.memory_space<hbm>> -> memref<10000x128xf32, #tpu.memory_space<hbm>>
        tpu.enqueue_indirect_dma source(%dma_start3A_77 : memref<10000x128xf32, #tpu.memory_space<hbm>>) target(%arg12 : memref<128x128xf32, #tpu.memory_space<vmem>>) offsets(%dma_start3A_74 : memref<128xi32, #tpu.memory_space<vmem>>) semaphore(%arg15 : memref<!tpu.dma_semaphore, #tpu.memory_space<semaphore_mem>>)
        %dma_wait3A_78 = arith.constant 2 : i32
        %dma_wait3A_79 = arith.constant 0 : i32
        %dma_wait3A_80 = tpu.memref_slice %arg9[%dma_wait3A_78, %dma_wait3A_79] : memref<8x128xi32, #tpu.memory_space<vmem>> -> memref<1x128xi32, #tpu.memory_space<vmem>>
        %dma_wait3A_81 = tpu.memref_squeeze %dma_wait3A_80 : memref<1x128xi32, #tpu.memory_space<vmem>> -> memref<128xi32, #tpu.memory_space<vmem>>
        %dma_wait3A_82 = arith.constant 0 : i32
        %dma_wait3A_83 = arith.constant 0 : i32
        %dma_wait3A_84 = tpu.memref_slice %arg2[%dma_wait3A_82, %dma_wait3A_83] : memref<10000x128xf32, #tpu.memory_space<hbm>> -> memref<10000x128xf32, #tpu.memory_space<hbm>>
        tpu.wait_indirect_dma semaphore(%arg14 : memref<!tpu.dma_semaphore, #tpu.memory_space<semaphore_mem>>) src(%dma_wait3A_84 : memref<10000x128xf32, #tpu.memory_space<hbm>>) dst(%arg11 : memref<128x128xf32, #tpu.memory_space<vmem>>)
        %run_scoped3A_85 = arith.constant 2 : i32
        "tpu.region"() ({
          %run_scoped3A_154 = tpu.sem_alloc : memref<!tpu.dma_semaphore, #tpu.memory_space<semaphore_mem>>
          %dma_start3A_155 = arith.constant 0 : i32
          %dma_start3A_156 = tpu.memref_slice %arg10[%run_scoped3A_85, %dma_start3A_155] : memref<8x128xi32, #tpu.memory_space<vmem>> -> memref<1x128xi32, #tpu.memory_space<vmem>>
          %dma_start3A_157 = tpu.memref_squeeze %dma_start3A_156 : memref<1x128xi32, #tpu.memory_space<vmem>> -> memref<128xi32, #tpu.memory_space<vmem>>
          %dma_start3A_158 = arith.constant 0 : i32
          %dma_start3A_159 = arith.constant 0 : i32
          %dma_start3A_160 = tpu.memref_slice %arg13[%dma_start3A_158, %dma_start3A_159] : memref<10240x128xf32, #tpu.memory_space<vmem_shared>> -> memref<10240x128xf32, #tpu.memory_space<vmem_shared>>
          tpu.enqueue_indirect_dma source(%arg11 : memref<128x128xf32, #tpu.memory_space<vmem>>) target(%dma_start3A_160 : memref<10240x128xf32, #tpu.memory_space<vmem_shared>>) offsets(%dma_start3A_157 : memref<128xi32, #tpu.memory_space<vmem>>) semaphore(%run_scoped3A_154 : memref<!tpu.dma_semaphore, #tpu.memory_space<semaphore_mem>>) {add = true}
          %dma_wait3A_161 = arith.constant 0 : i32
          %dma_wait3A_162 = tpu.memref_slice %arg10[%run_scoped3A_85, %dma_wait3A_161] : memref<8x128xi32, #tpu.memory_space<vmem>> -> memref<1x128xi32, #tpu.memory_space<vmem>>
          %dma_wait3A_163 = tpu.memref_squeeze %dma_wait3A_162 : memref<1x128xi32, #tpu.memory_space<vmem>> -> memref<128xi32, #tpu.memory_space<vmem>>
          %dma_wait3A_164 = arith.constant 0 : i32
          %dma_wait3A_165 = arith.constant 0 : i32
          %dma_wait3A_166 = tpu.memref_slice %arg13[%dma_wait3A_164, %dma_wait3A_165] : memref<10240x128xf32, #tpu.memory_space<vmem_shared>> -> memref<10240x128xf32, #tpu.memory_space<vmem_shared>>
          tpu.wait_indirect_dma semaphore(%run_scoped3A_154 : memref<!tpu.dma_semaphore, #tpu.memory_space<semaphore_mem>>) src(%arg11 : memref<128x128xf32, #tpu.memory_space<vmem>>) dst(%dma_wait3A_166 : memref<10240x128xf32, #tpu.memory_space<vmem_shared>>)
          tpu.yield
        }) : () -> ()
        %dma_start3A_86 = arith.constant 4 : i32
        %dma_start3A_87 = arith.constant 0 : i32
        %dma_start3A_88 = tpu.memref_slice %arg9[%dma_start3A_86, %dma_start3A_87] : memref<8x128xi32, #tpu.memory_space<vmem>> -> memref<1x128xi32, #tpu.memory_space<vmem>>
        %dma_start3A_89 = tpu.memref_squeeze %dma_start3A_88 : memref<1x128xi32, #tpu.memory_space<vmem>> -> memref<128xi32, #tpu.memory_space<vmem>>
        %dma_start3A_90 = arith.constant 0 : i32
        %dma_start3A_91 = arith.constant 0 : i32
        %dma_start3A_92 = tpu.memref_slice %arg2[%dma_start3A_90, %dma_start3A_91] : memref<10000x128xf32, #tpu.memory_space<hbm>> -> memref<10000x128xf32, #tpu.memory_space<hbm>>
        tpu.enqueue_indirect_dma source(%dma_start3A_92 : memref<10000x128xf32, #tpu.memory_space<hbm>>) target(%arg11 : memref<128x128xf32, #tpu.memory_space<vmem>>) offsets(%dma_start3A_89 : memref<128xi32, #tpu.memory_space<vmem>>) semaphore(%arg14 : memref<!tpu.dma_semaphore, #tpu.memory_space<semaphore_mem>>)
        %dma_wait3A_93 = arith.constant 3 : i32
        %dma_wait3A_94 = arith.constant 0 : i32
        %dma_wait3A_95 = tpu.memref_slice %arg9[%dma_wait3A_93, %dma_wait3A_94] : memref<8x128xi32, #tpu.memory_space<vmem>> -> memref<1x128xi32, #tpu.memory_space<vmem>>
        %dma_wait3A_96 = tpu.memref_squeeze %dma_wait3A_95 : memref<1x128xi32, #tpu.memory_space<vmem>> -> memref<128xi32, #tpu.memory_space<vmem>>
        %dma_wait3A_97 = arith.constant 0 : i32
        %dma_wait3A_98 = arith.constant 0 : i32
        %dma_wait3A_99 = tpu.memref_slice %arg2[%dma_wait3A_97, %dma_wait3A_98] : memref<10000x128xf32, #tpu.memory_space<hbm>> -> memref<10000x128xf32, #tpu.memory_space<hbm>>
        tpu.wait_indirect_dma semaphore(%arg15 : memref<!tpu.dma_semaphore, #tpu.memory_space<semaphore_mem>>) src(%dma_wait3A_99 : memref<10000x128xf32, #tpu.memory_space<hbm>>) dst(%arg12 : memref<128x128xf32, #tpu.memory_space<vmem>>)
        %run_scoped3A_100 = arith.constant 3 : i32
        "tpu.region"() ({
          %run_scoped3A_154 = tpu.sem_alloc : memref<!tpu.dma_semaphore, #tpu.memory_space<semaphore_mem>>
          %dma_start3A_155 = arith.constant 0 : i32
          %dma_start3A_156 = tpu.memref_slice %arg10[%run_scoped3A_100, %dma_start3A_155] : memref<8x128xi32, #tpu.memory_space<vmem>> -> memref<1x128xi32, #tpu.memory_space<vmem>>
          %dma_start3A_157 = tpu.memref_squeeze %dma_start3A_156 : memref<1x128xi32, #tpu.memory_space<vmem>> -> memref<128xi32, #tpu.memory_space<vmem>>
          %dma_start3A_158 = arith.constant 0 : i32
          %dma_start3A_159 = arith.constant 0 : i32
          %dma_start3A_160 = tpu.memref_slice %arg13[%dma_start3A_158, %dma_start3A_159] : memref<10240x128xf32, #tpu.memory_space<vmem_shared>> -> memref<10240x128xf32, #tpu.memory_space<vmem_shared>>
          tpu.enqueue_indirect_dma source(%arg12 : memref<128x128xf32, #tpu.memory_space<vmem>>) target(%dma_start3A_160 : memref<10240x128xf32, #tpu.memory_space<vmem_shared>>) offsets(%dma_start3A_157 : memref<128xi32, #tpu.memory_space<vmem>>) semaphore(%run_scoped3A_154 : memref<!tpu.dma_semaphore, #tpu.memory_space<semaphore_mem>>) {add = true}
          %dma_wait3A_161 = arith.constant 0 : i32
          %dma_wait3A_162 = tpu.memref_slice %arg10[%run_scoped3A_100, %dma_wait3A_161] : memref<8x128xi32, #tpu.memory_space<vmem>> -> memref<1x128xi32, #tpu.memory_space<vmem>>
          %dma_wait3A_163 = tpu.memref_squeeze %dma_wait3A_162 : memref<1x128xi32, #tpu.memory_space<vmem>> -> memref<128xi32, #tpu.memory_space<vmem>>
          %dma_wait3A_164 = arith.constant 0 : i32
          %dma_wait3A_165 = arith.constant 0 : i32
          %dma_wait3A_166 = tpu.memref_slice %arg13[%dma_wait3A_164, %dma_wait3A_165] : memref<10240x128xf32, #tpu.memory_space<vmem_shared>> -> memref<10240x128xf32, #tpu.memory_space<vmem_shared>>
          tpu.wait_indirect_dma semaphore(%run_scoped3A_154 : memref<!tpu.dma_semaphore, #tpu.memory_space<semaphore_mem>>) src(%arg12 : memref<128x128xf32, #tpu.memory_space<vmem>>) dst(%dma_wait3A_166 : memref<10240x128xf32, #tpu.memory_space<vmem_shared>>)
          tpu.yield
        }) : () -> ()
        %dma_start3A_101 = arith.constant 5 : i32
        %dma_start3A_102 = arith.constant 0 : i32
        %dma_start3A_103 = tpu.memref_slice %arg9[%dma_start3A_101, %dma_start3A_102] : memref<8x128xi32, #tpu.memory_space<vmem>> -> memref<1x128xi32, #tpu.memory_space<vmem>>
        %dma_start3A_104 = tpu.memref_squeeze %dma_start3A_103 : memref<1x128xi32, #tpu.memory_space<vmem>> -> memref<128xi32, #tpu.memory_space<vmem>>
        %dma_start3A_105 = arith.constant 0 : i32
        %dma_start3A_106 = arith.constant 0 : i32
        %dma_start3A_107 = tpu.memref_slice %arg2[%dma_start3A_105, %dma_start3A_106] : memref<10000x128xf32, #tpu.memory_space<hbm>> -> memref<10000x128xf32, #tpu.memory_space<hbm>>
        tpu.enqueue_indirect_dma source(%dma_start3A_107 : memref<10000x128xf32, #tpu.memory_space<hbm>>) target(%arg12 : memref<128x128xf32, #tpu.memory_space<vmem>>) offsets(%dma_start3A_104 : memref<128xi32, #tpu.memory_space<vmem>>) semaphore(%arg15 : memref<!tpu.dma_semaphore, #tpu.memory_space<semaphore_mem>>)
        %dma_wait3A_108 = arith.constant 4 : i32
        %dma_wait3A_109 = arith.constant 0 : i32
        %dma_wait3A_110 = tpu.memref_slice %arg9[%dma_wait3A_108, %dma_wait3A_109] : memref<8x128xi32, #tpu.memory_space<vmem>> -> memref<1x128xi32, #tpu.memory_space<vmem>>
        %dma_wait3A_111 = tpu.memref_squeeze %dma_wait3A_110 : memref<1x128xi32, #tpu.memory_space<vmem>> -> memref<128xi32, #tpu.memory_space<vmem>>
        %dma_wait3A_112 = arith.constant 0 : i32
        %dma_wait3A_113 = arith.constant 0 : i32
        %dma_wait3A_114 = tpu.memref_slice %arg2[%dma_wait3A_112, %dma_wait3A_113] : memref<10000x128xf32, #tpu.memory_space<hbm>> -> memref<10000x128xf32, #tpu.memory_space<hbm>>
        tpu.wait_indirect_dma semaphore(%arg14 : memref<!tpu.dma_semaphore, #tpu.memory_space<semaphore_mem>>) src(%dma_wait3A_114 : memref<10000x128xf32, #tpu.memory_space<hbm>>) dst(%arg11 : memref<128x128xf32, #tpu.memory_space<vmem>>)
        %run_scoped3A_115 = arith.constant 4 : i32
        "tpu.region"() ({
          %run_scoped3A_154 = tpu.sem_alloc : memref<!tpu.dma_semaphore, #tpu.memory_space<semaphore_mem>>
          %dma_start3A_155 = arith.constant 0 : i32
          %dma_start3A_156 = tpu.memref_slice %arg10[%run_scoped3A_115, %dma_start3A_155] : memref<8x128xi32, #tpu.memory_space<vmem>> -> memref<1x128xi32, #tpu.memory_space<vmem>>
          %dma_start3A_157 = tpu.memref_squeeze %dma_start3A_156 : memref<1x128xi32, #tpu.memory_space<vmem>> -> memref<128xi32, #tpu.memory_space<vmem>>
          %dma_start3A_158 = arith.constant 0 : i32
          %dma_start3A_159 = arith.constant 0 : i32
          %dma_start3A_160 = tpu.memref_slice %arg13[%dma_start3A_158, %dma_start3A_159] : memref<10240x128xf32, #tpu.memory_space<vmem_shared>> -> memref<10240x128xf32, #tpu.memory_space<vmem_shared>>
          tpu.enqueue_indirect_dma source(%arg11 : memref<128x128xf32, #tpu.memory_space<vmem>>) target(%dma_start3A_160 : memref<10240x128xf32, #tpu.memory_space<vmem_shared>>) offsets(%dma_start3A_157 : memref<128xi32, #tpu.memory_space<vmem>>) semaphore(%run_scoped3A_154 : memref<!tpu.dma_semaphore, #tpu.memory_space<semaphore_mem>>) {add = true}
          %dma_wait3A_161 = arith.constant 0 : i32
          %dma_wait3A_162 = tpu.memref_slice %arg10[%run_scoped3A_115, %dma_wait3A_161] : memref<8x128xi32, #tpu.memory_space<vmem>> -> memref<1x128xi32, #tpu.memory_space<vmem>>
          %dma_wait3A_163 = tpu.memref_squeeze %dma_wait3A_162 : memref<1x128xi32, #tpu.memory_space<vmem>> -> memref<128xi32, #tpu.memory_space<vmem>>
          %dma_wait3A_164 = arith.constant 0 : i32
          %dma_wait3A_165 = arith.constant 0 : i32
          %dma_wait3A_166 = tpu.memref_slice %arg13[%dma_wait3A_164, %dma_wait3A_165] : memref<10240x128xf32, #tpu.memory_space<vmem_shared>> -> memref<10240x128xf32, #tpu.memory_space<vmem_shared>>
          tpu.wait_indirect_dma semaphore(%run_scoped3A_154 : memref<!tpu.dma_semaphore, #tpu.memory_space<semaphore_mem>>) src(%arg11 : memref<128x128xf32, #tpu.memory_space<vmem>>) dst(%dma_wait3A_166 : memref<10240x128xf32, #tpu.memory_space<vmem_shared>>)
          tpu.yield
        }) : () -> ()
        %dma_start3A_116 = arith.constant 6 : i32
        %dma_start3A_117 = arith.constant 0 : i32
        %dma_start3A_118 = tpu.memref_slice %arg9[%dma_start3A_116, %dma_start3A_117] : memref<8x128xi32, #tpu.memory_space<vmem>> -> memref<1x128xi32, #tpu.memory_space<vmem>>
        %dma_start3A_119 = tpu.memref_squeeze %dma_start3A_118 : memref<1x128xi32, #tpu.memory_space<vmem>> -> memref<128xi32, #tpu.memory_space<vmem>>
        %dma_start3A_120 = arith.constant 0 : i32
        %dma_start3A_121 = arith.constant 0 : i32
        %dma_start3A_122 = tpu.memref_slice %arg2[%dma_start3A_120, %dma_start3A_121] : memref<10000x128xf32, #tpu.memory_space<hbm>> -> memref<10000x128xf32, #tpu.memory_space<hbm>>
        tpu.enqueue_indirect_dma source(%dma_start3A_122 : memref<10000x128xf32, #tpu.memory_space<hbm>>) target(%arg11 : memref<128x128xf32, #tpu.memory_space<vmem>>) offsets(%dma_start3A_119 : memref<128xi32, #tpu.memory_space<vmem>>) semaphore(%arg14 : memref<!tpu.dma_semaphore, #tpu.memory_space<semaphore_mem>>)
        %dma_wait3A_123 = arith.constant 5 : i32
        %dma_wait3A_124 = arith.constant 0 : i32
        %dma_wait3A_125 = tpu.memref_slice %arg9[%dma_wait3A_123, %dma_wait3A_124] : memref<8x128xi32, #tpu.memory_space<vmem>> -> memref<1x128xi32, #tpu.memory_space<vmem>>
        %dma_wait3A_126 = tpu.memref_squeeze %dma_wait3A_125 : memref<1x128xi32, #tpu.memory_space<vmem>> -> memref<128xi32, #tpu.memory_space<vmem>>
        %dma_wait3A_127 = arith.constant 0 : i32
        %dma_wait3A_128 = arith.constant 0 : i32
        %dma_wait3A_129 = tpu.memref_slice %arg2[%dma_wait3A_127, %dma_wait3A_128] : memref<10000x128xf32, #tpu.memory_space<hbm>> -> memref<10000x128xf32, #tpu.memory_space<hbm>>
        tpu.wait_indirect_dma semaphore(%arg15 : memref<!tpu.dma_semaphore, #tpu.memory_space<semaphore_mem>>) src(%dma_wait3A_129 : memref<10000x128xf32, #tpu.memory_space<hbm>>) dst(%arg12 : memref<128x128xf32, #tpu.memory_space<vmem>>)
        %run_scoped3A_130 = arith.constant 5 : i32
        "tpu.region"() ({
          %run_scoped3A_154 = tpu.sem_alloc : memref<!tpu.dma_semaphore, #tpu.memory_space<semaphore_mem>>
          %dma_start3A_155 = arith.constant 0 : i32
          %dma_start3A_156 = tpu.memref_slice %arg10[%run_scoped3A_130, %dma_start3A_155] : memref<8x128xi32, #tpu.memory_space<vmem>> -> memref<1x128xi32, #tpu.memory_space<vmem>>
          %dma_start3A_157 = tpu.memref_squeeze %dma_start3A_156 : memref<1x128xi32, #tpu.memory_space<vmem>> -> memref<128xi32, #tpu.memory_space<vmem>>
          %dma_start3A_158 = arith.constant 0 : i32
          %dma_start3A_159 = arith.constant 0 : i32
          %dma_start3A_160 = tpu.memref_slice %arg13[%dma_start3A_158, %dma_start3A_159] : memref<10240x128xf32, #tpu.memory_space<vmem_shared>> -> memref<10240x128xf32, #tpu.memory_space<vmem_shared>>
          tpu.enqueue_indirect_dma source(%arg12 : memref<128x128xf32, #tpu.memory_space<vmem>>) target(%dma_start3A_160 : memref<10240x128xf32, #tpu.memory_space<vmem_shared>>) offsets(%dma_start3A_157 : memref<128xi32, #tpu.memory_space<vmem>>) semaphore(%run_scoped3A_154 : memref<!tpu.dma_semaphore, #tpu.memory_space<semaphore_mem>>) {add = true}
          %dma_wait3A_161 = arith.constant 0 : i32
          %dma_wait3A_162 = tpu.memref_slice %arg10[%run_scoped3A_130, %dma_wait3A_161] : memref<8x128xi32, #tpu.memory_space<vmem>> -> memref<1x128xi32, #tpu.memory_space<vmem>>
          %dma_wait3A_163 = tpu.memref_squeeze %dma_wait3A_162 : memref<1x128xi32, #tpu.memory_space<vmem>> -> memref<128xi32, #tpu.memory_space<vmem>>
          %dma_wait3A_164 = arith.constant 0 : i32
          %dma_wait3A_165 = arith.constant 0 : i32
          %dma_wait3A_166 = tpu.memref_slice %arg13[%dma_wait3A_164, %dma_wait3A_165] : memref<10240x128xf32, #tpu.memory_space<vmem_shared>> -> memref<10240x128xf32, #tpu.memory_space<vmem_shared>>
          tpu.wait_indirect_dma semaphore(%run_scoped3A_154 : memref<!tpu.dma_semaphore, #tpu.memory_space<semaphore_mem>>) src(%arg12 : memref<128x128xf32, #tpu.memory_space<vmem>>) dst(%dma_wait3A_166 : memref<10240x128xf32, #tpu.memory_space<vmem_shared>>)
          tpu.yield
        }) : () -> ()
        %dma_start3A_131 = arith.constant 7 : i32
        %dma_start3A_132 = arith.constant 0 : i32
        %dma_start3A_133 = tpu.memref_slice %arg9[%dma_start3A_131, %dma_start3A_132] : memref<8x128xi32, #tpu.memory_space<vmem>> -> memref<1x128xi32, #tpu.memory_space<vmem>>
        %dma_start3A_134 = tpu.memref_squeeze %dma_start3A_133 : memref<1x128xi32, #tpu.memory_space<vmem>> -> memref<128xi32, #tpu.memory_space<vmem>>
        %dma_start3A_135 = arith.constant 0 : i32
        %dma_start3A_136 = arith.constant 0 : i32
        %dma_start3A_137 = tpu.memref_slice %arg2[%dma_start3A_135, %dma_start3A_136] : memref<10000x128xf32, #tpu.memory_space<hbm>> -> memref<10000x128xf32, #tpu.memory_space<hbm>>
        tpu.enqueue_indirect_dma source(%dma_start3A_137 : memref<10000x128xf32, #tpu.memory_space<hbm>>) target(%arg12 : memref<128x128xf32, #tpu.memory_space<vmem>>) offsets(%dma_start3A_134 : memref<128xi32, #tpu.memory_space<vmem>>) semaphore(%arg15 : memref<!tpu.dma_semaphore, #tpu.memory_space<semaphore_mem>>)
        %dma_wait3A_138 = arith.constant 6 : i32
        %dma_wait3A_139 = arith.constant 0 : i32
        %dma_wait3A_140 = tpu.memref_slice %arg9[%dma_wait3A_138, %dma_wait3A_139] : memref<8x128xi32, #tpu.memory_space<vmem>> -> memref<1x128xi32, #tpu.memory_space<vmem>>
        %dma_wait3A_141 = tpu.memref_squeeze %dma_wait3A_140 : memref<1x128xi32, #tpu.memory_space<vmem>> -> memref<128xi32, #tpu.memory_space<vmem>>
        %dma_wait3A_142 = arith.constant 0 : i32
        %dma_wait3A_143 = arith.constant 0 : i32
        %dma_wait3A_144 = tpu.memref_slice %arg2[%dma_wait3A_142, %dma_wait3A_143] : memref<10000x128xf32, #tpu.memory_space<hbm>> -> memref<10000x128xf32, #tpu.memory_space<hbm>>
        tpu.wait_indirect_dma semaphore(%arg14 : memref<!tpu.dma_semaphore, #tpu.memory_space<semaphore_mem>>) src(%dma_wait3A_144 : memref<10000x128xf32, #tpu.memory_space<hbm>>) dst(%arg11 : memref<128x128xf32, #tpu.memory_space<vmem>>)
        %run_scoped3A_145 = arith.constant 6 : i32
        "tpu.region"() ({
          %run_scoped3A_154 = tpu.sem_alloc : memref<!tpu.dma_semaphore, #tpu.memory_space<semaphore_mem>>
          %dma_start3A_155 = arith.constant 0 : i32
          %dma_start3A_156 = tpu.memref_slice %arg10[%run_scoped3A_145, %dma_start3A_155] : memref<8x128xi32, #tpu.memory_space<vmem>> -> memref<1x128xi32, #tpu.memory_space<vmem>>
          %dma_start3A_157 = tpu.memref_squeeze %dma_start3A_156 : memref<1x128xi32, #tpu.memory_space<vmem>> -> memref<128xi32, #tpu.memory_space<vmem>>
          %dma_start3A_158 = arith.constant 0 : i32
          %dma_start3A_159 = arith.constant 0 : i32
          %dma_start3A_160 = tpu.memref_slice %arg13[%dma_start3A_158, %dma_start3A_159] : memref<10240x128xf32, #tpu.memory_space<vmem_shared>> -> memref<10240x128xf32, #tpu.memory_space<vmem_shared>>
          tpu.enqueue_indirect_dma source(%arg11 : memref<128x128xf32, #tpu.memory_space<vmem>>) target(%dma_start3A_160 : memref<10240x128xf32, #tpu.memory_space<vmem_shared>>) offsets(%dma_start3A_157 : memref<128xi32, #tpu.memory_space<vmem>>) semaphore(%run_scoped3A_154 : memref<!tpu.dma_semaphore, #tpu.memory_space<semaphore_mem>>) {add = true}
          %dma_wait3A_161 = arith.constant 0 : i32
          %dma_wait3A_162 = tpu.memref_slice %arg10[%run_scoped3A_145, %dma_wait3A_161] : memref<8x128xi32, #tpu.memory_space<vmem>> -> memref<1x128xi32, #tpu.memory_space<vmem>>
          %dma_wait3A_163 = tpu.memref_squeeze %dma_wait3A_162 : memref<1x128xi32, #tpu.memory_space<vmem>> -> memref<128xi32, #tpu.memory_space<vmem>>
          %dma_wait3A_164 = arith.constant 0 : i32
          %dma_wait3A_165 = arith.constant 0 : i32
          %dma_wait3A_166 = tpu.memref_slice %arg13[%dma_wait3A_164, %dma_wait3A_165] : memref<10240x128xf32, #tpu.memory_space<vmem_shared>> -> memref<10240x128xf32, #tpu.memory_space<vmem_shared>>
          tpu.wait_indirect_dma semaphore(%run_scoped3A_154 : memref<!tpu.dma_semaphore, #tpu.memory_space<semaphore_mem>>) src(%arg11 : memref<128x128xf32, #tpu.memory_space<vmem>>) dst(%dma_wait3A_166 : memref<10240x128xf32, #tpu.memory_space<vmem_shared>>)
          tpu.yield
        }) : () -> ()
        %dma_wait3A_146 = arith.constant 7 : i32
        %dma_wait3A_147 = arith.constant 0 : i32
        %dma_wait3A_148 = tpu.memref_slice %arg9[%dma_wait3A_146, %dma_wait3A_147] : memref<8x128xi32, #tpu.memory_space<vmem>> -> memref<1x128xi32, #tpu.memory_space<vmem>>
        %dma_wait3A_149 = tpu.memref_squeeze %dma_wait3A_148 : memref<1x128xi32, #tpu.memory_space<vmem>> -> memref<128xi32, #tpu.memory_space<vmem>>
        %dma_wait3A_150 = arith.constant 0 : i32
        %dma_wait3A_151 = arith.constant 0 : i32
        %dma_wait3A_152 = tpu.memref_slice %arg2[%dma_wait3A_150, %dma_wait3A_151] : memref<10000x128xf32, #tpu.memory_space<hbm>> -> memref<10000x128xf32, #tpu.memory_space<hbm>>
        tpu.wait_indirect_dma semaphore(%arg15 : memref<!tpu.dma_semaphore, #tpu.memory_space<semaphore_mem>>) src(%dma_wait3A_152 : memref<10000x128xf32, #tpu.memory_space<hbm>>) dst(%arg12 : memref<128x128xf32, #tpu.memory_space<vmem>>)
        %run_scoped3A_153 = arith.constant 7 : i32
        "tpu.region"() ({
          %run_scoped3A_154 = tpu.sem_alloc : memref<!tpu.dma_semaphore, #tpu.memory_space<semaphore_mem>>
          %dma_start3A_155 = arith.constant 0 : i32
          %dma_start3A_156 = tpu.memref_slice %arg10[%run_scoped3A_153, %dma_start3A_155] : memref<8x128xi32, #tpu.memory_space<vmem>> -> memref<1x128xi32, #tpu.memory_space<vmem>>
          %dma_start3A_157 = tpu.memref_squeeze %dma_start3A_156 : memref<1x128xi32, #tpu.memory_space<vmem>> -> memref<128xi32, #tpu.memory_space<vmem>>
          %dma_start3A_158 = arith.constant 0 : i32
          %dma_start3A_159 = arith.constant 0 : i32
          %dma_start3A_160 = tpu.memref_slice %arg13[%dma_start3A_158, %dma_start3A_159] : memref<10240x128xf32, #tpu.memory_space<vmem_shared>> -> memref<10240x128xf32, #tpu.memory_space<vmem_shared>>
          tpu.enqueue_indirect_dma source(%arg12 : memref<128x128xf32, #tpu.memory_space<vmem>>) target(%dma_start3A_160 : memref<10240x128xf32, #tpu.memory_space<vmem_shared>>) offsets(%dma_start3A_157 : memref<128xi32, #tpu.memory_space<vmem>>) semaphore(%run_scoped3A_154 : memref<!tpu.dma_semaphore, #tpu.memory_space<semaphore_mem>>) {add = true}
          %dma_wait3A_161 = arith.constant 0 : i32
          %dma_wait3A_162 = tpu.memref_slice %arg10[%run_scoped3A_153, %dma_wait3A_161] : memref<8x128xi32, #tpu.memory_space<vmem>> -> memref<1x128xi32, #tpu.memory_space<vmem>>
          %dma_wait3A_163 = tpu.memref_squeeze %dma_wait3A_162 : memref<1x128xi32, #tpu.memory_space<vmem>> -> memref<128xi32, #tpu.memory_space<vmem>>
          %dma_wait3A_164 = arith.constant 0 : i32
          %dma_wait3A_165 = arith.constant 0 : i32
          %dma_wait3A_166 = tpu.memref_slice %arg13[%dma_wait3A_164, %dma_wait3A_165] : memref<10240x128xf32, #tpu.memory_space<vmem_shared>> -> memref<10240x128xf32, #tpu.memory_space<vmem_shared>>
          tpu.wait_indirect_dma semaphore(%run_scoped3A_154 : memref<!tpu.dma_semaphore, #tpu.memory_space<semaphore_mem>>) src(%arg12 : memref<128x128xf32, #tpu.memory_space<vmem>>) dst(%dma_wait3A_166 : memref<10240x128xf32, #tpu.memory_space<vmem_shared>>)
          tpu.yield
        }) : () -> ()
      }
      %scan3A_32 = arith.constant 19 : i32
    } else {
    }
    %eq3A_11 = arith.constant 1 : i32
    %eq3A_12 = arith.cmpi eq, %arg0, %eq3A_11 : i32
    %convert_element_type3A_13 = arith.extui %eq3A_12 : i1 to i32
    %cond3A_14 = arith.constant 0 : i32
    %cond3A_15 = arith.cmpi ne, %convert_element_type3A_13, %cond3A_14 : i32
    scf.if %cond3A_15 {
      %scan3A_28 = arith.constant 0 : i32
      %mul3A_29 = arith.constant 1 : i32
      %mul3A_30 = arith.muli %scan3A_28, %mul3A_29 : i32
      %add3A = arith.constant 0 : i32
      %add3A_31 = arith.addi %add3A, %mul3A_30 : i32
      "tpu.region"() ({
        %run_scoped3A_150 = tpu.sem_alloc : memref<!tpu.dma_semaphore, #tpu.memory_space<semaphore_mem>>
        %dma_start3A_151 = arith.constant 0 : i32
        %dma_start3A_152 = arith.constant 0 : i32
        %dma_start3A_153 = arith.constant 0 : i32
        %dma_start3A_154 = tpu.memref_slice %arg5[%arg1, %dma_start3A_151, %dma_start3A_152, %dma_start3A_153] : memref<16x1x8x128xi32, #tpu.memory_space<hbm>> -> memref<1x1x8x128xi32, #tpu.memory_space<hbm>>
        %dma_start3A_155 = tpu.memref_squeeze %dma_start3A_154 : memref<1x1x8x128xi32, #tpu.memory_space<hbm>> -> memref<1x8x128xi32, #tpu.memory_space<hbm>>
        %dma_start3A_156 = arith.constant 0 : i32
        %dma_start3A_157 = arith.constant 0 : i32
        %dma_start3A_158 = tpu.memref_slice %dma_start3A_155[%add3A_31, %dma_start3A_156, %dma_start3A_157] : memref<1x8x128xi32, #tpu.memory_space<hbm>> -> memref<1x8x128xi32, #tpu.memory_space<hbm>>
        %dma_start3A_159 = tpu.memref_squeeze %dma_start3A_158 : memref<1x8x128xi32, #tpu.memory_space<hbm>> -> memref<8x128xi32, #tpu.memory_space<hbm>>
        %dma_start3A_160 = arith.constant 0 : i32
        %dma_start3A_161 = arith.constant 0 : i32
        %dma_start3A_162 = arith.constant 0 : i32
        %dma_start3A_163 = tpu.memref_slice %arg5[%arg1, %dma_start3A_160, %dma_start3A_161, %dma_start3A_162] : memref<16x1x8x128xi32, #tpu.memory_space<hbm>> -> memref<1x1x8x128xi32, #tpu.memory_space<hbm>>
        %dma_start3A_164 = tpu.memref_squeeze %dma_start3A_163 : memref<1x1x8x128xi32, #tpu.memory_space<hbm>> -> memref<1x8x128xi32, #tpu.memory_space<hbm>>
        %dma_start3A_165 = arith.constant 0 : i32
        %dma_start3A_166 = arith.constant 0 : i32
        %dma_start3A_167 = tpu.memref_slice %dma_start3A_164[%add3A_31, %dma_start3A_165, %dma_start3A_166] : memref<1x8x128xi32, #tpu.memory_space<hbm>> -> memref<1x8x128xi32, #tpu.memory_space<hbm>>
        %dma_start3A_168 = tpu.memref_squeeze %dma_start3A_167 : memref<1x8x128xi32, #tpu.memory_space<hbm>> -> memref<8x128xi32, #tpu.memory_space<hbm>>
        tpu.enqueue_dma source(%dma_start3A_168 : memref<8x128xi32, #tpu.memory_space<hbm>>) target(%arg9 : memref<8x128xi32, #tpu.memory_space<vmem>>) target_semaphore(%run_scoped3A_150 : memref<!tpu.dma_semaphore, #tpu.memory_space<semaphore_mem>>)
        %dma_wait3A_169 = arith.constant 0 : i32
        %dma_wait3A_170 = arith.constant 0 : i32
        %dma_wait3A_171 = arith.constant 0 : i32
        %dma_wait3A_172 = tpu.memref_slice %arg5[%arg1, %dma_wait3A_169, %dma_wait3A_170, %dma_wait3A_171] : memref<16x1x8x128xi32, #tpu.memory_space<hbm>> -> memref<1x1x8x128xi32, #tpu.memory_space<hbm>>
        %dma_wait3A_173 = tpu.memref_squeeze %dma_wait3A_172 : memref<1x1x8x128xi32, #tpu.memory_space<hbm>> -> memref<1x8x128xi32, #tpu.memory_space<hbm>>
        %dma_wait3A_174 = arith.constant 0 : i32
        %dma_wait3A_175 = arith.constant 0 : i32
        %dma_wait3A_176 = tpu.memref_slice %dma_wait3A_173[%add3A_31, %dma_wait3A_174, %dma_wait3A_175] : memref<1x8x128xi32, #tpu.memory_space<hbm>> -> memref<1x8x128xi32, #tpu.memory_space<hbm>>
        %dma_wait3A_177 = tpu.memref_squeeze %dma_wait3A_176 : memref<1x8x128xi32, #tpu.memory_space<hbm>> -> memref<8x128xi32, #tpu.memory_space<hbm>>
        %dma_wait3A_178 = arith.constant 0 : i32
        %dma_wait3A_179 = arith.constant 0 : i32
        %dma_wait3A_180 = arith.constant 0 : i32
        %dma_wait3A_181 = tpu.memref_slice %arg5[%arg1, %dma_wait3A_178, %dma_wait3A_179, %dma_wait3A_180] : memref<16x1x8x128xi32, #tpu.memory_space<hbm>> -> memref<1x1x8x128xi32, #tpu.memory_space<hbm>>
        %dma_wait3A_182 = tpu.memref_squeeze %dma_wait3A_181 : memref<1x1x8x128xi32, #tpu.memory_space<hbm>> -> memref<1x8x128xi32, #tpu.memory_space<hbm>>
        %dma_wait3A_183 = arith.constant 0 : i32
        %dma_wait3A_184 = arith.constant 0 : i32
        %dma_wait3A_185 = tpu.memref_slice %dma_wait3A_182[%add3A_31, %dma_wait3A_183, %dma_wait3A_184] : memref<1x8x128xi32, #tpu.memory_space<hbm>> -> memref<1x8x128xi32, #tpu.memory_space<hbm>>
        %dma_wait3A_186 = tpu.memref_squeeze %dma_wait3A_185 : memref<1x8x128xi32, #tpu.memory_space<hbm>> -> memref<8x128xi32, #tpu.memory_space<hbm>>
        tpu.wait_dma2 semaphore(%run_scoped3A_150 : memref<!tpu.dma_semaphore, #tpu.memory_space<semaphore_mem>>) src(%dma_wait3A_186 : memref<8x128xi32, #tpu.memory_space<hbm>>) dst(%arg9 : memref<8x128xi32, #tpu.memory_space<vmem>>)
        tpu.yield
      }) : () -> ()
      "tpu.region"() ({
        %run_scoped3A_150 = tpu.sem_alloc : memref<!tpu.dma_semaphore, #tpu.memory_space<semaphore_mem>>
        %dma_start3A_151 = arith.constant 0 : i32
        %dma_start3A_152 = arith.constant 0 : i32
        %dma_start3A_153 = arith.constant 0 : i32
        %dma_start3A_154 = tpu.memref_slice %arg6[%arg1, %dma_start3A_151, %dma_start3A_152, %dma_start3A_153] : memref<16x1x8x128xi32, #tpu.memory_space<hbm>> -> memref<1x1x8x128xi32, #tpu.memory_space<hbm>>
        %dma_start3A_155 = tpu.memref_squeeze %dma_start3A_154 : memref<1x1x8x128xi32, #tpu.memory_space<hbm>> -> memref<1x8x128xi32, #tpu.memory_space<hbm>>
        %dma_start3A_156 = arith.constant 0 : i32
        %dma_start3A_157 = arith.constant 0 : i32
        %dma_start3A_158 = tpu.memref_slice %dma_start3A_155[%add3A_31, %dma_start3A_156, %dma_start3A_157] : memref<1x8x128xi32, #tpu.memory_space<hbm>> -> memref<1x8x128xi32, #tpu.memory_space<hbm>>
        %dma_start3A_159 = tpu.memref_squeeze %dma_start3A_158 : memref<1x8x128xi32, #tpu.memory_space<hbm>> -> memref<8x128xi32, #tpu.memory_space<hbm>>
        %dma_start3A_160 = arith.constant 0 : i32
        %dma_start3A_161 = arith.constant 0 : i32
        %dma_start3A_162 = arith.constant 0 : i32
        %dma_start3A_163 = tpu.memref_slice %arg6[%arg1, %dma_start3A_160, %dma_start3A_161, %dma_start3A_162] : memref<16x1x8x128xi32, #tpu.memory_space<hbm>> -> memref<1x1x8x128xi32, #tpu.memory_space<hbm>>
        %dma_start3A_164 = tpu.memref_squeeze %dma_start3A_163 : memref<1x1x8x128xi32, #tpu.memory_space<hbm>> -> memref<1x8x128xi32, #tpu.memory_space<hbm>>
        %dma_start3A_165 = arith.constant 0 : i32
        %dma_start3A_166 = arith.constant 0 : i32
        %dma_start3A_167 = tpu.memref_slice %dma_start3A_164[%add3A_31, %dma_start3A_165, %dma_start3A_166] : memref<1x8x128xi32, #tpu.memory_space<hbm>> -> memref<1x8x128xi32, #tpu.memory_space<hbm>>
        %dma_start3A_168 = tpu.memref_squeeze %dma_start3A_167 : memref<1x8x128xi32, #tpu.memory_space<hbm>> -> memref<8x128xi32, #tpu.memory_space<hbm>>
        tpu.enqueue_dma source(%dma_start3A_168 : memref<8x128xi32, #tpu.memory_space<hbm>>) target(%arg10 : memref<8x128xi32, #tpu.memory_space<vmem>>) target_semaphore(%run_scoped3A_150 : memref<!tpu.dma_semaphore, #tpu.memory_space<semaphore_mem>>)
        %dma_wait3A_169 = arith.constant 0 : i32
        %dma_wait3A_170 = arith.constant 0 : i32
        %dma_wait3A_171 = arith.constant 0 : i32
        %dma_wait3A_172 = tpu.memref_slice %arg6[%arg1, %dma_wait3A_169, %dma_wait3A_170, %dma_wait3A_171] : memref<16x1x8x128xi32, #tpu.memory_space<hbm>> -> memref<1x1x8x128xi32, #tpu.memory_space<hbm>>
        %dma_wait3A_173 = tpu.memref_squeeze %dma_wait3A_172 : memref<1x1x8x128xi32, #tpu.memory_space<hbm>> -> memref<1x8x128xi32, #tpu.memory_space<hbm>>
        %dma_wait3A_174 = arith.constant 0 : i32
        %dma_wait3A_175 = arith.constant 0 : i32
        %dma_wait3A_176 = tpu.memref_slice %dma_wait3A_173[%add3A_31, %dma_wait3A_174, %dma_wait3A_175] : memref<1x8x128xi32, #tpu.memory_space<hbm>> -> memref<1x8x128xi32, #tpu.memory_space<hbm>>
        %dma_wait3A_177 = tpu.memref_squeeze %dma_wait3A_176 : memref<1x8x128xi32, #tpu.memory_space<hbm>> -> memref<8x128xi32, #tpu.memory_space<hbm>>
        %dma_wait3A_178 = arith.constant 0 : i32
        %dma_wait3A_179 = arith.constant 0 : i32
        %dma_wait3A_180 = arith.constant 0 : i32
        %dma_wait3A_181 = tpu.memref_slice %arg6[%arg1, %dma_wait3A_178, %dma_wait3A_179, %dma_wait3A_180] : memref<16x1x8x128xi32, #tpu.memory_space<hbm>> -> memref<1x1x8x128xi32, #tpu.memory_space<hbm>>
        %dma_wait3A_182 = tpu.memref_squeeze %dma_wait3A_181 : memref<1x1x8x128xi32, #tpu.memory_space<hbm>> -> memref<1x8x128xi32, #tpu.memory_space<hbm>>
        %dma_wait3A_183 = arith.constant 0 : i32
        %dma_wait3A_184 = arith.constant 0 : i32
        %dma_wait3A_185 = tpu.memref_slice %dma_wait3A_182[%add3A_31, %dma_wait3A_183, %dma_wait3A_184] : memref<1x8x128xi32, #tpu.memory_space<hbm>> -> memref<1x8x128xi32, #tpu.memory_space<hbm>>
        %dma_wait3A_186 = tpu.memref_squeeze %dma_wait3A_185 : memref<1x8x128xi32, #tpu.memory_space<hbm>> -> memref<8x128xi32, #tpu.memory_space<hbm>>
        tpu.wait_dma2 semaphore(%run_scoped3A_150 : memref<!tpu.dma_semaphore, #tpu.memory_space<semaphore_mem>>) src(%dma_wait3A_186 : memref<8x128xi32, #tpu.memory_space<hbm>>) dst(%arg10 : memref<8x128xi32, #tpu.memory_space<vmem>>)
        tpu.yield
      }) : () -> ()
      %dma_start3A = arith.constant 0 : i32
      %dma_start3A_32 = arith.constant 0 : i32
      %dma_start3A_33 = tpu.memref_slice %arg9[%dma_start3A, %dma_start3A_32] : memref<8x128xi32, #tpu.memory_space<vmem>> -> memref<1x128xi32, #tpu.memory_space<vmem>>
      %dma_start3A_34 = tpu.memref_squeeze %dma_start3A_33 : memref<1x128xi32, #tpu.memory_space<vmem>> -> memref<128xi32, #tpu.memory_space<vmem>>
      %dma_start3A_35 = arith.constant 0 : i32
      %dma_start3A_36 = arith.constant 0 : i32
      %dma_start3A_37 = tpu.memref_slice %arg2[%dma_start3A_35, %dma_start3A_36] : memref<10000x128xf32, #tpu.memory_space<hbm>> -> memref<10000x128xf32, #tpu.memory_space<hbm>>
      tpu.enqueue_indirect_dma source(%dma_start3A_37 : memref<10000x128xf32, #tpu.memory_space<hbm>>) target(%arg11 : memref<128x128xf32, #tpu.memory_space<vmem>>) offsets(%dma_start3A_34 : memref<128xi32, #tpu.memory_space<vmem>>) semaphore(%arg14 : memref<!tpu.dma_semaphore, #tpu.memory_space<semaphore_mem>>)
      %dma_start3A_38 = arith.constant 1 : i32
      %dma_start3A_39 = arith.constant 0 : i32
      %dma_start3A_40 = tpu.memref_slice %arg9[%dma_start3A_38, %dma_start3A_39] : memref<8x128xi32, #tpu.memory_space<vmem>> -> memref<1x128xi32, #tpu.memory_space<vmem>>
      %dma_start3A_41 = tpu.memref_squeeze %dma_start3A_40 : memref<1x128xi32, #tpu.memory_space<vmem>> -> memref<128xi32, #tpu.memory_space<vmem>>
      %dma_start3A_42 = arith.constant 0 : i32
      %dma_start3A_43 = arith.constant 0 : i32
      %dma_start3A_44 = tpu.memref_slice %arg2[%dma_start3A_42, %dma_start3A_43] : memref<10000x128xf32, #tpu.memory_space<hbm>> -> memref<10000x128xf32, #tpu.memory_space<hbm>>
      tpu.enqueue_indirect_dma source(%dma_start3A_44 : memref<10000x128xf32, #tpu.memory_space<hbm>>) target(%arg12 : memref<128x128xf32, #tpu.memory_space<vmem>>) offsets(%dma_start3A_41 : memref<128xi32, #tpu.memory_space<vmem>>) semaphore(%arg15 : memref<!tpu.dma_semaphore, #tpu.memory_space<semaphore_mem>>)
      %dma_wait3A = arith.constant 0 : i32
      %dma_wait3A_45 = arith.constant 0 : i32
      %dma_wait3A_46 = tpu.memref_slice %arg9[%dma_wait3A, %dma_wait3A_45] : memref<8x128xi32, #tpu.memory_space<vmem>> -> memref<1x128xi32, #tpu.memory_space<vmem>>
      %dma_wait3A_47 = tpu.memref_squeeze %dma_wait3A_46 : memref<1x128xi32, #tpu.memory_space<vmem>> -> memref<128xi32, #tpu.memory_space<vmem>>
      %dma_wait3A_48 = arith.constant 0 : i32
      %dma_wait3A_49 = arith.constant 0 : i32
      %dma_wait3A_50 = tpu.memref_slice %arg2[%dma_wait3A_48, %dma_wait3A_49] : memref<10000x128xf32, #tpu.memory_space<hbm>> -> memref<10000x128xf32, #tpu.memory_space<hbm>>
      tpu.wait_indirect_dma semaphore(%arg14 : memref<!tpu.dma_semaphore, #tpu.memory_space<semaphore_mem>>) src(%dma_wait3A_50 : memref<10000x128xf32, #tpu.memory_space<hbm>>) dst(%arg11 : memref<128x128xf32, #tpu.memory_space<vmem>>)
      %run_scoped3A = arith.constant 0 : i32
      "tpu.region"() ({
        %run_scoped3A_150 = tpu.sem_alloc : memref<!tpu.dma_semaphore, #tpu.memory_space<semaphore_mem>>
        %dma_start3A_151 = arith.constant 0 : i32
        %dma_start3A_152 = tpu.memref_slice %arg10[%run_scoped3A, %dma_start3A_151] : memref<8x128xi32, #tpu.memory_space<vmem>> -> memref<1x128xi32, #tpu.memory_space<vmem>>
        %dma_start3A_153 = tpu.memref_squeeze %dma_start3A_152 : memref<1x128xi32, #tpu.memory_space<vmem>> -> memref<128xi32, #tpu.memory_space<vmem>>
        %dma_start3A_154 = arith.constant 0 : i32
        %dma_start3A_155 = arith.constant 0 : i32
        %dma_start3A_156 = tpu.memref_slice %arg13[%dma_start3A_154, %dma_start3A_155] : memref<10240x128xf32, #tpu.memory_space<vmem_shared>> -> memref<10240x128xf32, #tpu.memory_space<vmem_shared>>
        tpu.enqueue_indirect_dma source(%arg11 : memref<128x128xf32, #tpu.memory_space<vmem>>) target(%dma_start3A_156 : memref<10240x128xf32, #tpu.memory_space<vmem_shared>>) offsets(%dma_start3A_153 : memref<128xi32, #tpu.memory_space<vmem>>) semaphore(%run_scoped3A_150 : memref<!tpu.dma_semaphore, #tpu.memory_space<semaphore_mem>>) {add = true}
        %dma_wait3A_157 = arith.constant 0 : i32
        %dma_wait3A_158 = tpu.memref_slice %arg10[%run_scoped3A, %dma_wait3A_157] : memref<8x128xi32, #tpu.memory_space<vmem>> -> memref<1x128xi32, #tpu.memory_space<vmem>>
        %dma_wait3A_159 = tpu.memref_squeeze %dma_wait3A_158 : memref<1x128xi32, #tpu.memory_space<vmem>> -> memref<128xi32, #tpu.memory_space<vmem>>
        %dma_wait3A_160 = arith.constant 0 : i32
        %dma_wait3A_161 = arith.constant 0 : i32
        %dma_wait3A_162 = tpu.memref_slice %arg13[%dma_wait3A_160, %dma_wait3A_161] : memref<10240x128xf32, #tpu.memory_space<vmem_shared>> -> memref<10240x128xf32, #tpu.memory_space<vmem_shared>>
        tpu.wait_indirect_dma semaphore(%run_scoped3A_150 : memref<!tpu.dma_semaphore, #tpu.memory_space<semaphore_mem>>) src(%arg11 : memref<128x128xf32, #tpu.memory_space<vmem>>) dst(%dma_wait3A_162 : memref<10240x128xf32, #tpu.memory_space<vmem_shared>>)
        tpu.yield
      }) : () -> ()
      %dma_start3A_51 = arith.constant 2 : i32
      %dma_start3A_52 = arith.constant 0 : i32
      %dma_start3A_53 = tpu.memref_slice %arg9[%dma_start3A_51, %dma_start3A_52] : memref<8x128xi32, #tpu.memory_space<vmem>> -> memref<1x128xi32, #tpu.memory_space<vmem>>
      %dma_start3A_54 = tpu.memref_squeeze %dma_start3A_53 : memref<1x128xi32, #tpu.memory_space<vmem>> -> memref<128xi32, #tpu.memory_space<vmem>>
      %dma_start3A_55 = arith.constant 0 : i32
      %dma_start3A_56 = arith.constant 0 : i32
      %dma_start3A_57 = tpu.memref_slice %arg2[%dma_start3A_55, %dma_start3A_56] : memref<10000x128xf32, #tpu.memory_space<hbm>> -> memref<10000x128xf32, #tpu.memory_space<hbm>>
      tpu.enqueue_indirect_dma source(%dma_start3A_57 : memref<10000x128xf32, #tpu.memory_space<hbm>>) target(%arg11 : memref<128x128xf32, #tpu.memory_space<vmem>>) offsets(%dma_start3A_54 : memref<128xi32, #tpu.memory_space<vmem>>) semaphore(%arg14 : memref<!tpu.dma_semaphore, #tpu.memory_space<semaphore_mem>>)
      %dma_wait3A_58 = arith.constant 1 : i32
      %dma_wait3A_59 = arith.constant 0 : i32
      %dma_wait3A_60 = tpu.memref_slice %arg9[%dma_wait3A_58, %dma_wait3A_59] : memref<8x128xi32, #tpu.memory_space<vmem>> -> memref<1x128xi32, #tpu.memory_space<vmem>>
      %dma_wait3A_61 = tpu.memref_squeeze %dma_wait3A_60 : memref<1x128xi32, #tpu.memory_space<vmem>> -> memref<128xi32, #tpu.memory_space<vmem>>
      %dma_wait3A_62 = arith.constant 0 : i32
      %dma_wait3A_63 = arith.constant 0 : i32
      %dma_wait3A_64 = tpu.memref_slice %arg2[%dma_wait3A_62, %dma_wait3A_63] : memref<10000x128xf32, #tpu.memory_space<hbm>> -> memref<10000x128xf32, #tpu.memory_space<hbm>>
      tpu.wait_indirect_dma semaphore(%arg15 : memref<!tpu.dma_semaphore, #tpu.memory_space<semaphore_mem>>) src(%dma_wait3A_64 : memref<10000x128xf32, #tpu.memory_space<hbm>>) dst(%arg12 : memref<128x128xf32, #tpu.memory_space<vmem>>)
      %run_scoped3A_65 = arith.constant 1 : i32
      "tpu.region"() ({
        %run_scoped3A_150 = tpu.sem_alloc : memref<!tpu.dma_semaphore, #tpu.memory_space<semaphore_mem>>
        %dma_start3A_151 = arith.constant 0 : i32
        %dma_start3A_152 = tpu.memref_slice %arg10[%run_scoped3A_65, %dma_start3A_151] : memref<8x128xi32, #tpu.memory_space<vmem>> -> memref<1x128xi32, #tpu.memory_space<vmem>>
        %dma_start3A_153 = tpu.memref_squeeze %dma_start3A_152 : memref<1x128xi32, #tpu.memory_space<vmem>> -> memref<128xi32, #tpu.memory_space<vmem>>
        %dma_start3A_154 = arith.constant 0 : i32
        %dma_start3A_155 = arith.constant 0 : i32
        %dma_start3A_156 = tpu.memref_slice %arg13[%dma_start3A_154, %dma_start3A_155] : memref<10240x128xf32, #tpu.memory_space<vmem_shared>> -> memref<10240x128xf32, #tpu.memory_space<vmem_shared>>
        tpu.enqueue_indirect_dma source(%arg12 : memref<128x128xf32, #tpu.memory_space<vmem>>) target(%dma_start3A_156 : memref<10240x128xf32, #tpu.memory_space<vmem_shared>>) offsets(%dma_start3A_153 : memref<128xi32, #tpu.memory_space<vmem>>) semaphore(%run_scoped3A_150 : memref<!tpu.dma_semaphore, #tpu.memory_space<semaphore_mem>>) {add = true}
        %dma_wait3A_157 = arith.constant 0 : i32
        %dma_wait3A_158 = tpu.memref_slice %arg10[%run_scoped3A_65, %dma_wait3A_157] : memref<8x128xi32, #tpu.memory_space<vmem>> -> memref<1x128xi32, #tpu.memory_space<vmem>>
        %dma_wait3A_159 = tpu.memref_squeeze %dma_wait3A_158 : memref<1x128xi32, #tpu.memory_space<vmem>> -> memref<128xi32, #tpu.memory_space<vmem>>
        %dma_wait3A_160 = arith.constant 0 : i32
        %dma_wait3A_161 = arith.constant 0 : i32
        %dma_wait3A_162 = tpu.memref_slice %arg13[%dma_wait3A_160, %dma_wait3A_161] : memref<10240x128xf32, #tpu.memory_space<vmem_shared>> -> memref<10240x128xf32, #tpu.memory_space<vmem_shared>>
        tpu.wait_indirect_dma semaphore(%run_scoped3A_150 : memref<!tpu.dma_semaphore, #tpu.memory_space<semaphore_mem>>) src(%arg12 : memref<128x128xf32, #tpu.memory_space<vmem>>) dst(%dma_wait3A_162 : memref<10240x128xf32, #tpu.memory_space<vmem_shared>>)
        tpu.yield
      }) : () -> ()
      %dma_start3A_66 = arith.constant 3 : i32
      %dma_start3A_67 = arith.constant 0 : i32
      %dma_start3A_68 = tpu.memref_slice %arg9[%dma_start3A_66, %dma_start3A_67] : memref<8x128xi32, #tpu.memory_space<vmem>> -> memref<1x128xi32, #tpu.memory_space<vmem>>
      %dma_start3A_69 = tpu.memref_squeeze %dma_start3A_68 : memref<1x128xi32, #tpu.memory_space<vmem>> -> memref<128xi32, #tpu.memory_space<vmem>>
      %dma_start3A_70 = arith.constant 0 : i32
      %dma_start3A_71 = arith.constant 0 : i32
      %dma_start3A_72 = tpu.memref_slice %arg2[%dma_start3A_70, %dma_start3A_71] : memref<10000x128xf32, #tpu.memory_space<hbm>> -> memref<10000x128xf32, #tpu.memory_space<hbm>>
      tpu.enqueue_indirect_dma source(%dma_start3A_72 : memref<10000x128xf32, #tpu.memory_space<hbm>>) target(%arg12 : memref<128x128xf32, #tpu.memory_space<vmem>>) offsets(%dma_start3A_69 : memref<128xi32, #tpu.memory_space<vmem>>) semaphore(%arg15 : memref<!tpu.dma_semaphore, #tpu.memory_space<semaphore_mem>>)
      %dma_wait3A_73 = arith.constant 2 : i32
      %dma_wait3A_74 = arith.constant 0 : i32
      %dma_wait3A_75 = tpu.memref_slice %arg9[%dma_wait3A_73, %dma_wait3A_74] : memref<8x128xi32, #tpu.memory_space<vmem>> -> memref<1x128xi32, #tpu.memory_space<vmem>>
      %dma_wait3A_76 = tpu.memref_squeeze %dma_wait3A_75 : memref<1x128xi32, #tpu.memory_space<vmem>> -> memref<128xi32, #tpu.memory_space<vmem>>
      %dma_wait3A_77 = arith.constant 0 : i32
      %dma_wait3A_78 = arith.constant 0 : i32
      %dma_wait3A_79 = tpu.memref_slice %arg2[%dma_wait3A_77, %dma_wait3A_78] : memref<10000x128xf32, #tpu.memory_space<hbm>> -> memref<10000x128xf32, #tpu.memory_space<hbm>>
      tpu.wait_indirect_dma semaphore(%arg14 : memref<!tpu.dma_semaphore, #tpu.memory_space<semaphore_mem>>) src(%dma_wait3A_79 : memref<10000x128xf32, #tpu.memory_space<hbm>>) dst(%arg11 : memref<128x128xf32, #tpu.memory_space<vmem>>)
      %run_scoped3A_80 = arith.constant 2 : i32
      "tpu.region"() ({
        %run_scoped3A_150 = tpu.sem_alloc : memref<!tpu.dma_semaphore, #tpu.memory_space<semaphore_mem>>
        %dma_start3A_151 = arith.constant 0 : i32
        %dma_start3A_152 = tpu.memref_slice %arg10[%run_scoped3A_80, %dma_start3A_151] : memref<8x128xi32, #tpu.memory_space<vmem>> -> memref<1x128xi32, #tpu.memory_space<vmem>>
        %dma_start3A_153 = tpu.memref_squeeze %dma_start3A_152 : memref<1x128xi32, #tpu.memory_space<vmem>> -> memref<128xi32, #tpu.memory_space<vmem>>
        %dma_start3A_154 = arith.constant 0 : i32
        %dma_start3A_155 = arith.constant 0 : i32
        %dma_start3A_156 = tpu.memref_slice %arg13[%dma_start3A_154, %dma_start3A_155] : memref<10240x128xf32, #tpu.memory_space<vmem_shared>> -> memref<10240x128xf32, #tpu.memory_space<vmem_shared>>
        tpu.enqueue_indirect_dma source(%arg11 : memref<128x128xf32, #tpu.memory_space<vmem>>) target(%dma_start3A_156 : memref<10240x128xf32, #tpu.memory_space<vmem_shared>>) offsets(%dma_start3A_153 : memref<128xi32, #tpu.memory_space<vmem>>) semaphore(%run_scoped3A_150 : memref<!tpu.dma_semaphore, #tpu.memory_space<semaphore_mem>>) {add = true}
        %dma_wait3A_157 = arith.constant 0 : i32
        %dma_wait3A_158 = tpu.memref_slice %arg10[%run_scoped3A_80, %dma_wait3A_157] : memref<8x128xi32, #tpu.memory_space<vmem>> -> memref<1x128xi32, #tpu.memory_space<vmem>>
        %dma_wait3A_159 = tpu.memref_squeeze %dma_wait3A_158 : memref<1x128xi32, #tpu.memory_space<vmem>> -> memref<128xi32, #tpu.memory_space<vmem>>
        %dma_wait3A_160 = arith.constant 0 : i32
        %dma_wait3A_161 = arith.constant 0 : i32
        %dma_wait3A_162 = tpu.memref_slice %arg13[%dma_wait3A_160, %dma_wait3A_161] : memref<10240x128xf32, #tpu.memory_space<vmem_shared>> -> memref<10240x128xf32, #tpu.memory_space<vmem_shared>>
        tpu.wait_indirect_dma semaphore(%run_scoped3A_150 : memref<!tpu.dma_semaphore, #tpu.memory_space<semaphore_mem>>) src(%arg11 : memref<128x128xf32, #tpu.memory_space<vmem>>) dst(%dma_wait3A_162 : memref<10240x128xf32, #tpu.memory_space<vmem_shared>>)
        tpu.yield
      }) : () -> ()
      %dma_start3A_81 = arith.constant 4 : i32
      %dma_start3A_82 = arith.constant 0 : i32
      %dma_start3A_83 = tpu.memref_slice %arg9[%dma_start3A_81, %dma_start3A_82] : memref<8x128xi32, #tpu.memory_space<vmem>> -> memref<1x128xi32, #tpu.memory_space<vmem>>
      %dma_start3A_84 = tpu.memref_squeeze %dma_start3A_83 : memref<1x128xi32, #tpu.memory_space<vmem>> -> memref<128xi32, #tpu.memory_space<vmem>>
      %dma_start3A_85 = arith.constant 0 : i32
      %dma_start3A_86 = arith.constant 0 : i32
      %dma_start3A_87 = tpu.memref_slice %arg2[%dma_start3A_85, %dma_start3A_86] : memref<10000x128xf32, #tpu.memory_space<hbm>> -> memref<10000x128xf32, #tpu.memory_space<hbm>>
      tpu.enqueue_indirect_dma source(%dma_start3A_87 : memref<10000x128xf32, #tpu.memory_space<hbm>>) target(%arg11 : memref<128x128xf32, #tpu.memory_space<vmem>>) offsets(%dma_start3A_84 : memref<128xi32, #tpu.memory_space<vmem>>) semaphore(%arg14 : memref<!tpu.dma_semaphore, #tpu.memory_space<semaphore_mem>>)
      %dma_wait3A_88 = arith.constant 3 : i32
      %dma_wait3A_89 = arith.constant 0 : i32
      %dma_wait3A_90 = tpu.memref_slice %arg9[%dma_wait3A_88, %dma_wait3A_89] : memref<8x128xi32, #tpu.memory_space<vmem>> -> memref<1x128xi32, #tpu.memory_space<vmem>>
      %dma_wait3A_91 = tpu.memref_squeeze %dma_wait3A_90 : memref<1x128xi32, #tpu.memory_space<vmem>> -> memref<128xi32, #tpu.memory_space<vmem>>
      %dma_wait3A_92 = arith.constant 0 : i32
      %dma_wait3A_93 = arith.constant 0 : i32
      %dma_wait3A_94 = tpu.memref_slice %arg2[%dma_wait3A_92, %dma_wait3A_93] : memref<10000x128xf32, #tpu.memory_space<hbm>> -> memref<10000x128xf32, #tpu.memory_space<hbm>>
      tpu.wait_indirect_dma semaphore(%arg15 : memref<!tpu.dma_semaphore, #tpu.memory_space<semaphore_mem>>) src(%dma_wait3A_94 : memref<10000x128xf32, #tpu.memory_space<hbm>>) dst(%arg12 : memref<128x128xf32, #tpu.memory_space<vmem>>)
      %run_scoped3A_95 = arith.constant 3 : i32
      "tpu.region"() ({
        %run_scoped3A_150 = tpu.sem_alloc : memref<!tpu.dma_semaphore, #tpu.memory_space<semaphore_mem>>
        %dma_start3A_151 = arith.constant 0 : i32
        %dma_start3A_152 = tpu.memref_slice %arg10[%run_scoped3A_95, %dma_start3A_151] : memref<8x128xi32, #tpu.memory_space<vmem>> -> memref<1x128xi32, #tpu.memory_space<vmem>>
        %dma_start3A_153 = tpu.memref_squeeze %dma_start3A_152 : memref<1x128xi32, #tpu.memory_space<vmem>> -> memref<128xi32, #tpu.memory_space<vmem>>
        %dma_start3A_154 = arith.constant 0 : i32
        %dma_start3A_155 = arith.constant 0 : i32
        %dma_start3A_156 = tpu.memref_slice %arg13[%dma_start3A_154, %dma_start3A_155] : memref<10240x128xf32, #tpu.memory_space<vmem_shared>> -> memref<10240x128xf32, #tpu.memory_space<vmem_shared>>
        tpu.enqueue_indirect_dma source(%arg12 : memref<128x128xf32, #tpu.memory_space<vmem>>) target(%dma_start3A_156 : memref<10240x128xf32, #tpu.memory_space<vmem_shared>>) offsets(%dma_start3A_153 : memref<128xi32, #tpu.memory_space<vmem>>) semaphore(%run_scoped3A_150 : memref<!tpu.dma_semaphore, #tpu.memory_space<semaphore_mem>>) {add = true}
        %dma_wait3A_157 = arith.constant 0 : i32
        %dma_wait3A_158 = tpu.memref_slice %arg10[%run_scoped3A_95, %dma_wait3A_157] : memref<8x128xi32, #tpu.memory_space<vmem>> -> memref<1x128xi32, #tpu.memory_space<vmem>>
        %dma_wait3A_159 = tpu.memref_squeeze %dma_wait3A_158 : memref<1x128xi32, #tpu.memory_space<vmem>> -> memref<128xi32, #tpu.memory_space<vmem>>
        %dma_wait3A_160 = arith.constant 0 : i32
        %dma_wait3A_161 = arith.constant 0 : i32
        %dma_wait3A_162 = tpu.memref_slice %arg13[%dma_wait3A_160, %dma_wait3A_161] : memref<10240x128xf32, #tpu.memory_space<vmem_shared>> -> memref<10240x128xf32, #tpu.memory_space<vmem_shared>>
        tpu.wait_indirect_dma semaphore(%run_scoped3A_150 : memref<!tpu.dma_semaphore, #tpu.memory_space<semaphore_mem>>) src(%arg12 : memref<128x128xf32, #tpu.memory_space<vmem>>) dst(%dma_wait3A_162 : memref<10240x128xf32, #tpu.memory_space<vmem_shared>>)
        tpu.yield
      }) : () -> ()
      %dma_start3A_96 = arith.constant 5 : i32
      %dma_start3A_97 = arith.constant 0 : i32
      %dma_start3A_98 = tpu.memref_slice %arg9[%dma_start3A_96, %dma_start3A_97] : memref<8x128xi32, #tpu.memory_space<vmem>> -> memref<1x128xi32, #tpu.memory_space<vmem>>
      %dma_start3A_99 = tpu.memref_squeeze %dma_start3A_98 : memref<1x128xi32, #tpu.memory_space<vmem>> -> memref<128xi32, #tpu.memory_space<vmem>>
      %dma_start3A_100 = arith.constant 0 : i32
      %dma_start3A_101 = arith.constant 0 : i32
      %dma_start3A_102 = tpu.memref_slice %arg2[%dma_start3A_100, %dma_start3A_101] : memref<10000x128xf32, #tpu.memory_space<hbm>> -> memref<10000x128xf32, #tpu.memory_space<hbm>>
      tpu.enqueue_indirect_dma source(%dma_start3A_102 : memref<10000x128xf32, #tpu.memory_space<hbm>>) target(%arg12 : memref<128x128xf32, #tpu.memory_space<vmem>>) offsets(%dma_start3A_99 : memref<128xi32, #tpu.memory_space<vmem>>) semaphore(%arg15 : memref<!tpu.dma_semaphore, #tpu.memory_space<semaphore_mem>>)
      %dma_wait3A_103 = arith.constant 4 : i32
      %dma_wait3A_104 = arith.constant 0 : i32
      %dma_wait3A_105 = tpu.memref_slice %arg9[%dma_wait3A_103, %dma_wait3A_104] : memref<8x128xi32, #tpu.memory_space<vmem>> -> memref<1x128xi32, #tpu.memory_space<vmem>>
      %dma_wait3A_106 = tpu.memref_squeeze %dma_wait3A_105 : memref<1x128xi32, #tpu.memory_space<vmem>> -> memref<128xi32, #tpu.memory_space<vmem>>
      %dma_wait3A_107 = arith.constant 0 : i32
      %dma_wait3A_108 = arith.constant 0 : i32
      %dma_wait3A_109 = tpu.memref_slice %arg2[%dma_wait3A_107, %dma_wait3A_108] : memref<10000x128xf32, #tpu.memory_space<hbm>> -> memref<10000x128xf32, #tpu.memory_space<hbm>>
      tpu.wait_indirect_dma semaphore(%arg14 : memref<!tpu.dma_semaphore, #tpu.memory_space<semaphore_mem>>) src(%dma_wait3A_109 : memref<10000x128xf32, #tpu.memory_space<hbm>>) dst(%arg11 : memref<128x128xf32, #tpu.memory_space<vmem>>)
      %run_scoped3A_110 = arith.constant 4 : i32
      "tpu.region"() ({
        %run_scoped3A_150 = tpu.sem_alloc : memref<!tpu.dma_semaphore, #tpu.memory_space<semaphore_mem>>
        %dma_start3A_151 = arith.constant 0 : i32
        %dma_start3A_152 = tpu.memref_slice %arg10[%run_scoped3A_110, %dma_start3A_151] : memref<8x128xi32, #tpu.memory_space<vmem>> -> memref<1x128xi32, #tpu.memory_space<vmem>>
        %dma_start3A_153 = tpu.memref_squeeze %dma_start3A_152 : memref<1x128xi32, #tpu.memory_space<vmem>> -> memref<128xi32, #tpu.memory_space<vmem>>
        %dma_start3A_154 = arith.constant 0 : i32
        %dma_start3A_155 = arith.constant 0 : i32
        %dma_start3A_156 = tpu.memref_slice %arg13[%dma_start3A_154, %dma_start3A_155] : memref<10240x128xf32, #tpu.memory_space<vmem_shared>> -> memref<10240x128xf32, #tpu.memory_space<vmem_shared>>
        tpu.enqueue_indirect_dma source(%arg11 : memref<128x128xf32, #tpu.memory_space<vmem>>) target(%dma_start3A_156 : memref<10240x128xf32, #tpu.memory_space<vmem_shared>>) offsets(%dma_start3A_153 : memref<128xi32, #tpu.memory_space<vmem>>) semaphore(%run_scoped3A_150 : memref<!tpu.dma_semaphore, #tpu.memory_space<semaphore_mem>>) {add = true}
        %dma_wait3A_157 = arith.constant 0 : i32
        %dma_wait3A_158 = tpu.memref_slice %arg10[%run_scoped3A_110, %dma_wait3A_157] : memref<8x128xi32, #tpu.memory_space<vmem>> -> memref<1x128xi32, #tpu.memory_space<vmem>>
        %dma_wait3A_159 = tpu.memref_squeeze %dma_wait3A_158 : memref<1x128xi32, #tpu.memory_space<vmem>> -> memref<128xi32, #tpu.memory_space<vmem>>
        %dma_wait3A_160 = arith.constant 0 : i32
        %dma_wait3A_161 = arith.constant 0 : i32
        %dma_wait3A_162 = tpu.memref_slice %arg13[%dma_wait3A_160, %dma_wait3A_161] : memref<10240x128xf32, #tpu.memory_space<vmem_shared>> -> memref<10240x128xf32, #tpu.memory_space<vmem_shared>>
        tpu.wait_indirect_dma semaphore(%run_scoped3A_150 : memref<!tpu.dma_semaphore, #tpu.memory_space<semaphore_mem>>) src(%arg11 : memref<128x128xf32, #tpu.memory_space<vmem>>) dst(%dma_wait3A_162 : memref<10240x128xf32, #tpu.memory_space<vmem_shared>>)
        tpu.yield
      }) : () -> ()
      %dma_start3A_111 = arith.constant 6 : i32
      %dma_start3A_112 = arith.constant 0 : i32
      %dma_start3A_113 = tpu.memref_slice %arg9[%dma_start3A_111, %dma_start3A_112] : memref<8x128xi32, #tpu.memory_space<vmem>> -> memref<1x128xi32, #tpu.memory_space<vmem>>
      %dma_start3A_114 = tpu.memref_squeeze %dma_start3A_113 : memref<1x128xi32, #tpu.memory_space<vmem>> -> memref<128xi32, #tpu.memory_space<vmem>>
      %dma_start3A_115 = arith.constant 0 : i32
      %dma_start3A_116 = arith.constant 0 : i32
      %dma_start3A_117 = tpu.memref_slice %arg2[%dma_start3A_115, %dma_start3A_116] : memref<10000x128xf32, #tpu.memory_space<hbm>> -> memref<10000x128xf32, #tpu.memory_space<hbm>>
      tpu.enqueue_indirect_dma source(%dma_start3A_117 : memref<10000x128xf32, #tpu.memory_space<hbm>>) target(%arg11 : memref<128x128xf32, #tpu.memory_space<vmem>>) offsets(%dma_start3A_114 : memref<128xi32, #tpu.memory_space<vmem>>) semaphore(%arg14 : memref<!tpu.dma_semaphore, #tpu.memory_space<semaphore_mem>>)
      %dma_wait3A_118 = arith.constant 5 : i32
      %dma_wait3A_119 = arith.constant 0 : i32
      %dma_wait3A_120 = tpu.memref_slice %arg9[%dma_wait3A_118, %dma_wait3A_119] : memref<8x128xi32, #tpu.memory_space<vmem>> -> memref<1x128xi32, #tpu.memory_space<vmem>>
      %dma_wait3A_121 = tpu.memref_squeeze %dma_wait3A_120 : memref<1x128xi32, #tpu.memory_space<vmem>> -> memref<128xi32, #tpu.memory_space<vmem>>
      %dma_wait3A_122 = arith.constant 0 : i32
      %dma_wait3A_123 = arith.constant 0 : i32
      %dma_wait3A_124 = tpu.memref_slice %arg2[%dma_wait3A_122, %dma_wait3A_123] : memref<10000x128xf32, #tpu.memory_space<hbm>> -> memref<10000x128xf32, #tpu.memory_space<hbm>>
      tpu.wait_indirect_dma semaphore(%arg15 : memref<!tpu.dma_semaphore, #tpu.memory_space<semaphore_mem>>) src(%dma_wait3A_124 : memref<10000x128xf32, #tpu.memory_space<hbm>>) dst(%arg12 : memref<128x128xf32, #tpu.memory_space<vmem>>)
      %run_scoped3A_125 = arith.constant 5 : i32
      "tpu.region"() ({
        %run_scoped3A_150 = tpu.sem_alloc : memref<!tpu.dma_semaphore, #tpu.memory_space<semaphore_mem>>
        %dma_start3A_151 = arith.constant 0 : i32
        %dma_start3A_152 = tpu.memref_slice %arg10[%run_scoped3A_125, %dma_start3A_151] : memref<8x128xi32, #tpu.memory_space<vmem>> -> memref<1x128xi32, #tpu.memory_space<vmem>>
        %dma_start3A_153 = tpu.memref_squeeze %dma_start3A_152 : memref<1x128xi32, #tpu.memory_space<vmem>> -> memref<128xi32, #tpu.memory_space<vmem>>
        %dma_start3A_154 = arith.constant 0 : i32
        %dma_start3A_155 = arith.constant 0 : i32
        %dma_start3A_156 = tpu.memref_slice %arg13[%dma_start3A_154, %dma_start3A_155] : memref<10240x128xf32, #tpu.memory_space<vmem_shared>> -> memref<10240x128xf32, #tpu.memory_space<vmem_shared>>
        tpu.enqueue_indirect_dma source(%arg12 : memref<128x128xf32, #tpu.memory_space<vmem>>) target(%dma_start3A_156 : memref<10240x128xf32, #tpu.memory_space<vmem_shared>>) offsets(%dma_start3A_153 : memref<128xi32, #tpu.memory_space<vmem>>) semaphore(%run_scoped3A_150 : memref<!tpu.dma_semaphore, #tpu.memory_space<semaphore_mem>>) {add = true}
        %dma_wait3A_157 = arith.constant 0 : i32
        %dma_wait3A_158 = tpu.memref_slice %arg10[%run_scoped3A_125, %dma_wait3A_157] : memref<8x128xi32, #tpu.memory_space<vmem>> -> memref<1x128xi32, #tpu.memory_space<vmem>>
        %dma_wait3A_159 = tpu.memref_squeeze %dma_wait3A_158 : memref<1x128xi32, #tpu.memory_space<vmem>> -> memref<128xi32, #tpu.memory_space<vmem>>
        %dma_wait3A_160 = arith.constant 0 : i32
        %dma_wait3A_161 = arith.constant 0 : i32
        %dma_wait3A_162 = tpu.memref_slice %arg13[%dma_wait3A_160, %dma_wait3A_161] : memref<10240x128xf32, #tpu.memory_space<vmem_shared>> -> memref<10240x128xf32, #tpu.memory_space<vmem_shared>>
        tpu.wait_indirect_dma semaphore(%run_scoped3A_150 : memref<!tpu.dma_semaphore, #tpu.memory_space<semaphore_mem>>) src(%arg12 : memref<128x128xf32, #tpu.memory_space<vmem>>) dst(%dma_wait3A_162 : memref<10240x128xf32, #tpu.memory_space<vmem_shared>>)
        tpu.yield
      }) : () -> ()
      %dma_start3A_126 = arith.constant 7 : i32
      %dma_start3A_127 = arith.constant 0 : i32
      %dma_start3A_128 = tpu.memref_slice %arg9[%dma_start3A_126, %dma_start3A_127] : memref<8x128xi32, #tpu.memory_space<vmem>> -> memref<1x128xi32, #tpu.memory_space<vmem>>
      %dma_start3A_129 = tpu.memref_squeeze %dma_start3A_128 : memref<1x128xi32, #tpu.memory_space<vmem>> -> memref<128xi32, #tpu.memory_space<vmem>>
      %dma_start3A_130 = arith.constant 0 : i32
      %dma_start3A_131 = arith.constant 0 : i32
      %dma_start3A_132 = tpu.memref_slice %arg2[%dma_start3A_130, %dma_start3A_131] : memref<10000x128xf32, #tpu.memory_space<hbm>> -> memref<10000x128xf32, #tpu.memory_space<hbm>>
      tpu.enqueue_indirect_dma source(%dma_start3A_132 : memref<10000x128xf32, #tpu.memory_space<hbm>>) target(%arg12 : memref<128x128xf32, #tpu.memory_space<vmem>>) offsets(%dma_start3A_129 : memref<128xi32, #tpu.memory_space<vmem>>) semaphore(%arg15 : memref<!tpu.dma_semaphore, #tpu.memory_space<semaphore_mem>>)
      %dma_wait3A_133 = arith.constant 6 : i32
      %dma_wait3A_134 = arith.constant 0 : i32
      %dma_wait3A_135 = tpu.memref_slice %arg9[%dma_wait3A_133, %dma_wait3A_134] : memref<8x128xi32, #tpu.memory_space<vmem>> -> memref<1x128xi32, #tpu.memory_space<vmem>>
      %dma_wait3A_136 = tpu.memref_squeeze %dma_wait3A_135 : memref<1x128xi32, #tpu.memory_space<vmem>> -> memref<128xi32, #tpu.memory_space<vmem>>
      %dma_wait3A_137 = arith.constant 0 : i32
      %dma_wait3A_138 = arith.constant 0 : i32
      %dma_wait3A_139 = tpu.memref_slice %arg2[%dma_wait3A_137, %dma_wait3A_138] : memref<10000x128xf32, #tpu.memory_space<hbm>> -> memref<10000x128xf32, #tpu.memory_space<hbm>>
      tpu.wait_indirect_dma semaphore(%arg14 : memref<!tpu.dma_semaphore, #tpu.memory_space<semaphore_mem>>) src(%dma_wait3A_139 : memref<10000x128xf32, #tpu.memory_space<hbm>>) dst(%arg11 : memref<128x128xf32, #tpu.memory_space<vmem>>)
      %run_scoped3A_140 = arith.constant 6 : i32
      "tpu.region"() ({
        %run_scoped3A_150 = tpu.sem_alloc : memref<!tpu.dma_semaphore, #tpu.memory_space<semaphore_mem>>
        %dma_start3A_151 = arith.constant 0 : i32
        %dma_start3A_152 = tpu.memref_slice %arg10[%run_scoped3A_140, %dma_start3A_151] : memref<8x128xi32, #tpu.memory_space<vmem>> -> memref<1x128xi32, #tpu.memory_space<vmem>>
        %dma_start3A_153 = tpu.memref_squeeze %dma_start3A_152 : memref<1x128xi32, #tpu.memory_space<vmem>> -> memref<128xi32, #tpu.memory_space<vmem>>
        %dma_start3A_154 = arith.constant 0 : i32
        %dma_start3A_155 = arith.constant 0 : i32
        %dma_start3A_156 = tpu.memref_slice %arg13[%dma_start3A_154, %dma_start3A_155] : memref<10240x128xf32, #tpu.memory_space<vmem_shared>> -> memref<10240x128xf32, #tpu.memory_space<vmem_shared>>
        tpu.enqueue_indirect_dma source(%arg11 : memref<128x128xf32, #tpu.memory_space<vmem>>) target(%dma_start3A_156 : memref<10240x128xf32, #tpu.memory_space<vmem_shared>>) offsets(%dma_start3A_153 : memref<128xi32, #tpu.memory_space<vmem>>) semaphore(%run_scoped3A_150 : memref<!tpu.dma_semaphore, #tpu.memory_space<semaphore_mem>>) {add = true}
        %dma_wait3A_157 = arith.constant 0 : i32
        %dma_wait3A_158 = tpu.memref_slice %arg10[%run_scoped3A_140, %dma_wait3A_157] : memref<8x128xi32, #tpu.memory_space<vmem>> -> memref<1x128xi32, #tpu.memory_space<vmem>>
        %dma_wait3A_159 = tpu.memref_squeeze %dma_wait3A_158 : memref<1x128xi32, #tpu.memory_space<vmem>> -> memref<128xi32, #tpu.memory_space<vmem>>
        %dma_wait3A_160 = arith.constant 0 : i32
        %dma_wait3A_161 = arith.constant 0 : i32
        %dma_wait3A_162 = tpu.memref_slice %arg13[%dma_wait3A_160, %dma_wait3A_161] : memref<10240x128xf32, #tpu.memory_space<vmem_shared>> -> memref<10240x128xf32, #tpu.memory_space<vmem_shared>>
        tpu.wait_indirect_dma semaphore(%run_scoped3A_150 : memref<!tpu.dma_semaphore, #tpu.memory_space<semaphore_mem>>) src(%arg11 : memref<128x128xf32, #tpu.memory_space<vmem>>) dst(%dma_wait3A_162 : memref<10240x128xf32, #tpu.memory_space<vmem_shared>>)
        tpu.yield
      }) : () -> ()
      %dma_wait3A_141 = arith.constant 7 : i32
      %dma_wait3A_142 = arith.constant 0 : i32
      %dma_wait3A_143 = tpu.memref_slice %arg9[%dma_wait3A_141, %dma_wait3A_142] : memref<8x128xi32, #tpu.memory_space<vmem>> -> memref<1x128xi32, #tpu.memory_space<vmem>>
      %dma_wait3A_144 = tpu.memref_squeeze %dma_wait3A_143 : memref<1x128xi32, #tpu.memory_space<vmem>> -> memref<128xi32, #tpu.memory_space<vmem>>
      %dma_wait3A_145 = arith.constant 0 : i32
      %dma_wait3A_146 = arith.constant 0 : i32
      %dma_wait3A_147 = tpu.memref_slice %arg2[%dma_wait3A_145, %dma_wait3A_146] : memref<10000x128xf32, #tpu.memory_space<hbm>> -> memref<10000x128xf32, #tpu.memory_space<hbm>>
      tpu.wait_indirect_dma semaphore(%arg15 : memref<!tpu.dma_semaphore, #tpu.memory_space<semaphore_mem>>) src(%dma_wait3A_147 : memref<10000x128xf32, #tpu.memory_space<hbm>>) dst(%arg12 : memref<128x128xf32, #tpu.memory_space<vmem>>)
      %run_scoped3A_148 = arith.constant 7 : i32
      "tpu.region"() ({
        %run_scoped3A_150 = tpu.sem_alloc : memref<!tpu.dma_semaphore, #tpu.memory_space<semaphore_mem>>
        %dma_start3A_151 = arith.constant 0 : i32
        %dma_start3A_152 = tpu.memref_slice %arg10[%run_scoped3A_148, %dma_start3A_151] : memref<8x128xi32, #tpu.memory_space<vmem>> -> memref<1x128xi32, #tpu.memory_space<vmem>>
        %dma_start3A_153 = tpu.memref_squeeze %dma_start3A_152 : memref<1x128xi32, #tpu.memory_space<vmem>> -> memref<128xi32, #tpu.memory_space<vmem>>
        %dma_start3A_154 = arith.constant 0 : i32
        %dma_start3A_155 = arith.constant 0 : i32
        %dma_start3A_156 = tpu.memref_slice %arg13[%dma_start3A_154, %dma_start3A_155] : memref<10240x128xf32, #tpu.memory_space<vmem_shared>> -> memref<10240x128xf32, #tpu.memory_space<vmem_shared>>
        tpu.enqueue_indirect_dma source(%arg12 : memref<128x128xf32, #tpu.memory_space<vmem>>) target(%dma_start3A_156 : memref<10240x128xf32, #tpu.memory_space<vmem_shared>>) offsets(%dma_start3A_153 : memref<128xi32, #tpu.memory_space<vmem>>) semaphore(%run_scoped3A_150 : memref<!tpu.dma_semaphore, #tpu.memory_space<semaphore_mem>>) {add = true}
        %dma_wait3A_157 = arith.constant 0 : i32
        %dma_wait3A_158 = tpu.memref_slice %arg10[%run_scoped3A_148, %dma_wait3A_157] : memref<8x128xi32, #tpu.memory_space<vmem>> -> memref<1x128xi32, #tpu.memory_space<vmem>>
        %dma_wait3A_159 = tpu.memref_squeeze %dma_wait3A_158 : memref<1x128xi32, #tpu.memory_space<vmem>> -> memref<128xi32, #tpu.memory_space<vmem>>
        %dma_wait3A_160 = arith.constant 0 : i32
        %dma_wait3A_161 = arith.constant 0 : i32
        %dma_wait3A_162 = tpu.memref_slice %arg13[%dma_wait3A_160, %dma_wait3A_161] : memref<10240x128xf32, #tpu.memory_space<vmem_shared>> -> memref<10240x128xf32, #tpu.memory_space<vmem_shared>>
        tpu.wait_indirect_dma semaphore(%run_scoped3A_150 : memref<!tpu.dma_semaphore, #tpu.memory_space<semaphore_mem>>) src(%arg12 : memref<128x128xf32, #tpu.memory_space<vmem>>) dst(%dma_wait3A_162 : memref<10240x128xf32, #tpu.memory_space<vmem_shared>>)
        tpu.yield
      }) : () -> ()
      %scan3A_149 = arith.constant 1 : i32
    } else {
    }
    %barrier3A_16 = arith.constant 0 : index
    tpu.barrier barrier_id(%barrier3A_16)
    %mul3A = arith.constant 640 : i32
    %mul3A_17 = arith.muli %arg1, %mul3A : i32
    %multiple_of3A = tpu.assume_multiple %mul3A_17, 8 : i32
    %eq3A_18 = arith.constant 0 : i32
    %eq3A_19 = arith.cmpi eq, %arg0, %eq3A_18 : i32
    %convert_element_type3A_20 = arith.extui %eq3A_19 : i1 to i32
    %cond3A_21 = arith.constant 0 : i32
    %cond3A_22 = arith.cmpi ne, %convert_element_type3A_20, %cond3A_21 : i32
    scf.if %cond3A_22 {
      "tpu.region"() ({
        %run_scoped3A = tpu.sem_alloc : memref<!tpu.dma_semaphore, #tpu.memory_space<semaphore_mem>>
        %dma_start3A = arith.constant 0 : i32
        %dma_start3A_28 = tpu.memref_slice %arg7[%multiple_of3A, %dma_start3A] : memref<10240x128xf32, #tpu.memory_space<hbm>> -> memref<640x128xf32, #tpu.memory_space<hbm>>
        %dma_start3A_29 = arith.constant 0 : i32
        %dma_start3A_30 = tpu.memref_slice %arg13[%multiple_of3A, %dma_start3A_29] : memref<10240x128xf32, #tpu.memory_space<vmem_shared>> -> memref<640x128xf32, #tpu.memory_space<vmem_shared>>
        tpu.enqueue_dma source(%dma_start3A_30 : memref<640x128xf32, #tpu.memory_space<vmem_shared>>) target(%dma_start3A_28 : memref<640x128xf32, #tpu.memory_space<hbm>>) target_semaphore(%run_scoped3A : memref<!tpu.dma_semaphore, #tpu.memory_space<semaphore_mem>>)
        %dma_wait3A = arith.constant 0 : i32
        %dma_wait3A_31 = tpu.memref_slice %arg7[%multiple_of3A, %dma_wait3A] : memref<10240x128xf32, #tpu.memory_space<hbm>> -> memref<640x128xf32, #tpu.memory_space<hbm>>
        %dma_wait3A_32 = arith.constant 0 : i32
        %dma_wait3A_33 = tpu.memref_slice %arg13[%multiple_of3A, %dma_wait3A_32] : memref<10240x128xf32, #tpu.memory_space<vmem_shared>> -> memref<640x128xf32, #tpu.memory_space<vmem_shared>>
        tpu.wait_dma2 semaphore(%run_scoped3A : memref<!tpu.dma_semaphore, #tpu.memory_space<semaphore_mem>>) src(%dma_wait3A_33 : memref<640x128xf32, #tpu.memory_space<vmem_shared>>) dst(%dma_wait3A_31 : memref<640x128xf32, #tpu.memory_space<hbm>>)
        tpu.yield
      }) : () -> ()
    } else {
    }
    %eq3A_23 = arith.constant 1 : i32
    %eq3A_24 = arith.cmpi eq, %arg0, %eq3A_23 : i32
    %convert_element_type3A_25 = arith.extui %eq3A_24 : i1 to i32
    %cond3A_26 = arith.constant 0 : i32
    %cond3A_27 = arith.cmpi ne, %convert_element_type3A_25, %cond3A_26 : i32
    scf.if %cond3A_27 {
      "tpu.region"() ({
        %run_scoped3A = tpu.sem_alloc : memref<!tpu.dma_semaphore, #tpu.memory_space<semaphore_mem>>
        %dma_start3A = arith.constant 0 : i32
        %dma_start3A_28 = tpu.memref_slice %arg8[%multiple_of3A, %dma_start3A] : memref<10240x128xf32, #tpu.memory_space<hbm>> -> memref<640x128xf32, #tpu.memory_space<hbm>>
        %dma_start3A_29 = arith.constant 0 : i32
        %dma_start3A_30 = tpu.memref_slice %arg13[%multiple_of3A, %dma_start3A_29] : memref<10240x128xf32, #tpu.memory_space<vmem_shared>> -> memref<640x128xf32, #tpu.memory_space<vmem_shared>>
        tpu.enqueue_dma source(%dma_start3A_30 : memref<640x128xf32, #tpu.memory_space<vmem_shared>>) target(%dma_start3A_28 : memref<640x128xf32, #tpu.memory_space<hbm>>) target_semaphore(%run_scoped3A : memref<!tpu.dma_semaphore, #tpu.memory_space<semaphore_mem>>)
        %dma_wait3A = arith.constant 0 : i32
        %dma_wait3A_31 = tpu.memref_slice %arg8[%multiple_of3A, %dma_wait3A] : memref<10240x128xf32, #tpu.memory_space<hbm>> -> memref<640x128xf32, #tpu.memory_space<hbm>>
        %dma_wait3A_32 = arith.constant 0 : i32
        %dma_wait3A_33 = tpu.memref_slice %arg13[%multiple_of3A, %dma_wait3A_32] : memref<10240x128xf32, #tpu.memory_space<vmem_shared>> -> memref<640x128xf32, #tpu.memory_space<vmem_shared>>
        tpu.wait_dma2 semaphore(%run_scoped3A : memref<!tpu.dma_semaphore, #tpu.memory_space<semaphore_mem>>) src(%dma_wait3A_33 : memref<640x128xf32, #tpu.memory_space<vmem_shared>>) dst(%dma_wait3A_31 : memref<640x128xf32, #tpu.memory_space<hbm>>)
        tpu.yield
      }) : () -> ()
    } else {
    }
    return
  }
}

#map = affine_map<(d0, d1) -> (0, 0)>
#map1 = affine_map<(d0, d1) -> (0, 0, 0, 0)>
module attributes {stable_mosaic.version = 14 : i64} {
  func.func @_agg_body(%arg0: i32, %arg1: i32, %arg2: memref<10000x128xf32, #tpu.memory_space<hbm>>, %arg3: memref<16x19x8x128xi32, #tpu.memory_space<hbm>>, %arg4: memref<16x19x8x128xi32, #tpu.memory_space<hbm>>, %arg5: memref<16x1x8x128xi32, #tpu.memory_space<hbm>>, %arg6: memref<16x1x8x128xi32, #tpu.memory_space<hbm>>, %arg7: memref<10240x128xf32, #tpu.memory_space<hbm>>, %arg8: memref<10240x128xf32, #tpu.memory_space<hbm>>, %arg9: memref<8x128xi32, #tpu.memory_space<vmem>>, %arg10: memref<8x128xi32, #tpu.memory_space<vmem>>, %arg11: memref<128x128xf32, #tpu.memory_space<vmem>>, %arg12: memref<128x128xf32, #tpu.memory_space<vmem>>, %arg13: memref<10240x128xf32, #tpu.memory_space<vmem_shared>>, %arg14: memref<!tpu.dma_semaphore, #tpu.memory_space<semaphore_mem>>, %arg15: memref<!tpu.dma_semaphore, #tpu.memory_space<semaphore_mem>>) attributes {dimension_semantics = [#tpu.dimension_semantics<core_parallel>, #tpu.dimension_semantics<subcore_parallel>], iteration_bounds = array<i64: 2, 16>, scalar_prefetch = 0 : i64, scratch_operands = 7 : i64, tpu.core_type = #tpu.core_type<sc_vector_subcore>, window_params = [{transform_indices = #map}, {transform_indices = #map1}, {transform_indices = #map1}, {transform_indices = #map1}, {transform_indices = #map1}, {transform_indices = #map}, {transform_indices = #map}]} {
    %scan3A = arith.constant 0 : i32
    %scan3A_0 = arith.constant 128 : i32
    %scan3A_1 = arith.addi %scan3A, %scan3A_0 : i32
    %scan3A_2 = arith.constant 1 : i32
    scf.for %scan3A_28 = %scan3A to %scan3A_1 step %scan3A_2  : i32 {
      %mul3A_29 = arith.constant 1 : i32
      %mul3A_30 = arith.muli %scan3A_28, %mul3A_29 : i32
      %add3A = arith.constant 0 : i32
      %add3A_31 = arith.addi %add3A, %mul3A_30 : i32
      %scan3A_32 = arith.constant 0 : i32
      %scan3A_33 = arith.constant 8 : i32
      %scan3A_34 = arith.addi %scan3A_32, %scan3A_33 : i32
      %scan3A_35 = arith.constant 1 : i32
      scf.for %scan3A_37 = %scan3A_32 to %scan3A_34 step %scan3A_35  : i32 {
        %mul3A_38 = arith.constant 16 : i32
        %mul3A_39 = arith.muli %scan3A_37, %mul3A_38 : i32
        %add3A_40 = arith.constant 0 : i32
        %add3A_41 = arith.addi %add3A_40, %mul3A_39 : i32
        %broadcast_in_dim3A = arith.constant 0.000000e+00 : f32
        %broadcast_in_dim3A_42 = vector.broadcast %broadcast_in_dim3A : f32 to vector<16xf32>
        %swap3A = arith.index_cast %add3A_31 : i32 to index
        %swap3A_43 = arith.index_cast %add3A_41 : i32 to index
        %swap3A_44 = tpu.vector_load %arg11[%swap3A, %swap3A_43] {strides = array<i32>} : memref<128x128xf32, #tpu.memory_space<vmem>>, vector<1x16xf32>,
        %swap3A_45 = vector.shape_cast %swap3A_44 : vector<1x16xf32> to vector<16xf32>
        %swap3A_46 = vector.shape_cast %broadcast_in_dim3A_42 : vector<16xf32> to vector<1x16xf32>
        tpu.vector_store %arg11[%swap3A, %swap3A_43], %swap3A_46 {strides = array<i32>} : memref<128x128xf32, #tpu.memory_space<vmem>>, vector<1x16xf32>,
      }
      %scan3A_36 = arith.constant 8 : i32
    }
    %scan3A_3 = arith.constant 128 : i32
    %scan3A_4 = arith.constant 0 : i32
    %scan3A_5 = arith.constant 5 : i32
    %scan3A_6 = arith.addi %scan3A_4, %scan3A_5 : i32
    %scan3A_7 = arith.constant 1 : i32
    scf.for %scan3A_28 = %scan3A_4 to %scan3A_6 step %scan3A_7  : i32 {
      %mul3A_29 = arith.constant 1 : i32
      %mul3A_30 = arith.muli %scan3A_28, %mul3A_29 : i32
      %add3A = arith.constant 0 : i32
      %add3A_31 = arith.addi %add3A, %mul3A_30 : i32
      %mul3A_32 = arith.constant 640 : i32
      %mul3A_33 = arith.muli %arg1, %mul3A_32 : i32
      %mul3A_34 = arith.constant 128 : i32
      %mul3A_35 = arith.muli %add3A_31, %mul3A_34 : i32
      %add3A_36 = arith.addi %mul3A_33, %mul3A_35 : i32
      %multiple_of3A_37 = tpu.assume_multiple %add3A_36, 8 : i32
      "tpu.region"() ({
        %run_scoped3A = tpu.sem_alloc : memref<!tpu.dma_semaphore, #tpu.memory_space<semaphore_mem>>
        %dma_start3A = arith.constant 0 : i32
        %dma_start3A_38 = tpu.memref_slice %arg13[%multiple_of3A_37, %dma_start3A] : memref<10240x128xf32, #tpu.memory_space<vmem_shared>> -> memref<128x128xf32, #tpu.memory_space<vmem_shared>>
        %dma_start3A_39 = arith.constant 0 : i32
        %dma_start3A_40 = tpu.memref_slice %arg13[%multiple_of3A_37, %dma_start3A_39] : memref<10240x128xf32, #tpu.memory_space<vmem_shared>> -> memref<128x128xf32, #tpu.memory_space<vmem_shared>>
        tpu.enqueue_dma source(%arg11 : memref<128x128xf32, #tpu.memory_space<vmem>>) target(%dma_start3A_40 : memref<128x128xf32, #tpu.memory_space<vmem_shared>>) target_semaphore(%run_scoped3A : memref<!tpu.dma_semaphore, #tpu.memory_space<semaphore_mem>>)
        %dma_wait3A = arith.constant 0 : i32
        %dma_wait3A_41 = tpu.memref_slice %arg13[%multiple_of3A_37, %dma_wait3A] : memref<10240x128xf32, #tpu.memory_space<vmem_shared>> -> memref<128x128xf32, #tpu.memory_space<vmem_shared>>
        %dma_wait3A_42 = arith.constant 0 : i32
        %dma_wait3A_43 = tpu.memref_slice %arg13[%multiple_of3A_37, %dma_wait3A_42] : memref<10240x128xf32, #tpu.memory_space<vmem_shared>> -> memref<128x128xf32, #tpu.memory_space<vmem_shared>>
        tpu.wait_dma2 semaphore(%run_scoped3A : memref<!tpu.dma_semaphore, #tpu.memory_space<semaphore_mem>>) src(%arg11 : memref<128x128xf32, #tpu.memory_space<vmem>>) dst(%dma_wait3A_43 : memref<128x128xf32, #tpu.memory_space<vmem_shared>>)
        tpu.yield
      }) : () -> ()
    }
    %scan3A_8 = arith.constant 5 : i32
    %barrier3A = arith.constant 0 : index
    tpu.barrier barrier_id(%barrier3A)
    %eq3A = arith.constant 0 : i32
    %eq3A_9 = arith.cmpi eq, %arg0, %eq3A : i32
    %convert_element_type3A = arith.extui %eq3A_9 : i1 to i32
    %cond3A = arith.constant 0 : i32
    %cond3A_10 = arith.cmpi ne, %convert_element_type3A, %cond3A : i32
    scf.if %cond3A_10 {
      %scan3A_28 = arith.constant 0 : i32
      %scan3A_29 = arith.constant 19 : i32
      %scan3A_30 = arith.addi %scan3A_28, %scan3A_29 : i32
      %scan3A_31 = arith.constant 1 : i32
      scf.for %scan3A_33 = %scan3A_28 to %scan3A_30 step %scan3A_31  : i32 {
        %mul3A_34 = arith.constant 1 : i32
        %mul3A_35 = arith.muli %scan3A_33, %mul3A_34 : i32
        %add3A = arith.constant 0 : i32
        %add3A_36 = arith.addi %add3A, %mul3A_35 : i32
        "tpu.region"() ({
          %run_scoped3A_154 = tpu.sem_alloc : memref<!tpu.dma_semaphore, #tpu.memory_space<semaphore_mem>>
          %dma_start3A_155 = arith.constant 0 : i32
          %dma_start3A_156 = arith.constant 0 : i32
          %dma_start3A_157 = arith.constant 0 : i32
          %dma_start3A_158 = tpu.memref_slice %arg3[%arg1, %dma_start3A_155, %dma_start3A_156, %dma_start3A_157] : memref<16x19x8x128xi32, #tpu.memory_space<hbm>> -> memref<1x19x8x128xi32, #tpu.memory_space<hbm>>
          %dma_start3A_159 = tpu.memref_squeeze %dma_start3A_158 : memref<1x19x8x128xi32, #tpu.memory_space<hbm>> -> memref<19x8x128xi32, #tpu.memory_space<hbm>>
          %dma_start3A_160 = arith.constant 0 : i32
          %dma_start3A_161 = arith.constant 0 : i32
          %dma_start3A_162 = tpu.memref_slice %dma_start3A_159[%add3A_36, %dma_start3A_160, %dma_start3A_161] : memref<19x8x128xi32, #tpu.memory_space<hbm>> -> memref<1x8x128xi32, #tpu.memory_space<hbm>>
          %dma_start3A_163 = tpu.memref_squeeze %dma_start3A_162 : memref<1x8x128xi32, #tpu.memory_space<hbm>> -> memref<8x128xi32, #tpu.memory_space<hbm>>
          %dma_start3A_164 = arith.constant 0 : i32
          %dma_start3A_165 = arith.constant 0 : i32
          %dma_start3A_166 = arith.constant 0 : i32
          %dma_start3A_167 = tpu.memref_slice %arg3[%arg1, %dma_start3A_164, %dma_start3A_165, %dma_start3A_166] : memref<16x19x8x128xi32, #tpu.memory_space<hbm>> -> memref<1x19x8x128xi32, #tpu.memory_space<hbm>>
          %dma_start3A_168 = tpu.memref_squeeze %dma_start3A_167 : memref<1x19x8x128xi32, #tpu.memory_space<hbm>> -> memref<19x8x128xi32, #tpu.memory_space<hbm>>
          %dma_start3A_169 = arith.constant 0 : i32
          %dma_start3A_170 = arith.constant 0 : i32
          %dma_start3A_171 = tpu.memref_slice %dma_start3A_168[%add3A_36, %dma_start3A_169, %dma_start3A_170] : memref<19x8x128xi32, #tpu.memory_space<hbm>> -> memref<1x8x128xi32, #tpu.memory_space<hbm>>
          %dma_start3A_172 = tpu.memref_squeeze %dma_start3A_171 : memref<1x8x128xi32, #tpu.memory_space<hbm>> -> memref<8x128xi32, #tpu.memory_space<hbm>>
          tpu.enqueue_dma source(%dma_start3A_172 : memref<8x128xi32, #tpu.memory_space<hbm>>) target(%arg9 : memref<8x128xi32, #tpu.memory_space<vmem>>) target_semaphore(%run_scoped3A_154 : memref<!tpu.dma_semaphore, #tpu.memory_space<semaphore_mem>>)
          %dma_wait3A_173 = arith.constant 0 : i32
          %dma_wait3A_174 = arith.constant 0 : i32
          %dma_wait3A_175 = arith.constant 0 : i32
          %dma_wait3A_176 = tpu.memref_slice %arg3[%arg1, %dma_wait3A_173, %dma_wait3A_174, %dma_wait3A_175] : memref<16x19x8x128xi32, #tpu.memory_space<hbm>> -> memref<1x19x8x128xi32, #tpu.memory_space<hbm>>
          %dma_wait3A_177 = tpu.memref_squeeze %dma_wait3A_176 : memref<1x19x8x128xi32, #tpu.memory_space<hbm>> -> memref<19x8x128xi32, #tpu.memory_space<hbm>>
          %dma_wait3A_178 = arith.constant 0 : i32
          %dma_wait3A_179 = arith.constant 0 : i32
          %dma_wait3A_180 = tpu.memref_slice %dma_wait3A_177[%add3A_36, %dma_wait3A_178, %dma_wait3A_179] : memref<19x8x128xi32, #tpu.memory_space<hbm>> -> memref<1x8x128xi32, #tpu.memory_space<hbm>>
          %dma_wait3A_181 = tpu.memref_squeeze %dma_wait3A_180 : memref<1x8x128xi32, #tpu.memory_space<hbm>> -> memref<8x128xi32, #tpu.memory_space<hbm>>
          %dma_wait3A_182 = arith.constant 0 : i32
          %dma_wait3A_183 = arith.constant 0 : i32
          %dma_wait3A_184 = arith.constant 0 : i32
          %dma_wait3A_185 = tpu.memref_slice %arg3[%arg1, %dma_wait3A_182, %dma_wait3A_183, %dma_wait3A_184] : memref<16x19x8x128xi32, #tpu.memory_space<hbm>> -> memref<1x19x8x128xi32, #tpu.memory_space<hbm>>
          %dma_wait3A_186 = tpu.memref_squeeze %dma_wait3A_185 : memref<1x19x8x128xi32, #tpu.memory_space<hbm>> -> memref<19x8x128xi32, #tpu.memory_space<hbm>>
          %dma_wait3A_187 = arith.constant 0 : i32
          %dma_wait3A_188 = arith.constant 0 : i32
          %dma_wait3A_189 = tpu.memref_slice %dma_wait3A_186[%add3A_36, %dma_wait3A_187, %dma_wait3A_188] : memref<19x8x128xi32, #tpu.memory_space<hbm>> -> memref<1x8x128xi32, #tpu.memory_space<hbm>>
          %dma_wait3A_190 = tpu.memref_squeeze %dma_wait3A_189 : memref<1x8x128xi32, #tpu.memory_space<hbm>> -> memref<8x128xi32, #tpu.memory_space<hbm>>
          tpu.wait_dma2 semaphore(%run_scoped3A_154 : memref<!tpu.dma_semaphore, #tpu.memory_space<semaphore_mem>>) src(%dma_wait3A_190 : memref<8x128xi32, #tpu.memory_space<hbm>>) dst(%arg9 : memref<8x128xi32, #tpu.memory_space<vmem>>)
          tpu.yield
        }) : () -> ()
        "tpu.region"() ({
          %run_scoped3A_154 = tpu.sem_alloc : memref<!tpu.dma_semaphore, #tpu.memory_space<semaphore_mem>>
          %dma_start3A_155 = arith.constant 0 : i32
          %dma_start3A_156 = arith.constant 0 : i32
          %dma_start3A_157 = arith.constant 0 : i32
          %dma_start3A_158 = tpu.memref_slice %arg4[%arg1, %dma_start3A_155, %dma_start3A_156, %dma_start3A_157] : memref<16x19x8x128xi32, #tpu.memory_space<hbm>> -> memref<1x19x8x128xi32, #tpu.memory_space<hbm>>
          %dma_start3A_159 = tpu.memref_squeeze %dma_start3A_158 : memref<1x19x8x128xi32, #tpu.memory_space<hbm>> -> memref<19x8x128xi32, #tpu.memory_space<hbm>>
          %dma_start3A_160 = arith.constant 0 : i32
          %dma_start3A_161 = arith.constant 0 : i32
          %dma_start3A_162 = tpu.memref_slice %dma_start3A_159[%add3A_36, %dma_start3A_160, %dma_start3A_161] : memref<19x8x128xi32, #tpu.memory_space<hbm>> -> memref<1x8x128xi32, #tpu.memory_space<hbm>>
          %dma_start3A_163 = tpu.memref_squeeze %dma_start3A_162 : memref<1x8x128xi32, #tpu.memory_space<hbm>> -> memref<8x128xi32, #tpu.memory_space<hbm>>
          %dma_start3A_164 = arith.constant 0 : i32
          %dma_start3A_165 = arith.constant 0 : i32
          %dma_start3A_166 = arith.constant 0 : i32
          %dma_start3A_167 = tpu.memref_slice %arg4[%arg1, %dma_start3A_164, %dma_start3A_165, %dma_start3A_166] : memref<16x19x8x128xi32, #tpu.memory_space<hbm>> -> memref<1x19x8x128xi32, #tpu.memory_space<hbm>>
          %dma_start3A_168 = tpu.memref_squeeze %dma_start3A_167 : memref<1x19x8x128xi32, #tpu.memory_space<hbm>> -> memref<19x8x128xi32, #tpu.memory_space<hbm>>
          %dma_start3A_169 = arith.constant 0 : i32
          %dma_start3A_170 = arith.constant 0 : i32
          %dma_start3A_171 = tpu.memref_slice %dma_start3A_168[%add3A_36, %dma_start3A_169, %dma_start3A_170] : memref<19x8x128xi32, #tpu.memory_space<hbm>> -> memref<1x8x128xi32, #tpu.memory_space<hbm>>
          %dma_start3A_172 = tpu.memref_squeeze %dma_start3A_171 : memref<1x8x128xi32, #tpu.memory_space<hbm>> -> memref<8x128xi32, #tpu.memory_space<hbm>>
          tpu.enqueue_dma source(%dma_start3A_172 : memref<8x128xi32, #tpu.memory_space<hbm>>) target(%arg10 : memref<8x128xi32, #tpu.memory_space<vmem>>) target_semaphore(%run_scoped3A_154 : memref<!tpu.dma_semaphore, #tpu.memory_space<semaphore_mem>>)
          %dma_wait3A_173 = arith.constant 0 : i32
          %dma_wait3A_174 = arith.constant 0 : i32
          %dma_wait3A_175 = arith.constant 0 : i32
          %dma_wait3A_176 = tpu.memref_slice %arg4[%arg1, %dma_wait3A_173, %dma_wait3A_174, %dma_wait3A_175] : memref<16x19x8x128xi32, #tpu.memory_space<hbm>> -> memref<1x19x8x128xi32, #tpu.memory_space<hbm>>
          %dma_wait3A_177 = tpu.memref_squeeze %dma_wait3A_176 : memref<1x19x8x128xi32, #tpu.memory_space<hbm>> -> memref<19x8x128xi32, #tpu.memory_space<hbm>>
          %dma_wait3A_178 = arith.constant 0 : i32
          %dma_wait3A_179 = arith.constant 0 : i32
          %dma_wait3A_180 = tpu.memref_slice %dma_wait3A_177[%add3A_36, %dma_wait3A_178, %dma_wait3A_179] : memref<19x8x128xi32, #tpu.memory_space<hbm>> -> memref<1x8x128xi32, #tpu.memory_space<hbm>>
          %dma_wait3A_181 = tpu.memref_squeeze %dma_wait3A_180 : memref<1x8x128xi32, #tpu.memory_space<hbm>> -> memref<8x128xi32, #tpu.memory_space<hbm>>
          %dma_wait3A_182 = arith.constant 0 : i32
          %dma_wait3A_183 = arith.constant 0 : i32
          %dma_wait3A_184 = arith.constant 0 : i32
          %dma_wait3A_185 = tpu.memref_slice %arg4[%arg1, %dma_wait3A_182, %dma_wait3A_183, %dma_wait3A_184] : memref<16x19x8x128xi32, #tpu.memory_space<hbm>> -> memref<1x19x8x128xi32, #tpu.memory_space<hbm>>
          %dma_wait3A_186 = tpu.memref_squeeze %dma_wait3A_185 : memref<1x19x8x128xi32, #tpu.memory_space<hbm>> -> memref<19x8x128xi32, #tpu.memory_space<hbm>>
          %dma_wait3A_187 = arith.constant 0 : i32
          %dma_wait3A_188 = arith.constant 0 : i32
          %dma_wait3A_189 = tpu.memref_slice %dma_wait3A_186[%add3A_36, %dma_wait3A_187, %dma_wait3A_188] : memref<19x8x128xi32, #tpu.memory_space<hbm>> -> memref<1x8x128xi32, #tpu.memory_space<hbm>>
          %dma_wait3A_190 = tpu.memref_squeeze %dma_wait3A_189 : memref<1x8x128xi32, #tpu.memory_space<hbm>> -> memref<8x128xi32, #tpu.memory_space<hbm>>
          tpu.wait_dma2 semaphore(%run_scoped3A_154 : memref<!tpu.dma_semaphore, #tpu.memory_space<semaphore_mem>>) src(%dma_wait3A_190 : memref<8x128xi32, #tpu.memory_space<hbm>>) dst(%arg10 : memref<8x128xi32, #tpu.memory_space<vmem>>)
          tpu.yield
        }) : () -> ()
        %dma_start3A = arith.constant 0 : i32
        %dma_start3A_37 = arith.constant 0 : i32
        %dma_start3A_38 = tpu.memref_slice %arg9[%dma_start3A, %dma_start3A_37] : memref<8x128xi32, #tpu.memory_space<vmem>> -> memref<1x128xi32, #tpu.memory_space<vmem>>
        %dma_start3A_39 = tpu.memref_squeeze %dma_start3A_38 : memref<1x128xi32, #tpu.memory_space<vmem>> -> memref<128xi32, #tpu.memory_space<vmem>>
        %dma_start3A_40 = arith.constant 0 : i32
        %dma_start3A_41 = arith.constant 0 : i32
        %dma_start3A_42 = tpu.memref_slice %arg2[%dma_start3A_40, %dma_start3A_41] : memref<10000x128xf32, #tpu.memory_space<hbm>> -> memref<10000x128xf32, #tpu.memory_space<hbm>>
        tpu.enqueue_indirect_dma source(%dma_start3A_42 : memref<10000x128xf32, #tpu.memory_space<hbm>>) target(%arg11 : memref<128x128xf32, #tpu.memory_space<vmem>>) offsets(%dma_start3A_39 : memref<128xi32, #tpu.memory_space<vmem>>) semaphore(%arg14 : memref<!tpu.dma_semaphore, #tpu.memory_space<semaphore_mem>>)
        %dma_start3A_43 = arith.constant 1 : i32
        %dma_start3A_44 = arith.constant 0 : i32
        %dma_start3A_45 = tpu.memref_slice %arg9[%dma_start3A_43, %dma_start3A_44] : memref<8x128xi32, #tpu.memory_space<vmem>> -> memref<1x128xi32, #tpu.memory_space<vmem>>
        %dma_start3A_46 = tpu.memref_squeeze %dma_start3A_45 : memref<1x128xi32, #tpu.memory_space<vmem>> -> memref<128xi32, #tpu.memory_space<vmem>>
        %dma_start3A_47 = arith.constant 0 : i32
        %dma_start3A_48 = arith.constant 0 : i32
        %dma_start3A_49 = tpu.memref_slice %arg2[%dma_start3A_47, %dma_start3A_48] : memref<10000x128xf32, #tpu.memory_space<hbm>> -> memref<10000x128xf32, #tpu.memory_space<hbm>>
        tpu.enqueue_indirect_dma source(%dma_start3A_49 : memref<10000x128xf32, #tpu.memory_space<hbm>>) target(%arg12 : memref<128x128xf32, #tpu.memory_space<vmem>>) offsets(%dma_start3A_46 : memref<128xi32, #tpu.memory_space<vmem>>) semaphore(%arg15 : memref<!tpu.dma_semaphore, #tpu.memory_space<semaphore_mem>>)
        %dma_wait3A = arith.constant 0 : i32
        %dma_wait3A_50 = arith.constant 0 : i32
        %dma_wait3A_51 = tpu.memref_slice %arg9[%dma_wait3A, %dma_wait3A_50] : memref<8x128xi32, #tpu.memory_space<vmem>> -> memref<1x128xi32, #tpu.memory_space<vmem>>
        %dma_wait3A_52 = tpu.memref_squeeze %dma_wait3A_51 : memref<1x128xi32, #tpu.memory_space<vmem>> -> memref<128xi32, #tpu.memory_space<vmem>>
        %dma_wait3A_53 = arith.constant 0 : i32
        %dma_wait3A_54 = arith.constant 0 : i32
        %dma_wait3A_55 = tpu.memref_slice %arg2[%dma_wait3A_53, %dma_wait3A_54] : memref<10000x128xf32, #tpu.memory_space<hbm>> -> memref<10000x128xf32, #tpu.memory_space<hbm>>
        tpu.wait_indirect_dma semaphore(%arg14 : memref<!tpu.dma_semaphore, #tpu.memory_space<semaphore_mem>>) src(%dma_wait3A_55 : memref<10000x128xf32, #tpu.memory_space<hbm>>) dst(%arg11 : memref<128x128xf32, #tpu.memory_space<vmem>>)
        %run_scoped3A = arith.constant 0 : i32
        "tpu.region"() ({
          %run_scoped3A_154 = tpu.sem_alloc : memref<!tpu.dma_semaphore, #tpu.memory_space<semaphore_mem>>
          %dma_start3A_155 = arith.constant 0 : i32
          %dma_start3A_156 = tpu.memref_slice %arg10[%run_scoped3A, %dma_start3A_155] : memref<8x128xi32, #tpu.memory_space<vmem>> -> memref<1x128xi32, #tpu.memory_space<vmem>>
          %dma_start3A_157 = tpu.memref_squeeze %dma_start3A_156 : memref<1x128xi32, #tpu.memory_space<vmem>> -> memref<128xi32, #tpu.memory_space<vmem>>
          %dma_start3A_158 = arith.constant 0 : i32
          %dma_start3A_159 = arith.constant 0 : i32
          %dma_start3A_160 = tpu.memref_slice %arg13[%dma_start3A_158, %dma_start3A_159] : memref<10240x128xf32, #tpu.memory_space<vmem_shared>> -> memref<10240x128xf32, #tpu.memory_space<vmem_shared>>
          tpu.enqueue_indirect_dma source(%arg11 : memref<128x128xf32, #tpu.memory_space<vmem>>) target(%dma_start3A_160 : memref<10240x128xf32, #tpu.memory_space<vmem_shared>>) offsets(%dma_start3A_157 : memref<128xi32, #tpu.memory_space<vmem>>) semaphore(%run_scoped3A_154 : memref<!tpu.dma_semaphore, #tpu.memory_space<semaphore_mem>>) {add = true}
          %dma_wait3A_161 = arith.constant 0 : i32
          %dma_wait3A_162 = tpu.memref_slice %arg10[%run_scoped3A, %dma_wait3A_161] : memref<8x128xi32, #tpu.memory_space<vmem>> -> memref<1x128xi32, #tpu.memory_space<vmem>>
          %dma_wait3A_163 = tpu.memref_squeeze %dma_wait3A_162 : memref<1x128xi32, #tpu.memory_space<vmem>> -> memref<128xi32, #tpu.memory_space<vmem>>
          %dma_wait3A_164 = arith.constant 0 : i32
          %dma_wait3A_165 = arith.constant 0 : i32
          %dma_wait3A_166 = tpu.memref_slice %arg13[%dma_wait3A_164, %dma_wait3A_165] : memref<10240x128xf32, #tpu.memory_space<vmem_shared>> -> memref<10240x128xf32, #tpu.memory_space<vmem_shared>>
          tpu.wait_indirect_dma semaphore(%run_scoped3A_154 : memref<!tpu.dma_semaphore, #tpu.memory_space<semaphore_mem>>) src(%arg11 : memref<128x128xf32, #tpu.memory_space<vmem>>) dst(%dma_wait3A_166 : memref<10240x128xf32, #tpu.memory_space<vmem_shared>>)
          tpu.yield
        }) : () -> ()
        %dma_start3A_56 = arith.constant 2 : i32
        %dma_start3A_57 = arith.constant 0 : i32
        %dma_start3A_58 = tpu.memref_slice %arg9[%dma_start3A_56, %dma_start3A_57] : memref<8x128xi32, #tpu.memory_space<vmem>> -> memref<1x128xi32, #tpu.memory_space<vmem>>
        %dma_start3A_59 = tpu.memref_squeeze %dma_start3A_58 : memref<1x128xi32, #tpu.memory_space<vmem>> -> memref<128xi32, #tpu.memory_space<vmem>>
        %dma_start3A_60 = arith.constant 0 : i32
        %dma_start3A_61 = arith.constant 0 : i32
        %dma_start3A_62 = tpu.memref_slice %arg2[%dma_start3A_60, %dma_start3A_61] : memref<10000x128xf32, #tpu.memory_space<hbm>> -> memref<10000x128xf32, #tpu.memory_space<hbm>>
        tpu.enqueue_indirect_dma source(%dma_start3A_62 : memref<10000x128xf32, #tpu.memory_space<hbm>>) target(%arg11 : memref<128x128xf32, #tpu.memory_space<vmem>>) offsets(%dma_start3A_59 : memref<128xi32, #tpu.memory_space<vmem>>) semaphore(%arg14 : memref<!tpu.dma_semaphore, #tpu.memory_space<semaphore_mem>>)
        %dma_wait3A_63 = arith.constant 1 : i32
        %dma_wait3A_64 = arith.constant 0 : i32
        %dma_wait3A_65 = tpu.memref_slice %arg9[%dma_wait3A_63, %dma_wait3A_64] : memref<8x128xi32, #tpu.memory_space<vmem>> -> memref<1x128xi32, #tpu.memory_space<vmem>>
        %dma_wait3A_66 = tpu.memref_squeeze %dma_wait3A_65 : memref<1x128xi32, #tpu.memory_space<vmem>> -> memref<128xi32, #tpu.memory_space<vmem>>
        %dma_wait3A_67 = arith.constant 0 : i32
        %dma_wait3A_68 = arith.constant 0 : i32
        %dma_wait3A_69 = tpu.memref_slice %arg2[%dma_wait3A_67, %dma_wait3A_68] : memref<10000x128xf32, #tpu.memory_space<hbm>> -> memref<10000x128xf32, #tpu.memory_space<hbm>>
        tpu.wait_indirect_dma semaphore(%arg15 : memref<!tpu.dma_semaphore, #tpu.memory_space<semaphore_mem>>) src(%dma_wait3A_69 : memref<10000x128xf32, #tpu.memory_space<hbm>>) dst(%arg12 : memref<128x128xf32, #tpu.memory_space<vmem>>)
        %run_scoped3A_70 = arith.constant 1 : i32
        "tpu.region"() ({
          %run_scoped3A_154 = tpu.sem_alloc : memref<!tpu.dma_semaphore, #tpu.memory_space<semaphore_mem>>
          %dma_start3A_155 = arith.constant 0 : i32
          %dma_start3A_156 = tpu.memref_slice %arg10[%run_scoped3A_70, %dma_start3A_155] : memref<8x128xi32, #tpu.memory_space<vmem>> -> memref<1x128xi32, #tpu.memory_space<vmem>>
          %dma_start3A_157 = tpu.memref_squeeze %dma_start3A_156 : memref<1x128xi32, #tpu.memory_space<vmem>> -> memref<128xi32, #tpu.memory_space<vmem>>
          %dma_start3A_158 = arith.constant 0 : i32
          %dma_start3A_159 = arith.constant 0 : i32
          %dma_start3A_160 = tpu.memref_slice %arg13[%dma_start3A_158, %dma_start3A_159] : memref<10240x128xf32, #tpu.memory_space<vmem_shared>> -> memref<10240x128xf32, #tpu.memory_space<vmem_shared>>
          tpu.enqueue_indirect_dma source(%arg12 : memref<128x128xf32, #tpu.memory_space<vmem>>) target(%dma_start3A_160 : memref<10240x128xf32, #tpu.memory_space<vmem_shared>>) offsets(%dma_start3A_157 : memref<128xi32, #tpu.memory_space<vmem>>) semaphore(%run_scoped3A_154 : memref<!tpu.dma_semaphore, #tpu.memory_space<semaphore_mem>>) {add = true}
          %dma_wait3A_161 = arith.constant 0 : i32
          %dma_wait3A_162 = tpu.memref_slice %arg10[%run_scoped3A_70, %dma_wait3A_161] : memref<8x128xi32, #tpu.memory_space<vmem>> -> memref<1x128xi32, #tpu.memory_space<vmem>>
          %dma_wait3A_163 = tpu.memref_squeeze %dma_wait3A_162 : memref<1x128xi32, #tpu.memory_space<vmem>> -> memref<128xi32, #tpu.memory_space<vmem>>
          %dma_wait3A_164 = arith.constant 0 : i32
          %dma_wait3A_165 = arith.constant 0 : i32
          %dma_wait3A_166 = tpu.memref_slice %arg13[%dma_wait3A_164, %dma_wait3A_165] : memref<10240x128xf32, #tpu.memory_space<vmem_shared>> -> memref<10240x128xf32, #tpu.memory_space<vmem_shared>>
          tpu.wait_indirect_dma semaphore(%run_scoped3A_154 : memref<!tpu.dma_semaphore, #tpu.memory_space<semaphore_mem>>) src(%arg12 : memref<128x128xf32, #tpu.memory_space<vmem>>) dst(%dma_wait3A_166 : memref<10240x128xf32, #tpu.memory_space<vmem_shared>>)
          tpu.yield
        }) : () -> ()
        %dma_start3A_71 = arith.constant 3 : i32
        %dma_start3A_72 = arith.constant 0 : i32
        %dma_start3A_73 = tpu.memref_slice %arg9[%dma_start3A_71, %dma_start3A_72] : memref<8x128xi32, #tpu.memory_space<vmem>> -> memref<1x128xi32, #tpu.memory_space<vmem>>
        %dma_start3A_74 = tpu.memref_squeeze %dma_start3A_73 : memref<1x128xi32, #tpu.memory_space<vmem>> -> memref<128xi32, #tpu.memory_space<vmem>>
        %dma_start3A_75 = arith.constant 0 : i32
        %dma_start3A_76 = arith.constant 0 : i32
        %dma_start3A_77 = tpu.memref_slice %arg2[%dma_start3A_75, %dma_start3A_76] : memref<10000x128xf32, #tpu.memory_space<hbm>> -> memref<10000x128xf32, #tpu.memory_space<hbm>>
        tpu.enqueue_indirect_dma source(%dma_start3A_77 : memref<10000x128xf32, #tpu.memory_space<hbm>>) target(%arg12 : memref<128x128xf32, #tpu.memory_space<vmem>>) offsets(%dma_start3A_74 : memref<128xi32, #tpu.memory_space<vmem>>) semaphore(%arg15 : memref<!tpu.dma_semaphore, #tpu.memory_space<semaphore_mem>>)
        %dma_wait3A_78 = arith.constant 2 : i32
        %dma_wait3A_79 = arith.constant 0 : i32
        %dma_wait3A_80 = tpu.memref_slice %arg9[%dma_wait3A_78, %dma_wait3A_79] : memref<8x128xi32, #tpu.memory_space<vmem>> -> memref<1x128xi32, #tpu.memory_space<vmem>>
        %dma_wait3A_81 = tpu.memref_squeeze %dma_wait3A_80 : memref<1x128xi32, #tpu.memory_space<vmem>> -> memref<128xi32, #tpu.memory_space<vmem>>
        %dma_wait3A_82 = arith.constant 0 : i32
        %dma_wait3A_83 = arith.constant 0 : i32
        %dma_wait3A_84 = tpu.memref_slice %arg2[%dma_wait3A_82, %dma_wait3A_83] : memref<10000x128xf32, #tpu.memory_space<hbm>> -> memref<10000x128xf32, #tpu.memory_space<hbm>>
        tpu.wait_indirect_dma semaphore(%arg14 : memref<!tpu.dma_semaphore, #tpu.memory_space<semaphore_mem>>) src(%dma_wait3A_84 : memref<10000x128xf32, #tpu.memory_space<hbm>>) dst(%arg11 : memref<128x128xf32, #tpu.memory_space<vmem>>)
        %run_scoped3A_85 = arith.constant 2 : i32
        "tpu.region"() ({
          %run_scoped3A_154 = tpu.sem_alloc : memref<!tpu.dma_semaphore, #tpu.memory_space<semaphore_mem>>
          %dma_start3A_155 = arith.constant 0 : i32
          %dma_start3A_156 = tpu.memref_slice %arg10[%run_scoped3A_85, %dma_start3A_155] : memref<8x128xi32, #tpu.memory_space<vmem>> -> memref<1x128xi32, #tpu.memory_space<vmem>>
          %dma_start3A_157 = tpu.memref_squeeze %dma_start3A_156 : memref<1x128xi32, #tpu.memory_space<vmem>> -> memref<128xi32, #tpu.memory_space<vmem>>
          %dma_start3A_158 = arith.constant 0 : i32
          %dma_start3A_159 = arith.constant 0 : i32
          %dma_start3A_160 = tpu.memref_slice %arg13[%dma_start3A_158, %dma_start3A_159] : memref<10240x128xf32, #tpu.memory_space<vmem_shared>> -> memref<10240x128xf32, #tpu.memory_space<vmem_shared>>
          tpu.enqueue_indirect_dma source(%arg11 : memref<128x128xf32, #tpu.memory_space<vmem>>) target(%dma_start3A_160 : memref<10240x128xf32, #tpu.memory_space<vmem_shared>>) offsets(%dma_start3A_157 : memref<128xi32, #tpu.memory_space<vmem>>) semaphore(%run_scoped3A_154 : memref<!tpu.dma_semaphore, #tpu.memory_space<semaphore_mem>>) {add = true}
          %dma_wait3A_161 = arith.constant 0 : i32
          %dma_wait3A_162 = tpu.memref_slice %arg10[%run_scoped3A_85, %dma_wait3A_161] : memref<8x128xi32, #tpu.memory_space<vmem>> -> memref<1x128xi32, #tpu.memory_space<vmem>>
          %dma_wait3A_163 = tpu.memref_squeeze %dma_wait3A_162 : memref<1x128xi32, #tpu.memory_space<vmem>> -> memref<128xi32, #tpu.memory_space<vmem>>
          %dma_wait3A_164 = arith.constant 0 : i32
          %dma_wait3A_165 = arith.constant 0 : i32
          %dma_wait3A_166 = tpu.memref_slice %arg13[%dma_wait3A_164, %dma_wait3A_165] : memref<10240x128xf32, #tpu.memory_space<vmem_shared>> -> memref<10240x128xf32, #tpu.memory_space<vmem_shared>>
          tpu.wait_indirect_dma semaphore(%run_scoped3A_154 : memref<!tpu.dma_semaphore, #tpu.memory_space<semaphore_mem>>) src(%arg11 : memref<128x128xf32, #tpu.memory_space<vmem>>) dst(%dma_wait3A_166 : memref<10240x128xf32, #tpu.memory_space<vmem_shared>>)
          tpu.yield
        }) : () -> ()
        %dma_start3A_86 = arith.constant 4 : i32
        %dma_start3A_87 = arith.constant 0 : i32
        %dma_start3A_88 = tpu.memref_slice %arg9[%dma_start3A_86, %dma_start3A_87] : memref<8x128xi32, #tpu.memory_space<vmem>> -> memref<1x128xi32, #tpu.memory_space<vmem>>
        %dma_start3A_89 = tpu.memref_squeeze %dma_start3A_88 : memref<1x128xi32, #tpu.memory_space<vmem>> -> memref<128xi32, #tpu.memory_space<vmem>>
        %dma_start3A_90 = arith.constant 0 : i32
        %dma_start3A_91 = arith.constant 0 : i32
        %dma_start3A_92 = tpu.memref_slice %arg2[%dma_start3A_90, %dma_start3A_91] : memref<10000x128xf32, #tpu.memory_space<hbm>> -> memref<10000x128xf32, #tpu.memory_space<hbm>>
        tpu.enqueue_indirect_dma source(%dma_start3A_92 : memref<10000x128xf32, #tpu.memory_space<hbm>>) target(%arg11 : memref<128x128xf32, #tpu.memory_space<vmem>>) offsets(%dma_start3A_89 : memref<128xi32, #tpu.memory_space<vmem>>) semaphore(%arg14 : memref<!tpu.dma_semaphore, #tpu.memory_space<semaphore_mem>>)
        %dma_wait3A_93 = arith.constant 3 : i32
        %dma_wait3A_94 = arith.constant 0 : i32
        %dma_wait3A_95 = tpu.memref_slice %arg9[%dma_wait3A_93, %dma_wait3A_94] : memref<8x128xi32, #tpu.memory_space<vmem>> -> memref<1x128xi32, #tpu.memory_space<vmem>>
        %dma_wait3A_96 = tpu.memref_squeeze %dma_wait3A_95 : memref<1x128xi32, #tpu.memory_space<vmem>> -> memref<128xi32, #tpu.memory_space<vmem>>
        %dma_wait3A_97 = arith.constant 0 : i32
        %dma_wait3A_98 = arith.constant 0 : i32
        %dma_wait3A_99 = tpu.memref_slice %arg2[%dma_wait3A_97, %dma_wait3A_98] : memref<10000x128xf32, #tpu.memory_space<hbm>> -> memref<10000x128xf32, #tpu.memory_space<hbm>>
        tpu.wait_indirect_dma semaphore(%arg15 : memref<!tpu.dma_semaphore, #tpu.memory_space<semaphore_mem>>) src(%dma_wait3A_99 : memref<10000x128xf32, #tpu.memory_space<hbm>>) dst(%arg12 : memref<128x128xf32, #tpu.memory_space<vmem>>)
        %run_scoped3A_100 = arith.constant 3 : i32
        "tpu.region"() ({
          %run_scoped3A_154 = tpu.sem_alloc : memref<!tpu.dma_semaphore, #tpu.memory_space<semaphore_mem>>
          %dma_start3A_155 = arith.constant 0 : i32
          %dma_start3A_156 = tpu.memref_slice %arg10[%run_scoped3A_100, %dma_start3A_155] : memref<8x128xi32, #tpu.memory_space<vmem>> -> memref<1x128xi32, #tpu.memory_space<vmem>>
          %dma_start3A_157 = tpu.memref_squeeze %dma_start3A_156 : memref<1x128xi32, #tpu.memory_space<vmem>> -> memref<128xi32, #tpu.memory_space<vmem>>
          %dma_start3A_158 = arith.constant 0 : i32
          %dma_start3A_159 = arith.constant 0 : i32
          %dma_start3A_160 = tpu.memref_slice %arg13[%dma_start3A_158, %dma_start3A_159] : memref<10240x128xf32, #tpu.memory_space<vmem_shared>> -> memref<10240x128xf32, #tpu.memory_space<vmem_shared>>
          tpu.enqueue_indirect_dma source(%arg12 : memref<128x128xf32, #tpu.memory_space<vmem>>) target(%dma_start3A_160 : memref<10240x128xf32, #tpu.memory_space<vmem_shared>>) offsets(%dma_start3A_157 : memref<128xi32, #tpu.memory_space<vmem>>) semaphore(%run_scoped3A_154 : memref<!tpu.dma_semaphore, #tpu.memory_space<semaphore_mem>>) {add = true}
          %dma_wait3A_161 = arith.constant 0 : i32
          %dma_wait3A_162 = tpu.memref_slice %arg10[%run_scoped3A_100, %dma_wait3A_161] : memref<8x128xi32, #tpu.memory_space<vmem>> -> memref<1x128xi32, #tpu.memory_space<vmem>>
          %dma_wait3A_163 = tpu.memref_squeeze %dma_wait3A_162 : memref<1x128xi32, #tpu.memory_space<vmem>> -> memref<128xi32, #tpu.memory_space<vmem>>
          %dma_wait3A_164 = arith.constant 0 : i32
          %dma_wait3A_165 = arith.constant 0 : i32
          %dma_wait3A_166 = tpu.memref_slice %arg13[%dma_wait3A_164, %dma_wait3A_165] : memref<10240x128xf32, #tpu.memory_space<vmem_shared>> -> memref<10240x128xf32, #tpu.memory_space<vmem_shared>>
          tpu.wait_indirect_dma semaphore(%run_scoped3A_154 : memref<!tpu.dma_semaphore, #tpu.memory_space<semaphore_mem>>) src(%arg12 : memref<128x128xf32, #tpu.memory_space<vmem>>) dst(%dma_wait3A_166 : memref<10240x128xf32, #tpu.memory_space<vmem_shared>>)
          tpu.yield
        }) : () -> ()
        %dma_start3A_101 = arith.constant 5 : i32
        %dma_start3A_102 = arith.constant 0 : i32
        %dma_start3A_103 = tpu.memref_slice %arg9[%dma_start3A_101, %dma_start3A_102] : memref<8x128xi32, #tpu.memory_space<vmem>> -> memref<1x128xi32, #tpu.memory_space<vmem>>
        %dma_start3A_104 = tpu.memref_squeeze %dma_start3A_103 : memref<1x128xi32, #tpu.memory_space<vmem>> -> memref<128xi32, #tpu.memory_space<vmem>>
        %dma_start3A_105 = arith.constant 0 : i32
        %dma_start3A_106 = arith.constant 0 : i32
        %dma_start3A_107 = tpu.memref_slice %arg2[%dma_start3A_105, %dma_start3A_106] : memref<10000x128xf32, #tpu.memory_space<hbm>> -> memref<10000x128xf32, #tpu.memory_space<hbm>>
        tpu.enqueue_indirect_dma source(%dma_start3A_107 : memref<10000x128xf32, #tpu.memory_space<hbm>>) target(%arg12 : memref<128x128xf32, #tpu.memory_space<vmem>>) offsets(%dma_start3A_104 : memref<128xi32, #tpu.memory_space<vmem>>) semaphore(%arg15 : memref<!tpu.dma_semaphore, #tpu.memory_space<semaphore_mem>>)
        %dma_wait3A_108 = arith.constant 4 : i32
        %dma_wait3A_109 = arith.constant 0 : i32
        %dma_wait3A_110 = tpu.memref_slice %arg9[%dma_wait3A_108, %dma_wait3A_109] : memref<8x128xi32, #tpu.memory_space<vmem>> -> memref<1x128xi32, #tpu.memory_space<vmem>>
        %dma_wait3A_111 = tpu.memref_squeeze %dma_wait3A_110 : memref<1x128xi32, #tpu.memory_space<vmem>> -> memref<128xi32, #tpu.memory_space<vmem>>
        %dma_wait3A_112 = arith.constant 0 : i32
        %dma_wait3A_113 = arith.constant 0 : i32
        %dma_wait3A_114 = tpu.memref_slice %arg2[%dma_wait3A_112, %dma_wait3A_113] : memref<10000x128xf32, #tpu.memory_space<hbm>> -> memref<10000x128xf32, #tpu.memory_space<hbm>>
        tpu.wait_indirect_dma semaphore(%arg14 : memref<!tpu.dma_semaphore, #tpu.memory_space<semaphore_mem>>) src(%dma_wait3A_114 : memref<10000x128xf32, #tpu.memory_space<hbm>>) dst(%arg11 : memref<128x128xf32, #tpu.memory_space<vmem>>)
        %run_scoped3A_115 = arith.constant 4 : i32
        "tpu.region"() ({
          %run_scoped3A_154 = tpu.sem_alloc : memref<!tpu.dma_semaphore, #tpu.memory_space<semaphore_mem>>
          %dma_start3A_155 = arith.constant 0 : i32
          %dma_start3A_156 = tpu.memref_slice %arg10[%run_scoped3A_115, %dma_start3A_155] : memref<8x128xi32, #tpu.memory_space<vmem>> -> memref<1x128xi32, #tpu.memory_space<vmem>>
          %dma_start3A_157 = tpu.memref_squeeze %dma_start3A_156 : memref<1x128xi32, #tpu.memory_space<vmem>> -> memref<128xi32, #tpu.memory_space<vmem>>
          %dma_start3A_158 = arith.constant 0 : i32
          %dma_start3A_159 = arith.constant 0 : i32
          %dma_start3A_160 = tpu.memref_slice %arg13[%dma_start3A_158, %dma_start3A_159] : memref<10240x128xf32, #tpu.memory_space<vmem_shared>> -> memref<10240x128xf32, #tpu.memory_space<vmem_shared>>
          tpu.enqueue_indirect_dma source(%arg11 : memref<128x128xf32, #tpu.memory_space<vmem>>) target(%dma_start3A_160 : memref<10240x128xf32, #tpu.memory_space<vmem_shared>>) offsets(%dma_start3A_157 : memref<128xi32, #tpu.memory_space<vmem>>) semaphore(%run_scoped3A_154 : memref<!tpu.dma_semaphore, #tpu.memory_space<semaphore_mem>>) {add = true}
          %dma_wait3A_161 = arith.constant 0 : i32
          %dma_wait3A_162 = tpu.memref_slice %arg10[%run_scoped3A_115, %dma_wait3A_161] : memref<8x128xi32, #tpu.memory_space<vmem>> -> memref<1x128xi32, #tpu.memory_space<vmem>>
          %dma_wait3A_163 = tpu.memref_squeeze %dma_wait3A_162 : memref<1x128xi32, #tpu.memory_space<vmem>> -> memref<128xi32, #tpu.memory_space<vmem>>
          %dma_wait3A_164 = arith.constant 0 : i32
          %dma_wait3A_165 = arith.constant 0 : i32
          %dma_wait3A_166 = tpu.memref_slice %arg13[%dma_wait3A_164, %dma_wait3A_165] : memref<10240x128xf32, #tpu.memory_space<vmem_shared>> -> memref<10240x128xf32, #tpu.memory_space<vmem_shared>>
          tpu.wait_indirect_dma semaphore(%run_scoped3A_154 : memref<!tpu.dma_semaphore, #tpu.memory_space<semaphore_mem>>) src(%arg11 : memref<128x128xf32, #tpu.memory_space<vmem>>) dst(%dma_wait3A_166 : memref<10240x128xf32, #tpu.memory_space<vmem_shared>>)
          tpu.yield
        }) : () -> ()
        %dma_start3A_116 = arith.constant 6 : i32
        %dma_start3A_117 = arith.constant 0 : i32
        %dma_start3A_118 = tpu.memref_slice %arg9[%dma_start3A_116, %dma_start3A_117] : memref<8x128xi32, #tpu.memory_space<vmem>> -> memref<1x128xi32, #tpu.memory_space<vmem>>
        %dma_start3A_119 = tpu.memref_squeeze %dma_start3A_118 : memref<1x128xi32, #tpu.memory_space<vmem>> -> memref<128xi32, #tpu.memory_space<vmem>>
        %dma_start3A_120 = arith.constant 0 : i32
        %dma_start3A_121 = arith.constant 0 : i32
        %dma_start3A_122 = tpu.memref_slice %arg2[%dma_start3A_120, %dma_start3A_121] : memref<10000x128xf32, #tpu.memory_space<hbm>> -> memref<10000x128xf32, #tpu.memory_space<hbm>>
        tpu.enqueue_indirect_dma source(%dma_start3A_122 : memref<10000x128xf32, #tpu.memory_space<hbm>>) target(%arg11 : memref<128x128xf32, #tpu.memory_space<vmem>>) offsets(%dma_start3A_119 : memref<128xi32, #tpu.memory_space<vmem>>) semaphore(%arg14 : memref<!tpu.dma_semaphore, #tpu.memory_space<semaphore_mem>>)
        %dma_wait3A_123 = arith.constant 5 : i32
        %dma_wait3A_124 = arith.constant 0 : i32
        %dma_wait3A_125 = tpu.memref_slice %arg9[%dma_wait3A_123, %dma_wait3A_124] : memref<8x128xi32, #tpu.memory_space<vmem>> -> memref<1x128xi32, #tpu.memory_space<vmem>>
        %dma_wait3A_126 = tpu.memref_squeeze %dma_wait3A_125 : memref<1x128xi32, #tpu.memory_space<vmem>> -> memref<128xi32, #tpu.memory_space<vmem>>
        %dma_wait3A_127 = arith.constant 0 : i32
        %dma_wait3A_128 = arith.constant 0 : i32
        %dma_wait3A_129 = tpu.memref_slice %arg2[%dma_wait3A_127, %dma_wait3A_128] : memref<10000x128xf32, #tpu.memory_space<hbm>> -> memref<10000x128xf32, #tpu.memory_space<hbm>>
        tpu.wait_indirect_dma semaphore(%arg15 : memref<!tpu.dma_semaphore, #tpu.memory_space<semaphore_mem>>) src(%dma_wait3A_129 : memref<10000x128xf32, #tpu.memory_space<hbm>>) dst(%arg12 : memref<128x128xf32, #tpu.memory_space<vmem>>)
        %run_scoped3A_130 = arith.constant 5 : i32
        "tpu.region"() ({
          %run_scoped3A_154 = tpu.sem_alloc : memref<!tpu.dma_semaphore, #tpu.memory_space<semaphore_mem>>
          %dma_start3A_155 = arith.constant 0 : i32
          %dma_start3A_156 = tpu.memref_slice %arg10[%run_scoped3A_130, %dma_start3A_155] : memref<8x128xi32, #tpu.memory_space<vmem>> -> memref<1x128xi32, #tpu.memory_space<vmem>>
          %dma_start3A_157 = tpu.memref_squeeze %dma_start3A_156 : memref<1x128xi32, #tpu.memory_space<vmem>> -> memref<128xi32, #tpu.memory_space<vmem>>
          %dma_start3A_158 = arith.constant 0 : i32
          %dma_start3A_159 = arith.constant 0 : i32
          %dma_start3A_160 = tpu.memref_slice %arg13[%dma_start3A_158, %dma_start3A_159] : memref<10240x128xf32, #tpu.memory_space<vmem_shared>> -> memref<10240x128xf32, #tpu.memory_space<vmem_shared>>
          tpu.enqueue_indirect_dma source(%arg12 : memref<128x128xf32, #tpu.memory_space<vmem>>) target(%dma_start3A_160 : memref<10240x128xf32, #tpu.memory_space<vmem_shared>>) offsets(%dma_start3A_157 : memref<128xi32, #tpu.memory_space<vmem>>) semaphore(%run_scoped3A_154 : memref<!tpu.dma_semaphore, #tpu.memory_space<semaphore_mem>>) {add = true}
          %dma_wait3A_161 = arith.constant 0 : i32
          %dma_wait3A_162 = tpu.memref_slice %arg10[%run_scoped3A_130, %dma_wait3A_161] : memref<8x128xi32, #tpu.memory_space<vmem>> -> memref<1x128xi32, #tpu.memory_space<vmem>>
          %dma_wait3A_163 = tpu.memref_squeeze %dma_wait3A_162 : memref<1x128xi32, #tpu.memory_space<vmem>> -> memref<128xi32, #tpu.memory_space<vmem>>
          %dma_wait3A_164 = arith.constant 0 : i32
          %dma_wait3A_165 = arith.constant 0 : i32
          %dma_wait3A_166 = tpu.memref_slice %arg13[%dma_wait3A_164, %dma_wait3A_165] : memref<10240x128xf32, #tpu.memory_space<vmem_shared>> -> memref<10240x128xf32, #tpu.memory_space<vmem_shared>>
          tpu.wait_indirect_dma semaphore(%run_scoped3A_154 : memref<!tpu.dma_semaphore, #tpu.memory_space<semaphore_mem>>) src(%arg12 : memref<128x128xf32, #tpu.memory_space<vmem>>) dst(%dma_wait3A_166 : memref<10240x128xf32, #tpu.memory_space<vmem_shared>>)
          tpu.yield
        }) : () -> ()
        %dma_start3A_131 = arith.constant 7 : i32
        %dma_start3A_132 = arith.constant 0 : i32
        %dma_start3A_133 = tpu.memref_slice %arg9[%dma_start3A_131, %dma_start3A_132] : memref<8x128xi32, #tpu.memory_space<vmem>> -> memref<1x128xi32, #tpu.memory_space<vmem>>
        %dma_start3A_134 = tpu.memref_squeeze %dma_start3A_133 : memref<1x128xi32, #tpu.memory_space<vmem>> -> memref<128xi32, #tpu.memory_space<vmem>>
        %dma_start3A_135 = arith.constant 0 : i32
        %dma_start3A_136 = arith.constant 0 : i32
        %dma_start3A_137 = tpu.memref_slice %arg2[%dma_start3A_135, %dma_start3A_136] : memref<10000x128xf32, #tpu.memory_space<hbm>> -> memref<10000x128xf32, #tpu.memory_space<hbm>>
        tpu.enqueue_indirect_dma source(%dma_start3A_137 : memref<10000x128xf32, #tpu.memory_space<hbm>>) target(%arg12 : memref<128x128xf32, #tpu.memory_space<vmem>>) offsets(%dma_start3A_134 : memref<128xi32, #tpu.memory_space<vmem>>) semaphore(%arg15 : memref<!tpu.dma_semaphore, #tpu.memory_space<semaphore_mem>>)
        %dma_wait3A_138 = arith.constant 6 : i32
        %dma_wait3A_139 = arith.constant 0 : i32
        %dma_wait3A_140 = tpu.memref_slice %arg9[%dma_wait3A_138, %dma_wait3A_139] : memref<8x128xi32, #tpu.memory_space<vmem>> -> memref<1x128xi32, #tpu.memory_space<vmem>>
        %dma_wait3A_141 = tpu.memref_squeeze %dma_wait3A_140 : memref<1x128xi32, #tpu.memory_space<vmem>> -> memref<128xi32, #tpu.memory_space<vmem>>
        %dma_wait3A_142 = arith.constant 0 : i32
        %dma_wait3A_143 = arith.constant 0 : i32
        %dma_wait3A_144 = tpu.memref_slice %arg2[%dma_wait3A_142, %dma_wait3A_143] : memref<10000x128xf32, #tpu.memory_space<hbm>> -> memref<10000x128xf32, #tpu.memory_space<hbm>>
        tpu.wait_indirect_dma semaphore(%arg14 : memref<!tpu.dma_semaphore, #tpu.memory_space<semaphore_mem>>) src(%dma_wait3A_144 : memref<10000x128xf32, #tpu.memory_space<hbm>>) dst(%arg11 : memref<128x128xf32, #tpu.memory_space<vmem>>)
        %run_scoped3A_145 = arith.constant 6 : i32
        "tpu.region"() ({
          %run_scoped3A_154 = tpu.sem_alloc : memref<!tpu.dma_semaphore, #tpu.memory_space<semaphore_mem>>
          %dma_start3A_155 = arith.constant 0 : i32
          %dma_start3A_156 = tpu.memref_slice %arg10[%run_scoped3A_145, %dma_start3A_155] : memref<8x128xi32, #tpu.memory_space<vmem>> -> memref<1x128xi32, #tpu.memory_space<vmem>>
          %dma_start3A_157 = tpu.memref_squeeze %dma_start3A_156 : memref<1x128xi32, #tpu.memory_space<vmem>> -> memref<128xi32, #tpu.memory_space<vmem>>
          %dma_start3A_158 = arith.constant 0 : i32
          %dma_start3A_159 = arith.constant 0 : i32
          %dma_start3A_160 = tpu.memref_slice %arg13[%dma_start3A_158, %dma_start3A_159] : memref<10240x128xf32, #tpu.memory_space<vmem_shared>> -> memref<10240x128xf32, #tpu.memory_space<vmem_shared>>
          tpu.enqueue_indirect_dma source(%arg11 : memref<128x128xf32, #tpu.memory_space<vmem>>) target(%dma_start3A_160 : memref<10240x128xf32, #tpu.memory_space<vmem_shared>>) offsets(%dma_start3A_157 : memref<128xi32, #tpu.memory_space<vmem>>) semaphore(%run_scoped3A_154 : memref<!tpu.dma_semaphore, #tpu.memory_space<semaphore_mem>>) {add = true}
          %dma_wait3A_161 = arith.constant 0 : i32
          %dma_wait3A_162 = tpu.memref_slice %arg10[%run_scoped3A_145, %dma_wait3A_161] : memref<8x128xi32, #tpu.memory_space<vmem>> -> memref<1x128xi32, #tpu.memory_space<vmem>>
          %dma_wait3A_163 = tpu.memref_squeeze %dma_wait3A_162 : memref<1x128xi32, #tpu.memory_space<vmem>> -> memref<128xi32, #tpu.memory_space<vmem>>
          %dma_wait3A_164 = arith.constant 0 : i32
          %dma_wait3A_165 = arith.constant 0 : i32
          %dma_wait3A_166 = tpu.memref_slice %arg13[%dma_wait3A_164, %dma_wait3A_165] : memref<10240x128xf32, #tpu.memory_space<vmem_shared>> -> memref<10240x128xf32, #tpu.memory_space<vmem_shared>>
          tpu.wait_indirect_dma semaphore(%run_scoped3A_154 : memref<!tpu.dma_semaphore, #tpu.memory_space<semaphore_mem>>) src(%arg11 : memref<128x128xf32, #tpu.memory_space<vmem>>) dst(%dma_wait3A_166 : memref<10240x128xf32, #tpu.memory_space<vmem_shared>>)
          tpu.yield
        }) : () -> ()
        %dma_wait3A_146 = arith.constant 7 : i32
        %dma_wait3A_147 = arith.constant 0 : i32
        %dma_wait3A_148 = tpu.memref_slice %arg9[%dma_wait3A_146, %dma_wait3A_147] : memref<8x128xi32, #tpu.memory_space<vmem>> -> memref<1x128xi32, #tpu.memory_space<vmem>>
        %dma_wait3A_149 = tpu.memref_squeeze %dma_wait3A_148 : memref<1x128xi32, #tpu.memory_space<vmem>> -> memref<128xi32, #tpu.memory_space<vmem>>
        %dma_wait3A_150 = arith.constant 0 : i32
        %dma_wait3A_151 = arith.constant 0 : i32
        %dma_wait3A_152 = tpu.memref_slice %arg2[%dma_wait3A_150, %dma_wait3A_151] : memref<10000x128xf32, #tpu.memory_space<hbm>> -> memref<10000x128xf32, #tpu.memory_space<hbm>>
        tpu.wait_indirect_dma semaphore(%arg15 : memref<!tpu.dma_semaphore, #tpu.memory_space<semaphore_mem>>) src(%dma_wait3A_152 : memref<10000x128xf32, #tpu.memory_space<hbm>>) dst(%arg12 : memref<128x128xf32, #tpu.memory_space<vmem>>)
        %run_scoped3A_153 = arith.constant 7 : i32
        "tpu.region"() ({
          %run_scoped3A_154 = tpu.sem_alloc : memref<!tpu.dma_semaphore, #tpu.memory_space<semaphore_mem>>
          %dma_start3A_155 = arith.constant 0 : i32
          %dma_start3A_156 = tpu.memref_slice %arg10[%run_scoped3A_153, %dma_start3A_155] : memref<8x128xi32, #tpu.memory_space<vmem>> -> memref<1x128xi32, #tpu.memory_space<vmem>>
          %dma_start3A_157 = tpu.memref_squeeze %dma_start3A_156 : memref<1x128xi32, #tpu.memory_space<vmem>> -> memref<128xi32, #tpu.memory_space<vmem>>
          %dma_start3A_158 = arith.constant 0 : i32
          %dma_start3A_159 = arith.constant 0 : i32
          %dma_start3A_160 = tpu.memref_slice %arg13[%dma_start3A_158, %dma_start3A_159] : memref<10240x128xf32, #tpu.memory_space<vmem_shared>> -> memref<10240x128xf32, #tpu.memory_space<vmem_shared>>
          tpu.enqueue_indirect_dma source(%arg12 : memref<128x128xf32, #tpu.memory_space<vmem>>) target(%dma_start3A_160 : memref<10240x128xf32, #tpu.memory_space<vmem_shared>>) offsets(%dma_start3A_157 : memref<128xi32, #tpu.memory_space<vmem>>) semaphore(%run_scoped3A_154 : memref<!tpu.dma_semaphore, #tpu.memory_space<semaphore_mem>>) {add = true}
          %dma_wait3A_161 = arith.constant 0 : i32
          %dma_wait3A_162 = tpu.memref_slice %arg10[%run_scoped3A_153, %dma_wait3A_161] : memref<8x128xi32, #tpu.memory_space<vmem>> -> memref<1x128xi32, #tpu.memory_space<vmem>>
          %dma_wait3A_163 = tpu.memref_squeeze %dma_wait3A_162 : memref<1x128xi32, #tpu.memory_space<vmem>> -> memref<128xi32, #tpu.memory_space<vmem>>
          %dma_wait3A_164 = arith.constant 0 : i32
          %dma_wait3A_165 = arith.constant 0 : i32
          %dma_wait3A_166 = tpu.memref_slice %arg13[%dma_wait3A_164, %dma_wait3A_165] : memref<10240x128xf32, #tpu.memory_space<vmem_shared>> -> memref<10240x128xf32, #tpu.memory_space<vmem_shared>>
          tpu.wait_indirect_dma semaphore(%run_scoped3A_154 : memref<!tpu.dma_semaphore, #tpu.memory_space<semaphore_mem>>) src(%arg12 : memref<128x128xf32, #tpu.memory_space<vmem>>) dst(%dma_wait3A_166 : memref<10240x128xf32, #tpu.memory_space<vmem_shared>>)
          tpu.yield
        }) : () -> ()
      }
      %scan3A_32 = arith.constant 19 : i32
    } else {
    }
    %eq3A_11 = arith.constant 1 : i32
    %eq3A_12 = arith.cmpi eq, %arg0, %eq3A_11 : i32
    %convert_element_type3A_13 = arith.extui %eq3A_12 : i1 to i32
    %cond3A_14 = arith.constant 0 : i32
    %cond3A_15 = arith.cmpi ne, %convert_element_type3A_13, %cond3A_14 : i32
    scf.if %cond3A_15 {
      %scan3A_28 = arith.constant 0 : i32
      %mul3A_29 = arith.constant 1 : i32
      %mul3A_30 = arith.muli %scan3A_28, %mul3A_29 : i32
      %add3A = arith.constant 0 : i32
      %add3A_31 = arith.addi %add3A, %mul3A_30 : i32
      "tpu.region"() ({
        %run_scoped3A_150 = tpu.sem_alloc : memref<!tpu.dma_semaphore, #tpu.memory_space<semaphore_mem>>
        %dma_start3A_151 = arith.constant 0 : i32
        %dma_start3A_152 = arith.constant 0 : i32
        %dma_start3A_153 = arith.constant 0 : i32
        %dma_start3A_154 = tpu.memref_slice %arg5[%arg1, %dma_start3A_151, %dma_start3A_152, %dma_start3A_153] : memref<16x1x8x128xi32, #tpu.memory_space<hbm>> -> memref<1x1x8x128xi32, #tpu.memory_space<hbm>>
        %dma_start3A_155 = tpu.memref_squeeze %dma_start3A_154 : memref<1x1x8x128xi32, #tpu.memory_space<hbm>> -> memref<1x8x128xi32, #tpu.memory_space<hbm>>
        %dma_start3A_156 = arith.constant 0 : i32
        %dma_start3A_157 = arith.constant 0 : i32
        %dma_start3A_158 = tpu.memref_slice %dma_start3A_155[%add3A_31, %dma_start3A_156, %dma_start3A_157] : memref<1x8x128xi32, #tpu.memory_space<hbm>> -> memref<1x8x128xi32, #tpu.memory_space<hbm>>
        %dma_start3A_159 = tpu.memref_squeeze %dma_start3A_158 : memref<1x8x128xi32, #tpu.memory_space<hbm>> -> memref<8x128xi32, #tpu.memory_space<hbm>>
        %dma_start3A_160 = arith.constant 0 : i32
        %dma_start3A_161 = arith.constant 0 : i32
        %dma_start3A_162 = arith.constant 0 : i32
        %dma_start3A_163 = tpu.memref_slice %arg5[%arg1, %dma_start3A_160, %dma_start3A_161, %dma_start3A_162] : memref<16x1x8x128xi32, #tpu.memory_space<hbm>> -> memref<1x1x8x128xi32, #tpu.memory_space<hbm>>
        %dma_start3A_164 = tpu.memref_squeeze %dma_start3A_163 : memref<1x1x8x128xi32, #tpu.memory_space<hbm>> -> memref<1x8x128xi32, #tpu.memory_space<hbm>>
        %dma_start3A_165 = arith.constant 0 : i32
        %dma_start3A_166 = arith.constant 0 : i32
        %dma_start3A_167 = tpu.memref_slice %dma_start3A_164[%add3A_31, %dma_start3A_165, %dma_start3A_166] : memref<1x8x128xi32, #tpu.memory_space<hbm>> -> memref<1x8x128xi32, #tpu.memory_space<hbm>>
        %dma_start3A_168 = tpu.memref_squeeze %dma_start3A_167 : memref<1x8x128xi32, #tpu.memory_space<hbm>> -> memref<8x128xi32, #tpu.memory_space<hbm>>
        tpu.enqueue_dma source(%dma_start3A_168 : memref<8x128xi32, #tpu.memory_space<hbm>>) target(%arg9 : memref<8x128xi32, #tpu.memory_space<vmem>>) target_semaphore(%run_scoped3A_150 : memref<!tpu.dma_semaphore, #tpu.memory_space<semaphore_mem>>)
        %dma_wait3A_169 = arith.constant 0 : i32
        %dma_wait3A_170 = arith.constant 0 : i32
        %dma_wait3A_171 = arith.constant 0 : i32
        %dma_wait3A_172 = tpu.memref_slice %arg5[%arg1, %dma_wait3A_169, %dma_wait3A_170, %dma_wait3A_171] : memref<16x1x8x128xi32, #tpu.memory_space<hbm>> -> memref<1x1x8x128xi32, #tpu.memory_space<hbm>>
        %dma_wait3A_173 = tpu.memref_squeeze %dma_wait3A_172 : memref<1x1x8x128xi32, #tpu.memory_space<hbm>> -> memref<1x8x128xi32, #tpu.memory_space<hbm>>
        %dma_wait3A_174 = arith.constant 0 : i32
        %dma_wait3A_175 = arith.constant 0 : i32
        %dma_wait3A_176 = tpu.memref_slice %dma_wait3A_173[%add3A_31, %dma_wait3A_174, %dma_wait3A_175] : memref<1x8x128xi32, #tpu.memory_space<hbm>> -> memref<1x8x128xi32, #tpu.memory_space<hbm>>
        %dma_wait3A_177 = tpu.memref_squeeze %dma_wait3A_176 : memref<1x8x128xi32, #tpu.memory_space<hbm>> -> memref<8x128xi32, #tpu.memory_space<hbm>>
        %dma_wait3A_178 = arith.constant 0 : i32
        %dma_wait3A_179 = arith.constant 0 : i32
        %dma_wait3A_180 = arith.constant 0 : i32
        %dma_wait3A_181 = tpu.memref_slice %arg5[%arg1, %dma_wait3A_178, %dma_wait3A_179, %dma_wait3A_180] : memref<16x1x8x128xi32, #tpu.memory_space<hbm>> -> memref<1x1x8x128xi32, #tpu.memory_space<hbm>>
        %dma_wait3A_182 = tpu.memref_squeeze %dma_wait3A_181 : memref<1x1x8x128xi32, #tpu.memory_space<hbm>> -> memref<1x8x128xi32, #tpu.memory_space<hbm>>
        %dma_wait3A_183 = arith.constant 0 : i32
        %dma_wait3A_184 = arith.constant 0 : i32
        %dma_wait3A_185 = tpu.memref_slice %dma_wait3A_182[%add3A_31, %dma_wait3A_183, %dma_wait3A_184] : memref<1x8x128xi32, #tpu.memory_space<hbm>> -> memref<1x8x128xi32, #tpu.memory_space<hbm>>
        %dma_wait3A_186 = tpu.memref_squeeze %dma_wait3A_185 : memref<1x8x128xi32, #tpu.memory_space<hbm>> -> memref<8x128xi32, #tpu.memory_space<hbm>>
        tpu.wait_dma2 semaphore(%run_scoped3A_150 : memref<!tpu.dma_semaphore, #tpu.memory_space<semaphore_mem>>) src(%dma_wait3A_186 : memref<8x128xi32, #tpu.memory_space<hbm>>) dst(%arg9 : memref<8x128xi32, #tpu.memory_space<vmem>>)
        tpu.yield
      }) : () -> ()
      "tpu.region"() ({
        %run_scoped3A_150 = tpu.sem_alloc : memref<!tpu.dma_semaphore, #tpu.memory_space<semaphore_mem>>
        %dma_start3A_151 = arith.constant 0 : i32
        %dma_start3A_152 = arith.constant 0 : i32
        %dma_start3A_153 = arith.constant 0 : i32
        %dma_start3A_154 = tpu.memref_slice %arg6[%arg1, %dma_start3A_151, %dma_start3A_152, %dma_start3A_153] : memref<16x1x8x128xi32, #tpu.memory_space<hbm>> -> memref<1x1x8x128xi32, #tpu.memory_space<hbm>>
        %dma_start3A_155 = tpu.memref_squeeze %dma_start3A_154 : memref<1x1x8x128xi32, #tpu.memory_space<hbm>> -> memref<1x8x128xi32, #tpu.memory_space<hbm>>
        %dma_start3A_156 = arith.constant 0 : i32
        %dma_start3A_157 = arith.constant 0 : i32
        %dma_start3A_158 = tpu.memref_slice %dma_start3A_155[%add3A_31, %dma_start3A_156, %dma_start3A_157] : memref<1x8x128xi32, #tpu.memory_space<hbm>> -> memref<1x8x128xi32, #tpu.memory_space<hbm>>
        %dma_start3A_159 = tpu.memref_squeeze %dma_start3A_158 : memref<1x8x128xi32, #tpu.memory_space<hbm>> -> memref<8x128xi32, #tpu.memory_space<hbm>>
        %dma_start3A_160 = arith.constant 0 : i32
        %dma_start3A_161 = arith.constant 0 : i32
        %dma_start3A_162 = arith.constant 0 : i32
        %dma_start3A_163 = tpu.memref_slice %arg6[%arg1, %dma_start3A_160, %dma_start3A_161, %dma_start3A_162] : memref<16x1x8x128xi32, #tpu.memory_space<hbm>> -> memref<1x1x8x128xi32, #tpu.memory_space<hbm>>
        %dma_start3A_164 = tpu.memref_squeeze %dma_start3A_163 : memref<1x1x8x128xi32, #tpu.memory_space<hbm>> -> memref<1x8x128xi32, #tpu.memory_space<hbm>>
        %dma_start3A_165 = arith.constant 0 : i32
        %dma_start3A_166 = arith.constant 0 : i32
        %dma_start3A_167 = tpu.memref_slice %dma_start3A_164[%add3A_31, %dma_start3A_165, %dma_start3A_166] : memref<1x8x128xi32, #tpu.memory_space<hbm>> -> memref<1x8x128xi32, #tpu.memory_space<hbm>>
        %dma_start3A_168 = tpu.memref_squeeze %dma_start3A_167 : memref<1x8x128xi32, #tpu.memory_space<hbm>> -> memref<8x128xi32, #tpu.memory_space<hbm>>
        tpu.enqueue_dma source(%dma_start3A_168 : memref<8x128xi32, #tpu.memory_space<hbm>>) target(%arg10 : memref<8x128xi32, #tpu.memory_space<vmem>>) target_semaphore(%run_scoped3A_150 : memref<!tpu.dma_semaphore, #tpu.memory_space<semaphore_mem>>)
        %dma_wait3A_169 = arith.constant 0 : i32
        %dma_wait3A_170 = arith.constant 0 : i32
        %dma_wait3A_171 = arith.constant 0 : i32
        %dma_wait3A_172 = tpu.memref_slice %arg6[%arg1, %dma_wait3A_169, %dma_wait3A_170, %dma_wait3A_171] : memref<16x1x8x128xi32, #tpu.memory_space<hbm>> -> memref<1x1x8x128xi32, #tpu.memory_space<hbm>>
        %dma_wait3A_173 = tpu.memref_squeeze %dma_wait3A_172 : memref<1x1x8x128xi32, #tpu.memory_space<hbm>> -> memref<1x8x128xi32, #tpu.memory_space<hbm>>
        %dma_wait3A_174 = arith.constant 0 : i32
        %dma_wait3A_175 = arith.constant 0 : i32
        %dma_wait3A_176 = tpu.memref_slice %dma_wait3A_173[%add3A_31, %dma_wait3A_174, %dma_wait3A_175] : memref<1x8x128xi32, #tpu.memory_space<hbm>> -> memref<1x8x128xi32, #tpu.memory_space<hbm>>
        %dma_wait3A_177 = tpu.memref_squeeze %dma_wait3A_176 : memref<1x8x128xi32, #tpu.memory_space<hbm>> -> memref<8x128xi32, #tpu.memory_space<hbm>>
        %dma_wait3A_178 = arith.constant 0 : i32
        %dma_wait3A_179 = arith.constant 0 : i32
        %dma_wait3A_180 = arith.constant 0 : i32
        %dma_wait3A_181 = tpu.memref_slice %arg6[%arg1, %dma_wait3A_178, %dma_wait3A_179, %dma_wait3A_180] : memref<16x1x8x128xi32, #tpu.memory_space<hbm>> -> memref<1x1x8x128xi32, #tpu.memory_space<hbm>>
        %dma_wait3A_182 = tpu.memref_squeeze %dma_wait3A_181 : memref<1x1x8x128xi32, #tpu.memory_space<hbm>> -> memref<1x8x128xi32, #tpu.memory_space<hbm>>
        %dma_wait3A_183 = arith.constant 0 : i32
        %dma_wait3A_184 = arith.constant 0 : i32
        %dma_wait3A_185 = tpu.memref_slice %dma_wait3A_182[%add3A_31, %dma_wait3A_183, %dma_wait3A_184] : memref<1x8x128xi32, #tpu.memory_space<hbm>> -> memref<1x8x128xi32, #tpu.memory_space<hbm>>
        %dma_wait3A_186 = tpu.memref_squeeze %dma_wait3A_185 : memref<1x8x128xi32, #tpu.memory_space<hbm>> -> memref<8x128xi32, #tpu.memory_space<hbm>>
        tpu.wait_dma2 semaphore(%run_scoped3A_150 : memref<!tpu.dma_semaphore, #tpu.memory_space<semaphore_mem>>) src(%dma_wait3A_186 : memref<8x128xi32, #tpu.memory_space<hbm>>) dst(%arg10 : memref<8x128xi32, #tpu.memory_space<vmem>>)
        tpu.yield
      }) : () -> ()
      %dma_start3A = arith.constant 0 : i32
      %dma_start3A_32 = arith.constant 0 : i32
      %dma_start3A_33 = tpu.memref_slice %arg9[%dma_start3A, %dma_start3A_32] : memref<8x128xi32, #tpu.memory_space<vmem>> -> memref<1x128xi32, #tpu.memory_space<vmem>>
      %dma_start3A_34 = tpu.memref_squeeze %dma_start3A_33 : memref<1x128xi32, #tpu.memory_space<vmem>> -> memref<128xi32, #tpu.memory_space<vmem>>
      %dma_start3A_35 = arith.constant 0 : i32
      %dma_start3A_36 = arith.constant 0 : i32
      %dma_start3A_37 = tpu.memref_slice %arg2[%dma_start3A_35, %dma_start3A_36] : memref<10000x128xf32, #tpu.memory_space<hbm>> -> memref<10000x128xf32, #tpu.memory_space<hbm>>
      tpu.enqueue_indirect_dma source(%dma_start3A_37 : memref<10000x128xf32, #tpu.memory_space<hbm>>) target(%arg11 : memref<128x128xf32, #tpu.memory_space<vmem>>) offsets(%dma_start3A_34 : memref<128xi32, #tpu.memory_space<vmem>>) semaphore(%arg14 : memref<!tpu.dma_semaphore, #tpu.memory_space<semaphore_mem>>)
      %dma_start3A_38 = arith.constant 1 : i32
      %dma_start3A_39 = arith.constant 0 : i32
      %dma_start3A_40 = tpu.memref_slice %arg9[%dma_start3A_38, %dma_start3A_39] : memref<8x128xi32, #tpu.memory_space<vmem>> -> memref<1x128xi32, #tpu.memory_space<vmem>>
      %dma_start3A_41 = tpu.memref_squeeze %dma_start3A_40 : memref<1x128xi32, #tpu.memory_space<vmem>> -> memref<128xi32, #tpu.memory_space<vmem>>
      %dma_start3A_42 = arith.constant 0 : i32
      %dma_start3A_43 = arith.constant 0 : i32
      %dma_start3A_44 = tpu.memref_slice %arg2[%dma_start3A_42, %dma_start3A_43] : memref<10000x128xf32, #tpu.memory_space<hbm>> -> memref<10000x128xf32, #tpu.memory_space<hbm>>
      tpu.enqueue_indirect_dma source(%dma_start3A_44 : memref<10000x128xf32, #tpu.memory_space<hbm>>) target(%arg12 : memref<128x128xf32, #tpu.memory_space<vmem>>) offsets(%dma_start3A_41 : memref<128xi32, #tpu.memory_space<vmem>>) semaphore(%arg15 : memref<!tpu.dma_semaphore, #tpu.memory_space<semaphore_mem>>)
      %dma_wait3A = arith.constant 0 : i32
      %dma_wait3A_45 = arith.constant 0 : i32
      %dma_wait3A_46 = tpu.memref_slice %arg9[%dma_wait3A, %dma_wait3A_45] : memref<8x128xi32, #tpu.memory_space<vmem>> -> memref<1x128xi32, #tpu.memory_space<vmem>>
      %dma_wait3A_47 = tpu.memref_squeeze %dma_wait3A_46 : memref<1x128xi32, #tpu.memory_space<vmem>> -> memref<128xi32, #tpu.memory_space<vmem>>
      %dma_wait3A_48 = arith.constant 0 : i32
      %dma_wait3A_49 = arith.constant 0 : i32
      %dma_wait3A_50 = tpu.memref_slice %arg2[%dma_wait3A_48, %dma_wait3A_49] : memref<10000x128xf32, #tpu.memory_space<hbm>> -> memref<10000x128xf32, #tpu.memory_space<hbm>>
      tpu.wait_indirect_dma semaphore(%arg14 : memref<!tpu.dma_semaphore, #tpu.memory_space<semaphore_mem>>) src(%dma_wait3A_50 : memref<10000x128xf32, #tpu.memory_space<hbm>>) dst(%arg11 : memref<128x128xf32, #tpu.memory_space<vmem>>)
      %run_scoped3A = arith.constant 0 : i32
      "tpu.region"() ({
        %run_scoped3A_150 = tpu.sem_alloc : memref<!tpu.dma_semaphore, #tpu.memory_space<semaphore_mem>>
        %dma_start3A_151 = arith.constant 0 : i32
        %dma_start3A_152 = tpu.memref_slice %arg10[%run_scoped3A, %dma_start3A_151] : memref<8x128xi32, #tpu.memory_space<vmem>> -> memref<1x128xi32, #tpu.memory_space<vmem>>
        %dma_start3A_153 = tpu.memref_squeeze %dma_start3A_152 : memref<1x128xi32, #tpu.memory_space<vmem>> -> memref<128xi32, #tpu.memory_space<vmem>>
        %dma_start3A_154 = arith.constant 0 : i32
        %dma_start3A_155 = arith.constant 0 : i32
        %dma_start3A_156 = tpu.memref_slice %arg13[%dma_start3A_154, %dma_start3A_155] : memref<10240x128xf32, #tpu.memory_space<vmem_shared>> -> memref<10240x128xf32, #tpu.memory_space<vmem_shared>>
        tpu.enqueue_indirect_dma source(%arg11 : memref<128x128xf32, #tpu.memory_space<vmem>>) target(%dma_start3A_156 : memref<10240x128xf32, #tpu.memory_space<vmem_shared>>) offsets(%dma_start3A_153 : memref<128xi32, #tpu.memory_space<vmem>>) semaphore(%run_scoped3A_150 : memref<!tpu.dma_semaphore, #tpu.memory_space<semaphore_mem>>) {add = true}
        %dma_wait3A_157 = arith.constant 0 : i32
        %dma_wait3A_158 = tpu.memref_slice %arg10[%run_scoped3A, %dma_wait3A_157] : memref<8x128xi32, #tpu.memory_space<vmem>> -> memref<1x128xi32, #tpu.memory_space<vmem>>
        %dma_wait3A_159 = tpu.memref_squeeze %dma_wait3A_158 : memref<1x128xi32, #tpu.memory_space<vmem>> -> memref<128xi32, #tpu.memory_space<vmem>>
        %dma_wait3A_160 = arith.constant 0 : i32
        %dma_wait3A_161 = arith.constant 0 : i32
        %dma_wait3A_162 = tpu.memref_slice %arg13[%dma_wait3A_160, %dma_wait3A_161] : memref<10240x128xf32, #tpu.memory_space<vmem_shared>> -> memref<10240x128xf32, #tpu.memory_space<vmem_shared>>
        tpu.wait_indirect_dma semaphore(%run_scoped3A_150 : memref<!tpu.dma_semaphore, #tpu.memory_space<semaphore_mem>>) src(%arg11 : memref<128x128xf32, #tpu.memory_space<vmem>>) dst(%dma_wait3A_162 : memref<10240x128xf32, #tpu.memory_space<vmem_shared>>)
        tpu.yield
      }) : () -> ()
      %dma_start3A_51 = arith.constant 2 : i32
      %dma_start3A_52 = arith.constant 0 : i32
      %dma_start3A_53 = tpu.memref_slice %arg9[%dma_start3A_51, %dma_start3A_52] : memref<8x128xi32, #tpu.memory_space<vmem>> -> memref<1x128xi32, #tpu.memory_space<vmem>>
      %dma_start3A_54 = tpu.memref_squeeze %dma_start3A_53 : memref<1x128xi32, #tpu.memory_space<vmem>> -> memref<128xi32, #tpu.memory_space<vmem>>
      %dma_start3A_55 = arith.constant 0 : i32
      %dma_start3A_56 = arith.constant 0 : i32
      %dma_start3A_57 = tpu.memref_slice %arg2[%dma_start3A_55, %dma_start3A_56] : memref<10000x128xf32, #tpu.memory_space<hbm>> -> memref<10000x128xf32, #tpu.memory_space<hbm>>
      tpu.enqueue_indirect_dma source(%dma_start3A_57 : memref<10000x128xf32, #tpu.memory_space<hbm>>) target(%arg11 : memref<128x128xf32, #tpu.memory_space<vmem>>) offsets(%dma_start3A_54 : memref<128xi32, #tpu.memory_space<vmem>>) semaphore(%arg14 : memref<!tpu.dma_semaphore, #tpu.memory_space<semaphore_mem>>)
      %dma_wait3A_58 = arith.constant 1 : i32
      %dma_wait3A_59 = arith.constant 0 : i32
      %dma_wait3A_60 = tpu.memref_slice %arg9[%dma_wait3A_58, %dma_wait3A_59] : memref<8x128xi32, #tpu.memory_space<vmem>> -> memref<1x128xi32, #tpu.memory_space<vmem>>
      %dma_wait3A_61 = tpu.memref_squeeze %dma_wait3A_60 : memref<1x128xi32, #tpu.memory_space<vmem>> -> memref<128xi32, #tpu.memory_space<vmem>>
      %dma_wait3A_62 = arith.constant 0 : i32
      %dma_wait3A_63 = arith.constant 0 : i32
      %dma_wait3A_64 = tpu.memref_slice %arg2[%dma_wait3A_62, %dma_wait3A_63] : memref<10000x128xf32, #tpu.memory_space<hbm>> -> memref<10000x128xf32, #tpu.memory_space<hbm>>
      tpu.wait_indirect_dma semaphore(%arg15 : memref<!tpu.dma_semaphore, #tpu.memory_space<semaphore_mem>>) src(%dma_wait3A_64 : memref<10000x128xf32, #tpu.memory_space<hbm>>) dst(%arg12 : memref<128x128xf32, #tpu.memory_space<vmem>>)
      %run_scoped3A_65 = arith.constant 1 : i32
      "tpu.region"() ({
        %run_scoped3A_150 = tpu.sem_alloc : memref<!tpu.dma_semaphore, #tpu.memory_space<semaphore_mem>>
        %dma_start3A_151 = arith.constant 0 : i32
        %dma_start3A_152 = tpu.memref_slice %arg10[%run_scoped3A_65, %dma_start3A_151] : memref<8x128xi32, #tpu.memory_space<vmem>> -> memref<1x128xi32, #tpu.memory_space<vmem>>
        %dma_start3A_153 = tpu.memref_squeeze %dma_start3A_152 : memref<1x128xi32, #tpu.memory_space<vmem>> -> memref<128xi32, #tpu.memory_space<vmem>>
        %dma_start3A_154 = arith.constant 0 : i32
        %dma_start3A_155 = arith.constant 0 : i32
        %dma_start3A_156 = tpu.memref_slice %arg13[%dma_start3A_154, %dma_start3A_155] : memref<10240x128xf32, #tpu.memory_space<vmem_shared>> -> memref<10240x128xf32, #tpu.memory_space<vmem_shared>>
        tpu.enqueue_indirect_dma source(%arg12 : memref<128x128xf32, #tpu.memory_space<vmem>>) target(%dma_start3A_156 : memref<10240x128xf32, #tpu.memory_space<vmem_shared>>) offsets(%dma_start3A_153 : memref<128xi32, #tpu.memory_space<vmem>>) semaphore(%run_scoped3A_150 : memref<!tpu.dma_semaphore, #tpu.memory_space<semaphore_mem>>) {add = true}
        %dma_wait3A_157 = arith.constant 0 : i32
        %dma_wait3A_158 = tpu.memref_slice %arg10[%run_scoped3A_65, %dma_wait3A_157] : memref<8x128xi32, #tpu.memory_space<vmem>> -> memref<1x128xi32, #tpu.memory_space<vmem>>
        %dma_wait3A_159 = tpu.memref_squeeze %dma_wait3A_158 : memref<1x128xi32, #tpu.memory_space<vmem>> -> memref<128xi32, #tpu.memory_space<vmem>>
        %dma_wait3A_160 = arith.constant 0 : i32
        %dma_wait3A_161 = arith.constant 0 : i32
        %dma_wait3A_162 = tpu.memref_slice %arg13[%dma_wait3A_160, %dma_wait3A_161] : memref<10240x128xf32, #tpu.memory_space<vmem_shared>> -> memref<10240x128xf32, #tpu.memory_space<vmem_shared>>
        tpu.wait_indirect_dma semaphore(%run_scoped3A_150 : memref<!tpu.dma_semaphore, #tpu.memory_space<semaphore_mem>>) src(%arg12 : memref<128x128xf32, #tpu.memory_space<vmem>>) dst(%dma_wait3A_162 : memref<10240x128xf32, #tpu.memory_space<vmem_shared>>)
        tpu.yield
      }) : () -> ()
      %dma_start3A_66 = arith.constant 3 : i32
      %dma_start3A_67 = arith.constant 0 : i32
      %dma_start3A_68 = tpu.memref_slice %arg9[%dma_start3A_66, %dma_start3A_67] : memref<8x128xi32, #tpu.memory_space<vmem>> -> memref<1x128xi32, #tpu.memory_space<vmem>>
      %dma_start3A_69 = tpu.memref_squeeze %dma_start3A_68 : memref<1x128xi32, #tpu.memory_space<vmem>> -> memref<128xi32, #tpu.memory_space<vmem>>
      %dma_start3A_70 = arith.constant 0 : i32
      %dma_start3A_71 = arith.constant 0 : i32
      %dma_start3A_72 = tpu.memref_slice %arg2[%dma_start3A_70, %dma_start3A_71] : memref<10000x128xf32, #tpu.memory_space<hbm>> -> memref<10000x128xf32, #tpu.memory_space<hbm>>
      tpu.enqueue_indirect_dma source(%dma_start3A_72 : memref<10000x128xf32, #tpu.memory_space<hbm>>) target(%arg12 : memref<128x128xf32, #tpu.memory_space<vmem>>) offsets(%dma_start3A_69 : memref<128xi32, #tpu.memory_space<vmem>>) semaphore(%arg15 : memref<!tpu.dma_semaphore, #tpu.memory_space<semaphore_mem>>)
      %dma_wait3A_73 = arith.constant 2 : i32
      %dma_wait3A_74 = arith.constant 0 : i32
      %dma_wait3A_75 = tpu.memref_slice %arg9[%dma_wait3A_73, %dma_wait3A_74] : memref<8x128xi32, #tpu.memory_space<vmem>> -> memref<1x128xi32, #tpu.memory_space<vmem>>
      %dma_wait3A_76 = tpu.memref_squeeze %dma_wait3A_75 : memref<1x128xi32, #tpu.memory_space<vmem>> -> memref<128xi32, #tpu.memory_space<vmem>>
      %dma_wait3A_77 = arith.constant 0 : i32
      %dma_wait3A_78 = arith.constant 0 : i32
      %dma_wait3A_79 = tpu.memref_slice %arg2[%dma_wait3A_77, %dma_wait3A_78] : memref<10000x128xf32, #tpu.memory_space<hbm>> -> memref<10000x128xf32, #tpu.memory_space<hbm>>
      tpu.wait_indirect_dma semaphore(%arg14 : memref<!tpu.dma_semaphore, #tpu.memory_space<semaphore_mem>>) src(%dma_wait3A_79 : memref<10000x128xf32, #tpu.memory_space<hbm>>) dst(%arg11 : memref<128x128xf32, #tpu.memory_space<vmem>>)
      %run_scoped3A_80 = arith.constant 2 : i32
      "tpu.region"() ({
        %run_scoped3A_150 = tpu.sem_alloc : memref<!tpu.dma_semaphore, #tpu.memory_space<semaphore_mem>>
        %dma_start3A_151 = arith.constant 0 : i32
        %dma_start3A_152 = tpu.memref_slice %arg10[%run_scoped3A_80, %dma_start3A_151] : memref<8x128xi32, #tpu.memory_space<vmem>> -> memref<1x128xi32, #tpu.memory_space<vmem>>
        %dma_start3A_153 = tpu.memref_squeeze %dma_start3A_152 : memref<1x128xi32, #tpu.memory_space<vmem>> -> memref<128xi32, #tpu.memory_space<vmem>>
        %dma_start3A_154 = arith.constant 0 : i32
        %dma_start3A_155 = arith.constant 0 : i32
        %dma_start3A_156 = tpu.memref_slice %arg13[%dma_start3A_154, %dma_start3A_155] : memref<10240x128xf32, #tpu.memory_space<vmem_shared>> -> memref<10240x128xf32, #tpu.memory_space<vmem_shared>>
        tpu.enqueue_indirect_dma source(%arg11 : memref<128x128xf32, #tpu.memory_space<vmem>>) target(%dma_start3A_156 : memref<10240x128xf32, #tpu.memory_space<vmem_shared>>) offsets(%dma_start3A_153 : memref<128xi32, #tpu.memory_space<vmem>>) semaphore(%run_scoped3A_150 : memref<!tpu.dma_semaphore, #tpu.memory_space<semaphore_mem>>) {add = true}
        %dma_wait3A_157 = arith.constant 0 : i32
        %dma_wait3A_158 = tpu.memref_slice %arg10[%run_scoped3A_80, %dma_wait3A_157] : memref<8x128xi32, #tpu.memory_space<vmem>> -> memref<1x128xi32, #tpu.memory_space<vmem>>
        %dma_wait3A_159 = tpu.memref_squeeze %dma_wait3A_158 : memref<1x128xi32, #tpu.memory_space<vmem>> -> memref<128xi32, #tpu.memory_space<vmem>>
        %dma_wait3A_160 = arith.constant 0 : i32
        %dma_wait3A_161 = arith.constant 0 : i32
        %dma_wait3A_162 = tpu.memref_slice %arg13[%dma_wait3A_160, %dma_wait3A_161] : memref<10240x128xf32, #tpu.memory_space<vmem_shared>> -> memref<10240x128xf32, #tpu.memory_space<vmem_shared>>
        tpu.wait_indirect_dma semaphore(%run_scoped3A_150 : memref<!tpu.dma_semaphore, #tpu.memory_space<semaphore_mem>>) src(%arg11 : memref<128x128xf32, #tpu.memory_space<vmem>>) dst(%dma_wait3A_162 : memref<10240x128xf32, #tpu.memory_space<vmem_shared>>)
        tpu.yield
      }) : () -> ()
      %dma_start3A_81 = arith.constant 4 : i32
      %dma_start3A_82 = arith.constant 0 : i32
      %dma_start3A_83 = tpu.memref_slice %arg9[%dma_start3A_81, %dma_start3A_82] : memref<8x128xi32, #tpu.memory_space<vmem>> -> memref<1x128xi32, #tpu.memory_space<vmem>>
      %dma_start3A_84 = tpu.memref_squeeze %dma_start3A_83 : memref<1x128xi32, #tpu.memory_space<vmem>> -> memref<128xi32, #tpu.memory_space<vmem>>
      %dma_start3A_85 = arith.constant 0 : i32
      %dma_start3A_86 = arith.constant 0 : i32
      %dma_start3A_87 = tpu.memref_slice %arg2[%dma_start3A_85, %dma_start3A_86] : memref<10000x128xf32, #tpu.memory_space<hbm>> -> memref<10000x128xf32, #tpu.memory_space<hbm>>
      tpu.enqueue_indirect_dma source(%dma_start3A_87 : memref<10000x128xf32, #tpu.memory_space<hbm>>) target(%arg11 : memref<128x128xf32, #tpu.memory_space<vmem>>) offsets(%dma_start3A_84 : memref<128xi32, #tpu.memory_space<vmem>>) semaphore(%arg14 : memref<!tpu.dma_semaphore, #tpu.memory_space<semaphore_mem>>)
      %dma_wait3A_88 = arith.constant 3 : i32
      %dma_wait3A_89 = arith.constant 0 : i32
      %dma_wait3A_90 = tpu.memref_slice %arg9[%dma_wait3A_88, %dma_wait3A_89] : memref<8x128xi32, #tpu.memory_space<vmem>> -> memref<1x128xi32, #tpu.memory_space<vmem>>
      %dma_wait3A_91 = tpu.memref_squeeze %dma_wait3A_90 : memref<1x128xi32, #tpu.memory_space<vmem>> -> memref<128xi32, #tpu.memory_space<vmem>>
      %dma_wait3A_92 = arith.constant 0 : i32
      %dma_wait3A_93 = arith.constant 0 : i32
      %dma_wait3A_94 = tpu.memref_slice %arg2[%dma_wait3A_92, %dma_wait3A_93] : memref<10000x128xf32, #tpu.memory_space<hbm>> -> memref<10000x128xf32, #tpu.memory_space<hbm>>
      tpu.wait_indirect_dma semaphore(%arg15 : memref<!tpu.dma_semaphore, #tpu.memory_space<semaphore_mem>>) src(%dma_wait3A_94 : memref<10000x128xf32, #tpu.memory_space<hbm>>) dst(%arg12 : memref<128x128xf32, #tpu.memory_space<vmem>>)
      %run_scoped3A_95 = arith.constant 3 : i32
      "tpu.region"() ({
        %run_scoped3A_150 = tpu.sem_alloc : memref<!tpu.dma_semaphore, #tpu.memory_space<semaphore_mem>>
        %dma_start3A_151 = arith.constant 0 : i32
        %dma_start3A_152 = tpu.memref_slice %arg10[%run_scoped3A_95, %dma_start3A_151] : memref<8x128xi32, #tpu.memory_space<vmem>> -> memref<1x128xi32, #tpu.memory_space<vmem>>
        %dma_start3A_153 = tpu.memref_squeeze %dma_start3A_152 : memref<1x128xi32, #tpu.memory_space<vmem>> -> memref<128xi32, #tpu.memory_space<vmem>>
        %dma_start3A_154 = arith.constant 0 : i32
        %dma_start3A_155 = arith.constant 0 : i32
        %dma_start3A_156 = tpu.memref_slice %arg13[%dma_start3A_154, %dma_start3A_155] : memref<10240x128xf32, #tpu.memory_space<vmem_shared>> -> memref<10240x128xf32, #tpu.memory_space<vmem_shared>>
        tpu.enqueue_indirect_dma source(%arg12 : memref<128x128xf32, #tpu.memory_space<vmem>>) target(%dma_start3A_156 : memref<10240x128xf32, #tpu.memory_space<vmem_shared>>) offsets(%dma_start3A_153 : memref<128xi32, #tpu.memory_space<vmem>>) semaphore(%run_scoped3A_150 : memref<!tpu.dma_semaphore, #tpu.memory_space<semaphore_mem>>) {add = true}
        %dma_wait3A_157 = arith.constant 0 : i32
        %dma_wait3A_158 = tpu.memref_slice %arg10[%run_scoped3A_95, %dma_wait3A_157] : memref<8x128xi32, #tpu.memory_space<vmem>> -> memref<1x128xi32, #tpu.memory_space<vmem>>
        %dma_wait3A_159 = tpu.memref_squeeze %dma_wait3A_158 : memref<1x128xi32, #tpu.memory_space<vmem>> -> memref<128xi32, #tpu.memory_space<vmem>>
        %dma_wait3A_160 = arith.constant 0 : i32
        %dma_wait3A_161 = arith.constant 0 : i32
        %dma_wait3A_162 = tpu.memref_slice %arg13[%dma_wait3A_160, %dma_wait3A_161] : memref<10240x128xf32, #tpu.memory_space<vmem_shared>> -> memref<10240x128xf32, #tpu.memory_space<vmem_shared>>
        tpu.wait_indirect_dma semaphore(%run_scoped3A_150 : memref<!tpu.dma_semaphore, #tpu.memory_space<semaphore_mem>>) src(%arg12 : memref<128x128xf32, #tpu.memory_space<vmem>>) dst(%dma_wait3A_162 : memref<10240x128xf32, #tpu.memory_space<vmem_shared>>)
        tpu.yield
      }) : () -> ()
      %dma_start3A_96 = arith.constant 5 : i32
      %dma_start3A_97 = arith.constant 0 : i32
      %dma_start3A_98 = tpu.memref_slice %arg9[%dma_start3A_96, %dma_start3A_97] : memref<8x128xi32, #tpu.memory_space<vmem>> -> memref<1x128xi32, #tpu.memory_space<vmem>>
      %dma_start3A_99 = tpu.memref_squeeze %dma_start3A_98 : memref<1x128xi32, #tpu.memory_space<vmem>> -> memref<128xi32, #tpu.memory_space<vmem>>
      %dma_start3A_100 = arith.constant 0 : i32
      %dma_start3A_101 = arith.constant 0 : i32
      %dma_start3A_102 = tpu.memref_slice %arg2[%dma_start3A_100, %dma_start3A_101] : memref<10000x128xf32, #tpu.memory_space<hbm>> -> memref<10000x128xf32, #tpu.memory_space<hbm>>
      tpu.enqueue_indirect_dma source(%dma_start3A_102 : memref<10000x128xf32, #tpu.memory_space<hbm>>) target(%arg12 : memref<128x128xf32, #tpu.memory_space<vmem>>) offsets(%dma_start3A_99 : memref<128xi32, #tpu.memory_space<vmem>>) semaphore(%arg15 : memref<!tpu.dma_semaphore, #tpu.memory_space<semaphore_mem>>)
      %dma_wait3A_103 = arith.constant 4 : i32
      %dma_wait3A_104 = arith.constant 0 : i32
      %dma_wait3A_105 = tpu.memref_slice %arg9[%dma_wait3A_103, %dma_wait3A_104] : memref<8x128xi32, #tpu.memory_space<vmem>> -> memref<1x128xi32, #tpu.memory_space<vmem>>
      %dma_wait3A_106 = tpu.memref_squeeze %dma_wait3A_105 : memref<1x128xi32, #tpu.memory_space<vmem>> -> memref<128xi32, #tpu.memory_space<vmem>>
      %dma_wait3A_107 = arith.constant 0 : i32
      %dma_wait3A_108 = arith.constant 0 : i32
      %dma_wait3A_109 = tpu.memref_slice %arg2[%dma_wait3A_107, %dma_wait3A_108] : memref<10000x128xf32, #tpu.memory_space<hbm>> -> memref<10000x128xf32, #tpu.memory_space<hbm>>
      tpu.wait_indirect_dma semaphore(%arg14 : memref<!tpu.dma_semaphore, #tpu.memory_space<semaphore_mem>>) src(%dma_wait3A_109 : memref<10000x128xf32, #tpu.memory_space<hbm>>) dst(%arg11 : memref<128x128xf32, #tpu.memory_space<vmem>>)
      %run_scoped3A_110 = arith.constant 4 : i32
      "tpu.region"() ({
        %run_scoped3A_150 = tpu.sem_alloc : memref<!tpu.dma_semaphore, #tpu.memory_space<semaphore_mem>>
        %dma_start3A_151 = arith.constant 0 : i32
        %dma_start3A_152 = tpu.memref_slice %arg10[%run_scoped3A_110, %dma_start3A_151] : memref<8x128xi32, #tpu.memory_space<vmem>> -> memref<1x128xi32, #tpu.memory_space<vmem>>
        %dma_start3A_153 = tpu.memref_squeeze %dma_start3A_152 : memref<1x128xi32, #tpu.memory_space<vmem>> -> memref<128xi32, #tpu.memory_space<vmem>>
        %dma_start3A_154 = arith.constant 0 : i32
        %dma_start3A_155 = arith.constant 0 : i32
        %dma_start3A_156 = tpu.memref_slice %arg13[%dma_start3A_154, %dma_start3A_155] : memref<10240x128xf32, #tpu.memory_space<vmem_shared>> -> memref<10240x128xf32, #tpu.memory_space<vmem_shared>>
        tpu.enqueue_indirect_dma source(%arg11 : memref<128x128xf32, #tpu.memory_space<vmem>>) target(%dma_start3A_156 : memref<10240x128xf32, #tpu.memory_space<vmem_shared>>) offsets(%dma_start3A_153 : memref<128xi32, #tpu.memory_space<vmem>>) semaphore(%run_scoped3A_150 : memref<!tpu.dma_semaphore, #tpu.memory_space<semaphore_mem>>) {add = true}
        %dma_wait3A_157 = arith.constant 0 : i32
        %dma_wait3A_158 = tpu.memref_slice %arg10[%run_scoped3A_110, %dma_wait3A_157] : memref<8x128xi32, #tpu.memory_space<vmem>> -> memref<1x128xi32, #tpu.memory_space<vmem>>
        %dma_wait3A_159 = tpu.memref_squeeze %dma_wait3A_158 : memref<1x128xi32, #tpu.memory_space<vmem>> -> memref<128xi32, #tpu.memory_space<vmem>>
        %dma_wait3A_160 = arith.constant 0 : i32
        %dma_wait3A_161 = arith.constant 0 : i32
        %dma_wait3A_162 = tpu.memref_slice %arg13[%dma_wait3A_160, %dma_wait3A_161] : memref<10240x128xf32, #tpu.memory_space<vmem_shared>> -> memref<10240x128xf32, #tpu.memory_space<vmem_shared>>
        tpu.wait_indirect_dma semaphore(%run_scoped3A_150 : memref<!tpu.dma_semaphore, #tpu.memory_space<semaphore_mem>>) src(%arg11 : memref<128x128xf32, #tpu.memory_space<vmem>>) dst(%dma_wait3A_162 : memref<10240x128xf32, #tpu.memory_space<vmem_shared>>)
        tpu.yield
      }) : () -> ()
      %dma_start3A_111 = arith.constant 6 : i32
      %dma_start3A_112 = arith.constant 0 : i32
      %dma_start3A_113 = tpu.memref_slice %arg9[%dma_start3A_111, %dma_start3A_112] : memref<8x128xi32, #tpu.memory_space<vmem>> -> memref<1x128xi32, #tpu.memory_space<vmem>>
      %dma_start3A_114 = tpu.memref_squeeze %dma_start3A_113 : memref<1x128xi32, #tpu.memory_space<vmem>> -> memref<128xi32, #tpu.memory_space<vmem>>
      %dma_start3A_115 = arith.constant 0 : i32
      %dma_start3A_116 = arith.constant 0 : i32
      %dma_start3A_117 = tpu.memref_slice %arg2[%dma_start3A_115, %dma_start3A_116] : memref<10000x128xf32, #tpu.memory_space<hbm>> -> memref<10000x128xf32, #tpu.memory_space<hbm>>
      tpu.enqueue_indirect_dma source(%dma_start3A_117 : memref<10000x128xf32, #tpu.memory_space<hbm>>) target(%arg11 : memref<128x128xf32, #tpu.memory_space<vmem>>) offsets(%dma_start3A_114 : memref<128xi32, #tpu.memory_space<vmem>>) semaphore(%arg14 : memref<!tpu.dma_semaphore, #tpu.memory_space<semaphore_mem>>)
      %dma_wait3A_118 = arith.constant 5 : i32
      %dma_wait3A_119 = arith.constant 0 : i32
      %dma_wait3A_120 = tpu.memref_slice %arg9[%dma_wait3A_118, %dma_wait3A_119] : memref<8x128xi32, #tpu.memory_space<vmem>> -> memref<1x128xi32, #tpu.memory_space<vmem>>
      %dma_wait3A_121 = tpu.memref_squeeze %dma_wait3A_120 : memref<1x128xi32, #tpu.memory_space<vmem>> -> memref<128xi32, #tpu.memory_space<vmem>>
      %dma_wait3A_122 = arith.constant 0 : i32
      %dma_wait3A_123 = arith.constant 0 : i32
      %dma_wait3A_124 = tpu.memref_slice %arg2[%dma_wait3A_122, %dma_wait3A_123] : memref<10000x128xf32, #tpu.memory_space<hbm>> -> memref<10000x128xf32, #tpu.memory_space<hbm>>
      tpu.wait_indirect_dma semaphore(%arg15 : memref<!tpu.dma_semaphore, #tpu.memory_space<semaphore_mem>>) src(%dma_wait3A_124 : memref<10000x128xf32, #tpu.memory_space<hbm>>) dst(%arg12 : memref<128x128xf32, #tpu.memory_space<vmem>>)
      %run_scoped3A_125 = arith.constant 5 : i32
      "tpu.region"() ({
        %run_scoped3A_150 = tpu.sem_alloc : memref<!tpu.dma_semaphore, #tpu.memory_space<semaphore_mem>>
        %dma_start3A_151 = arith.constant 0 : i32
        %dma_start3A_152 = tpu.memref_slice %arg10[%run_scoped3A_125, %dma_start3A_151] : memref<8x128xi32, #tpu.memory_space<vmem>> -> memref<1x128xi32, #tpu.memory_space<vmem>>
        %dma_start3A_153 = tpu.memref_squeeze %dma_start3A_152 : memref<1x128xi32, #tpu.memory_space<vmem>> -> memref<128xi32, #tpu.memory_space<vmem>>
        %dma_start3A_154 = arith.constant 0 : i32
        %dma_start3A_155 = arith.constant 0 : i32
        %dma_start3A_156 = tpu.memref_slice %arg13[%dma_start3A_154, %dma_start3A_155] : memref<10240x128xf32, #tpu.memory_space<vmem_shared>> -> memref<10240x128xf32, #tpu.memory_space<vmem_shared>>
        tpu.enqueue_indirect_dma source(%arg12 : memref<128x128xf32, #tpu.memory_space<vmem>>) target(%dma_start3A_156 : memref<10240x128xf32, #tpu.memory_space<vmem_shared>>) offsets(%dma_start3A_153 : memref<128xi32, #tpu.memory_space<vmem>>) semaphore(%run_scoped3A_150 : memref<!tpu.dma_semaphore, #tpu.memory_space<semaphore_mem>>) {add = true}
        %dma_wait3A_157 = arith.constant 0 : i32
        %dma_wait3A_158 = tpu.memref_slice %arg10[%run_scoped3A_125, %dma_wait3A_157] : memref<8x128xi32, #tpu.memory_space<vmem>> -> memref<1x128xi32, #tpu.memory_space<vmem>>
        %dma_wait3A_159 = tpu.memref_squeeze %dma_wait3A_158 : memref<1x128xi32, #tpu.memory_space<vmem>> -> memref<128xi32, #tpu.memory_space<vmem>>
        %dma_wait3A_160 = arith.constant 0 : i32
        %dma_wait3A_161 = arith.constant 0 : i32
        %dma_wait3A_162 = tpu.memref_slice %arg13[%dma_wait3A_160, %dma_wait3A_161] : memref<10240x128xf32, #tpu.memory_space<vmem_shared>> -> memref<10240x128xf32, #tpu.memory_space<vmem_shared>>
        tpu.wait_indirect_dma semaphore(%run_scoped3A_150 : memref<!tpu.dma_semaphore, #tpu.memory_space<semaphore_mem>>) src(%arg12 : memref<128x128xf32, #tpu.memory_space<vmem>>) dst(%dma_wait3A_162 : memref<10240x128xf32, #tpu.memory_space<vmem_shared>>)
        tpu.yield
      }) : () -> ()
      %dma_start3A_126 = arith.constant 7 : i32
      %dma_start3A_127 = arith.constant 0 : i32
      %dma_start3A_128 = tpu.memref_slice %arg9[%dma_start3A_126, %dma_start3A_127] : memref<8x128xi32, #tpu.memory_space<vmem>> -> memref<1x128xi32, #tpu.memory_space<vmem>>
      %dma_start3A_129 = tpu.memref_squeeze %dma_start3A_128 : memref<1x128xi32, #tpu.memory_space<vmem>> -> memref<128xi32, #tpu.memory_space<vmem>>
      %dma_start3A_130 = arith.constant 0 : i32
      %dma_start3A_131 = arith.constant 0 : i32
      %dma_start3A_132 = tpu.memref_slice %arg2[%dma_start3A_130, %dma_start3A_131] : memref<10000x128xf32, #tpu.memory_space<hbm>> -> memref<10000x128xf32, #tpu.memory_space<hbm>>
      tpu.enqueue_indirect_dma source(%dma_start3A_132 : memref<10000x128xf32, #tpu.memory_space<hbm>>) target(%arg12 : memref<128x128xf32, #tpu.memory_space<vmem>>) offsets(%dma_start3A_129 : memref<128xi32, #tpu.memory_space<vmem>>) semaphore(%arg15 : memref<!tpu.dma_semaphore, #tpu.memory_space<semaphore_mem>>)
      %dma_wait3A_133 = arith.constant 6 : i32
      %dma_wait3A_134 = arith.constant 0 : i32
      %dma_wait3A_135 = tpu.memref_slice %arg9[%dma_wait3A_133, %dma_wait3A_134] : memref<8x128xi32, #tpu.memory_space<vmem>> -> memref<1x128xi32, #tpu.memory_space<vmem>>
      %dma_wait3A_136 = tpu.memref_squeeze %dma_wait3A_135 : memref<1x128xi32, #tpu.memory_space<vmem>> -> memref<128xi32, #tpu.memory_space<vmem>>
      %dma_wait3A_137 = arith.constant 0 : i32
      %dma_wait3A_138 = arith.constant 0 : i32
      %dma_wait3A_139 = tpu.memref_slice %arg2[%dma_wait3A_137, %dma_wait3A_138] : memref<10000x128xf32, #tpu.memory_space<hbm>> -> memref<10000x128xf32, #tpu.memory_space<hbm>>
      tpu.wait_indirect_dma semaphore(%arg14 : memref<!tpu.dma_semaphore, #tpu.memory_space<semaphore_mem>>) src(%dma_wait3A_139 : memref<10000x128xf32, #tpu.memory_space<hbm>>) dst(%arg11 : memref<128x128xf32, #tpu.memory_space<vmem>>)
      %run_scoped3A_140 = arith.constant 6 : i32
      "tpu.region"() ({
        %run_scoped3A_150 = tpu.sem_alloc : memref<!tpu.dma_semaphore, #tpu.memory_space<semaphore_mem>>
        %dma_start3A_151 = arith.constant 0 : i32
        %dma_start3A_152 = tpu.memref_slice %arg10[%run_scoped3A_140, %dma_start3A_151] : memref<8x128xi32, #tpu.memory_space<vmem>> -> memref<1x128xi32, #tpu.memory_space<vmem>>
        %dma_start3A_153 = tpu.memref_squeeze %dma_start3A_152 : memref<1x128xi32, #tpu.memory_space<vmem>> -> memref<128xi32, #tpu.memory_space<vmem>>
        %dma_start3A_154 = arith.constant 0 : i32
        %dma_start3A_155 = arith.constant 0 : i32
        %dma_start3A_156 = tpu.memref_slice %arg13[%dma_start3A_154, %dma_start3A_155] : memref<10240x128xf32, #tpu.memory_space<vmem_shared>> -> memref<10240x128xf32, #tpu.memory_space<vmem_shared>>
        tpu.enqueue_indirect_dma source(%arg11 : memref<128x128xf32, #tpu.memory_space<vmem>>) target(%dma_start3A_156 : memref<10240x128xf32, #tpu.memory_space<vmem_shared>>) offsets(%dma_start3A_153 : memref<128xi32, #tpu.memory_space<vmem>>) semaphore(%run_scoped3A_150 : memref<!tpu.dma_semaphore, #tpu.memory_space<semaphore_mem>>) {add = true}
        %dma_wait3A_157 = arith.constant 0 : i32
        %dma_wait3A_158 = tpu.memref_slice %arg10[%run_scoped3A_140, %dma_wait3A_157] : memref<8x128xi32, #tpu.memory_space<vmem>> -> memref<1x128xi32, #tpu.memory_space<vmem>>
        %dma_wait3A_159 = tpu.memref_squeeze %dma_wait3A_158 : memref<1x128xi32, #tpu.memory_space<vmem>> -> memref<128xi32, #tpu.memory_space<vmem>>
        %dma_wait3A_160 = arith.constant 0 : i32
        %dma_wait3A_161 = arith.constant 0 : i32
        %dma_wait3A_162 = tpu.memref_slice %arg13[%dma_wait3A_160, %dma_wait3A_161] : memref<10240x128xf32, #tpu.memory_space<vmem_shared>> -> memref<10240x128xf32, #tpu.memory_space<vmem_shared>>
        tpu.wait_indirect_dma semaphore(%run_scoped3A_150 : memref<!tpu.dma_semaphore, #tpu.memory_space<semaphore_mem>>) src(%arg11 : memref<128x128xf32, #tpu.memory_space<vmem>>) dst(%dma_wait3A_162 : memref<10240x128xf32, #tpu.memory_space<vmem_shared>>)
        tpu.yield
      }) : () -> ()
      %dma_wait3A_141 = arith.constant 7 : i32
      %dma_wait3A_142 = arith.constant 0 : i32
      %dma_wait3A_143 = tpu.memref_slice %arg9[%dma_wait3A_141, %dma_wait3A_142] : memref<8x128xi32, #tpu.memory_space<vmem>> -> memref<1x128xi32, #tpu.memory_space<vmem>>
      %dma_wait3A_144 = tpu.memref_squeeze %dma_wait3A_143 : memref<1x128xi32, #tpu.memory_space<vmem>> -> memref<128xi32, #tpu.memory_space<vmem>>
      %dma_wait3A_145 = arith.constant 0 : i32
      %dma_wait3A_146 = arith.constant 0 : i32
      %dma_wait3A_147 = tpu.memref_slice %arg2[%dma_wait3A_145, %dma_wait3A_146] : memref<10000x128xf32, #tpu.memory_space<hbm>> -> memref<10000x128xf32, #tpu.memory_space<hbm>>
      tpu.wait_indirect_dma semaphore(%arg15 : memref<!tpu.dma_semaphore, #tpu.memory_space<semaphore_mem>>) src(%dma_wait3A_147 : memref<10000x128xf32, #tpu.memory_space<hbm>>) dst(%arg12 : memref<128x128xf32, #tpu.memory_space<vmem>>)
      %run_scoped3A_148 = arith.constant 7 : i32
      "tpu.region"() ({
        %run_scoped3A_150 = tpu.sem_alloc : memref<!tpu.dma_semaphore, #tpu.memory_space<semaphore_mem>>
        %dma_start3A_151 = arith.constant 0 : i32
        %dma_start3A_152 = tpu.memref_slice %arg10[%run_scoped3A_148, %dma_start3A_151] : memref<8x128xi32, #tpu.memory_space<vmem>> -> memref<1x128xi32, #tpu.memory_space<vmem>>
        %dma_start3A_153 = tpu.memref_squeeze %dma_start3A_152 : memref<1x128xi32, #tpu.memory_space<vmem>> -> memref<128xi32, #tpu.memory_space<vmem>>
        %dma_start3A_154 = arith.constant 0 : i32
        %dma_start3A_155 = arith.constant 0 : i32
        %dma_start3A_156 = tpu.memref_slice %arg13[%dma_start3A_154, %dma_start3A_155] : memref<10240x128xf32, #tpu.memory_space<vmem_shared>> -> memref<10240x128xf32, #tpu.memory_space<vmem_shared>>
        tpu.enqueue_indirect_dma source(%arg12 : memref<128x128xf32, #tpu.memory_space<vmem>>) target(%dma_start3A_156 : memref<10240x128xf32, #tpu.memory_space<vmem_shared>>) offsets(%dma_start3A_153 : memref<128xi32, #tpu.memory_space<vmem>>) semaphore(%run_scoped3A_150 : memref<!tpu.dma_semaphore, #tpu.memory_space<semaphore_mem>>) {add = true}
        %dma_wait3A_157 = arith.constant 0 : i32
        %dma_wait3A_158 = tpu.memref_slice %arg10[%run_scoped3A_148, %dma_wait3A_157] : memref<8x128xi32, #tpu.memory_space<vmem>> -> memref<1x128xi32, #tpu.memory_space<vmem>>
        %dma_wait3A_159 = tpu.memref_squeeze %dma_wait3A_158 : memref<1x128xi32, #tpu.memory_space<vmem>> -> memref<128xi32, #tpu.memory_space<vmem>>
        %dma_wait3A_160 = arith.constant 0 : i32
        %dma_wait3A_161 = arith.constant 0 : i32
        %dma_wait3A_162 = tpu.memref_slice %arg13[%dma_wait3A_160, %dma_wait3A_161] : memref<10240x128xf32, #tpu.memory_space<vmem_shared>> -> memref<10240x128xf32, #tpu.memory_space<vmem_shared>>
        tpu.wait_indirect_dma semaphore(%run_scoped3A_150 : memref<!tpu.dma_semaphore, #tpu.memory_space<semaphore_mem>>) src(%arg12 : memref<128x128xf32, #tpu.memory_space<vmem>>) dst(%dma_wait3A_162 : memref<10240x128xf32, #tpu.memory_space<vmem_shared>>)
        tpu.yield
      }) : () -> ()
      %scan3A_149 = arith.constant 1 : i32
    } else {
    }
    %barrier3A_16 = arith.constant 0 : index
    tpu.barrier barrier_id(%barrier3A_16)
    %mul3A = arith.constant 640 : i32
    %mul3A_17 = arith.muli %arg1, %mul3A : i32
    %multiple_of3A = tpu.assume_multiple %mul3A_17, 8 : i32
    %eq3A_18 = arith.constant 0 : i32
    %eq3A_19 = arith.cmpi eq, %arg0, %eq3A_18 : i32
    %convert_element_type3A_20 = arith.extui %eq3A_19 : i1 to i32
    %cond3A_21 = arith.constant 0 : i32
    %cond3A_22 = arith.cmpi ne, %convert_element_type3A_20, %cond3A_21 : i32
    scf.if %cond3A_22 {
      "tpu.region"() ({
        %run_scoped3A = tpu.sem_alloc : memref<!tpu.dma_semaphore, #tpu.memory_space<semaphore_mem>>
        %dma_start3A = arith.constant 0 : i32
        %dma_start3A_28 = tpu.memref_slice %arg7[%multiple_of3A, %dma_start3A] : memref<10240x128xf32, #tpu.memory_space<hbm>> -> memref<640x128xf32, #tpu.memory_space<hbm>>
        %dma_start3A_29 = arith.constant 0 : i32
        %dma_start3A_30 = tpu.memref_slice %arg13[%multiple_of3A, %dma_start3A_29] : memref<10240x128xf32, #tpu.memory_space<vmem_shared>> -> memref<640x128xf32, #tpu.memory_space<vmem_shared>>
        tpu.enqueue_dma source(%dma_start3A_30 : memref<640x128xf32, #tpu.memory_space<vmem_shared>>) target(%dma_start3A_28 : memref<640x128xf32, #tpu.memory_space<hbm>>) target_semaphore(%run_scoped3A : memref<!tpu.dma_semaphore, #tpu.memory_space<semaphore_mem>>)
        %dma_wait3A = arith.constant 0 : i32
        %dma_wait3A_31 = tpu.memref_slice %arg7[%multiple_of3A, %dma_wait3A] : memref<10240x128xf32, #tpu.memory_space<hbm>> -> memref<640x128xf32, #tpu.memory_space<hbm>>
        %dma_wait3A_32 = arith.constant 0 : i32
        %dma_wait3A_33 = tpu.memref_slice %arg13[%multiple_of3A, %dma_wait3A_32] : memref<10240x128xf32, #tpu.memory_space<vmem_shared>> -> memref<640x128xf32, #tpu.memory_space<vmem_shared>>
        tpu.wait_dma2 semaphore(%run_scoped3A : memref<!tpu.dma_semaphore, #tpu.memory_space<semaphore_mem>>) src(%dma_wait3A_33 : memref<640x128xf32, #tpu.memory_space<vmem_shared>>) dst(%dma_wait3A_31 : memref<640x128xf32, #tpu.memory_space<hbm>>)
        tpu.yield
      }) : () -> ()
    } else {
    }
    %eq3A_23 = arith.constant 1 : i32
    %eq3A_24 = arith.cmpi eq, %arg0, %eq3A_23 : i32
    %convert_element_type3A_25 = arith.extui %eq3A_24 : i1 to i32
    %cond3A_26 = arith.constant 0 : i32
    %cond3A_27 = arith.cmpi ne, %convert_element_type3A_25, %cond3A_26 : i32
    scf.if %cond3A_27 {
      "tpu.region"() ({
        %run_scoped3A = tpu.sem_alloc : memref<!tpu.dma_semaphore, #tpu.memory_space<semaphore_mem>>
        %dma_start3A = arith.constant 0 : i32
        %dma_start3A_28 = tpu.memref_slice %arg8[%multiple_of3A, %dma_start3A] : memref<10240x128xf32, #tpu.memory_space<hbm>> -> memref<640x128xf32, #tpu.memory_space<hbm>>
        %dma_start3A_29 = arith.constant 0 : i32
        %dma_start3A_30 = tpu.memref_slice %arg13[%multiple_of3A, %dma_start3A_29] : memref<10240x128xf32, #tpu.memory_space<vmem_shared>> -> memref<640x128xf32, #tpu.memory_space<vmem_shared>>
        tpu.enqueue_dma source(%dma_start3A_30 : memref<640x128xf32, #tpu.memory_space<vmem_shared>>) target(%dma_start3A_28 : memref<640x128xf32, #tpu.memory_space<hbm>>) target_semaphore(%run_scoped3A : memref<!tpu.dma_semaphore, #tpu.memory_space<semaphore_mem>>)
        %dma_wait3A = arith.constant 0 : i32
        %dma_wait3A_31 = tpu.memref_slice %arg8[%multiple_of3A, %dma_wait3A] : memref<10240x128xf32, #tpu.memory_space<hbm>> -> memref<640x128xf32, #tpu.memory_space<hbm>>
        %dma_wait3A_32 = arith.constant 0 : i32
        %dma_wait3A_33 = tpu.memref_slice %arg13[%multiple_of3A, %dma_wait3A_32] : memref<10240x128xf32, #tpu.memory_space<vmem_shared>> -> memref<640x128xf32, #tpu.memory_space<vmem_shared>>
        tpu.wait_dma2 semaphore(%run_scoped3A : memref<!tpu.dma_semaphore, #tpu.memory_space<semaphore_mem>>) src(%dma_wait3A_33 : memref<640x128xf32, #tpu.memory_space<vmem_shared>>) dst(%dma_wait3A_31 : memref<640x128xf32, #tpu.memory_space<hbm>>)
        tpu.yield
      }) : () -> ()
    } else {
    }
    return
  }
}

module attributes {stable_mosaic.version = 14 : i64} {
  func.func @body(%arg0: i32, %arg1: memref<1000x128xf32, #tpu.memory_space<vmem>>, %arg2: memref<1000x128xf32, #tpu.memory_space<vmem>>, %arg3: memref<1000x128xf32, #tpu.memory_space<vmem>>, %arg4: memref<128x128xf32, #tpu.memory_space<vmem>>, %arg5: memref<1x128xf32, #tpu.memory_space<vmem>>, %arg6: memref<1000x128xf32, #tpu.memory_space<vmem>>) attributes {dimension_semantics = [#tpu.dimension_semantics<arbitrary>], iteration_bounds = array<i64: 10>, scalar_prefetch = 0 : i64, scratch_operands = 0 : i64, tpu.core_type = #tpu.core_type<tc>, window_params = [{transform_indices = @transform_0, window_bounds = array<i64: 1000, 128>}, {transform_indices = @transform_1, window_bounds = array<i64: 1000, 128>}, {transform_indices = @transform_2, window_bounds = array<i64: 1000, 128>}, {pipeline_mode = #tpu.pipeline_mode<synchronous>, transform_indices = @transform_3, window_bounds = array<i64: 128, 128>}, {pipeline_mode = #tpu.pipeline_mode<synchronous>, transform_indices = @transform_4, window_bounds = array<i64: 1, 128>}, {transform_indices = @transform_5, window_bounds = array<i64: 1000, 128>}]} {
    %get3A = arith.constant 0 : index
    %get3A_0 = arith.constant 0 : index
    %get3A_1 = vector.load %arg1[%get3A, %get3A_0] : memref<1000x128xf32, #tpu.memory_space<vmem>>, vector<1000x128xf32>
    %get3A_2 = arith.constant 0 : index
    %get3A_3 = arith.constant 0 : index
    %get3A_4 = vector.load %arg2[%get3A_2, %get3A_3] : memref<1000x128xf32, #tpu.memory_space<vmem>>, vector<1000x128xf32>
    %add3A = arith.addf %get3A_1, %get3A_4 : vector<1000x128xf32>
    %get3A_5 = arith.constant 0 : index
    %get3A_6 = arith.constant 0 : index
    %get3A_7 = vector.load %arg3[%get3A_5, %get3A_6] : memref<1000x128xf32, #tpu.memory_space<vmem>>, vector<1000x128xf32>
    %add3A_8 = arith.addf %add3A, %get3A_7 : vector<1000x128xf32>
    %get3A_9 = arith.constant 0 : index
    %get3A_10 = arith.constant 0 : index
    %get3A_11 = vector.load %arg4[%get3A_9, %get3A_10] : memref<128x128xf32, #tpu.memory_space<vmem>>, vector<128x128xf32>
    %dot_general3A = arith.constant dense<0.000000e+00> : vector<1000x128xf32>
    %dot_general3A_12 = tpu.matmul %add3A_8, %get3A_11, %dot_general3A {dimension_numbers = #tpu.dot_dimension_numbers<[1], [0], [0], [1], [0, 0, 1, 1], [], []>, transpose_lhs_hint = false} : vector<1000x128xf32>, vector<128x128xf32>, vector<1000x128xf32> -> vector<1000x128xf32>
    %get3A_13 = arith.constant 0 : index
    %get3A_14 = arith.constant 0 : index
    %get3A_15 = vector.load %arg5[%get3A_13, %get3A_14] : memref<1x128xf32, #tpu.memory_space<vmem>>, vector<1x128xf32>
    %add3A_16 = vector.broadcast %get3A_15 : vector<1x128xf32> to vector<1000x128xf32>
    %add3A_17 = arith.addf %dot_general3A_12, %add3A_16 : vector<1000x128xf32>
    %max3A = arith.constant 0.000000e+00 : f32
    %max3A_18 = vector.broadcast %max3A : f32 to vector<1000x128xf32>
    %max3A_19 = arith.maximumf %add3A_17, %max3A_18 : vector<1000x128xf32>
    %swap3A = arith.constant 0 : index
    %swap3A_20 = arith.constant 0 : index
    %swap3A_21 = vector.load %arg6[%swap3A, %swap3A_20] : memref<1000x128xf32, #tpu.memory_space<vmem>>, vector<1000x128xf32>
    tpu.vector_store %arg6[%swap3A, %swap3A_20], %max3A_19 {strides = array<i32>} : memref<1000x128xf32, #tpu.memory_space<vmem>>, vector<1000x128xf32>,
    return
  }
  func.func @transform_0(%arg0: i32) -> (i32, i32) {
    %c0_i32 = arith.constant 0 : i32
    %c0_i32_0 = arith.constant 0 : i32
    return %arg0, %c0_i32 : i32, i32
  }
  func.func @transform_1(%arg0: i32) -> (i32, i32) {
    %c0_i32 = arith.constant 0 : i32
    %c0_i32_0 = arith.constant 0 : i32
    return %arg0, %c0_i32 : i32, i32
  }
  func.func @transform_2(%arg0: i32) -> (i32, i32) {
    %c0_i32 = arith.constant 0 : i32
    %c0_i32_0 = arith.constant 0 : i32
    return %arg0, %c0_i32 : i32, i32
  }
  func.func @transform_3(%arg0: i32) -> (i32, i32) {
    %c0_i32 = arith.constant 0 : i32
    %c0_i32_0 = arith.constant 0 : i32
    %c0_i32_1 = arith.constant 0 : i32
    return %c0_i32, %c0_i32_0 : i32, i32
  }
  func.func @transform_4(%arg0: i32) -> (i32, i32) {
    %c0_i32 = arith.constant 0 : i32
    %c0_i32_0 = arith.constant 0 : i32
    %c0_i32_1 = arith.constant 0 : i32
    return %c0_i32, %c0_i32_0 : i32, i32
  }
  func.func @transform_5(%arg0: i32) -> (i32, i32) {
    %c0_i32 = arith.constant 0 : i32
    %c0_i32_0 = arith.constant 0 : i32
    return %arg0, %c0_i32 : i32, i32
  }
}

module attributes {stable_mosaic.version = 14 : i64} {
  func.func @body(%arg0: i32, %arg1: memref<1000x128xf32, #tpu.memory_space<vmem>>, %arg2: memref<1000x128xf32, #tpu.memory_space<vmem>>, %arg3: memref<1000x128xf32, #tpu.memory_space<vmem>>, %arg4: memref<128x128xf32, #tpu.memory_space<vmem>>, %arg5: memref<1x128xf32, #tpu.memory_space<vmem>>, %arg6: memref<1000x128xf32, #tpu.memory_space<vmem>>) attributes {dimension_semantics = [#tpu.dimension_semantics<arbitrary>], iteration_bounds = array<i64: 10>, scalar_prefetch = 0 : i64, scratch_operands = 0 : i64, tpu.core_type = #tpu.core_type<tc>, window_params = [{transform_indices = @transform_0, window_bounds = array<i64: 1000, 128>}, {transform_indices = @transform_1, window_bounds = array<i64: 1000, 128>}, {transform_indices = @transform_2, window_bounds = array<i64: 1000, 128>}, {pipeline_mode = #tpu.pipeline_mode<synchronous>, transform_indices = @transform_3, window_bounds = array<i64: 128, 128>}, {pipeline_mode = #tpu.pipeline_mode<synchronous>, transform_indices = @transform_4, window_bounds = array<i64: 1, 128>}, {transform_indices = @transform_5, window_bounds = array<i64: 1000, 128>}]} {
    %get3A = arith.constant 0 : index
    %get3A_0 = arith.constant 0 : index
    %get3A_1 = vector.load %arg1[%get3A, %get3A_0] : memref<1000x128xf32, #tpu.memory_space<vmem>>, vector<1000x128xf32>
    %get3A_2 = arith.constant 0 : index
    %get3A_3 = arith.constant 0 : index
    %get3A_4 = vector.load %arg2[%get3A_2, %get3A_3] : memref<1000x128xf32, #tpu.memory_space<vmem>>, vector<1000x128xf32>
    %add3A = arith.addf %get3A_1, %get3A_4 : vector<1000x128xf32>
    %get3A_5 = arith.constant 0 : index
    %get3A_6 = arith.constant 0 : index
    %get3A_7 = vector.load %arg3[%get3A_5, %get3A_6] : memref<1000x128xf32, #tpu.memory_space<vmem>>, vector<1000x128xf32>
    %add3A_8 = arith.addf %add3A, %get3A_7 : vector<1000x128xf32>
    %get3A_9 = arith.constant 0 : index
    %get3A_10 = arith.constant 0 : index
    %get3A_11 = vector.load %arg4[%get3A_9, %get3A_10] : memref<128x128xf32, #tpu.memory_space<vmem>>, vector<128x128xf32>
    %dot_general3A = arith.constant dense<0.000000e+00> : vector<1000x128xf32>
    %dot_general3A_12 = tpu.matmul %add3A_8, %get3A_11, %dot_general3A {dimension_numbers = #tpu.dot_dimension_numbers<[1], [0], [0], [1], [0, 0, 1, 1], [], []>, transpose_lhs_hint = false} : vector<1000x128xf32>, vector<128x128xf32>, vector<1000x128xf32> -> vector<1000x128xf32>
    %get3A_13 = arith.constant 0 : index
    %get3A_14 = arith.constant 0 : index
    %get3A_15 = vector.load %arg5[%get3A_13, %get3A_14] : memref<1x128xf32, #tpu.memory_space<vmem>>, vector<1x128xf32>
    %add3A_16 = vector.broadcast %get3A_15 : vector<1x128xf32> to vector<1000x128xf32>
    %add3A_17 = arith.addf %dot_general3A_12, %add3A_16 : vector<1000x128xf32>
    %swap3A = arith.constant 0 : index
    %swap3A_18 = arith.constant 0 : index
    %swap3A_19 = vector.load %arg6[%swap3A, %swap3A_18] : memref<1000x128xf32, #tpu.memory_space<vmem>>, vector<1000x128xf32>
    tpu.vector_store %arg6[%swap3A, %swap3A_18], %add3A_17 {strides = array<i32>} : memref<1000x128xf32, #tpu.memory_space<vmem>>, vector<1000x128xf32>,
    return
  }
  func.func @transform_0(%arg0: i32) -> (i32, i32) {
    %c0_i32 = arith.constant 0 : i32
    %c0_i32_0 = arith.constant 0 : i32
    return %arg0, %c0_i32 : i32, i32
  }
  func.func @transform_1(%arg0: i32) -> (i32, i32) {
    %c0_i32 = arith.constant 0 : i32
    %c0_i32_0 = arith.constant 0 : i32
    return %arg0, %c0_i32 : i32, i32
  }
  func.func @transform_2(%arg0: i32) -> (i32, i32) {
    %c0_i32 = arith.constant 0 : i32
    %c0_i32_0 = arith.constant 0 : i32
    return %arg0, %c0_i32 : i32, i32
  }
  func.func @transform_3(%arg0: i32) -> (i32, i32) {
    %c0_i32 = arith.constant 0 : i32
    %c0_i32_0 = arith.constant 0 : i32
    %c0_i32_1 = arith.constant 0 : i32
    return %c0_i32, %c0_i32_0 : i32, i32
  }
  func.func @transform_4(%arg0: i32) -> (i32, i32) {
    %c0_i32 = arith.constant 0 : i32
    %c0_i32_0 = arith.constant 0 : i32
    %c0_i32_1 = arith.constant 0 : i32
    return %c0_i32, %c0_i32_0 : i32, i32
  }
  func.func @transform_5(%arg0: i32) -> (i32, i32) {
    %c0_i32 = arith.constant 0 : i32
    %c0_i32_0 = arith.constant 0 : i32
    return %arg0, %c0_i32 : i32, i32
  }
}

</mosaic_0001>

<sc_bundles>
// kernel: kernel.6.cloned.1.call-start
scs
__scs_entry_jumppad:
0x0: {  	(pc) =	sbr.rel $0x88, $3  }
0x1: {  	(tag) =	ssettag $0x0;
	lr =	simm.s32 $0x1  }
0x2: {  	[smem:$0x3F9B] =	sst lr;
	_ =	strace $0xD0000000  }
0x3: {  	_ = 	snop  }
0x4: {  	_ = 	snop  }
0x5: {  	_ = 	snop  }
0x6: {  	_ = 	snop  }
0x7: {  	_ = 	snop  }
__scs_overlays_trampoline_lowered:
0x8: {  	[smem:$0x3FAA] =	sst s0  }
0x9: {  	[smem:$0x3FAB] =	sst s1  }
0xa: {  	[smem:$0x3FAC] =	sst s2  }
0xb: {  	[smem:$0x3FAD] =	sst s3  }
0xc: {  	[smem:$0x3FAE] =	sst s4  }
0xd: {  	[smem:$0x3FAF] =	sst s5  }
0xe: {  	[smem:$0x3FB0] =	sst s6  }
0xf: {  	[smem:$0x3FB1] =	sst s7  }
0x10: {  	[smem:$0x3FB2] =	sst s8  }
0x11: {  	[smem:$0x3FB3] =	sst s9;
	s0 =	simm.s32 @!p0 $0x0  }
0x12: {  	s1 =	sld [smem:$0x3F99];
	s0 =	simm.s32 @p0 $0x1  }
0x13: {  	[smem:$0x3FB4] =	sst s0;
	s0 =	simm.s32 @!p1 $0x0  }
0x14: {  	s2 =	sld [smem:$0x3F98];
	s0 =	simm.s32 @p1 $0x1  }
0x15: {  	[smem:$0x3FB5] =	sst s0;
	s0 =	simm.s32 @!p2 $0x0  }
0x16: {  	s3 =	sld [smem:$0x3FDB];
	s0 =	simm.s32 @p2 $0x1  }
0x17: {  	s4 =	simm.s32 $0x1BF5;
	[smem:$0x3FB7] =	sst s0  }
0x18: {  	s0 =	sld [smem:$0x3F9A];
	_ =	swait.ge [sflag:s4], $0x0  }
0x19: {  	s7 =	sld [smem:$0x3F9B]  }
0x1a: {  	s8 =	sadd.s32 $0xFFFFE003, lr  }
0x1b: {  	s9 =	sadd.s32 $0xFFFFFEF7, lr;
	s5 =	simm.s32 $0xFFFFFFFF;
	p2 =	slt.u32 s8, $0xFFFFF086  }
0x1c: {  	p1 =	slt.u32 s9, $0xF7A;
	s5 =	simm.s32 @!p2 $0x0  }
0x1d: {  	s5 =	simm.s32 @p1 $0x1;
	p0 =	seq.s32 s7, s2  }
0x1e: {  	s7 =	smul.u32 @!p0 $0xF7A, s2;
	p2 =	seq.s32 @!p0 s5, $0x0  }
0x1f: {  	s9 =	smul.u32 $0xF7A, s1;
	s8 =	simm.s32 @!p0 $0x1BF5;
	p2 =	por !p2, p0  }
0x20: {  	[sflag:s8] =	ssyncset.s32 @!p0 $0xFFFFF086;
	s6 =	sadd.s32 @!p0 s3, s7;
	s7 =	simm.s32 @!p0 $0x108  }
0x21: {  	s3 =	sadd.s32 s3, s9;
	s6 =	sadd.s32 @!p0 $0x88, s6;
	s7 =	simm.s32 @p2 $0x1082  }
0x22: {  	[simem:s7], [sflag:s8] =	dma.local @!p0 [hbm:s6], $0xF7A  }
0x23: {  	s9 =	sor.u32 $0xD0000000, s2;
	s6 =	simm.s32 $0x108;
	_ =	swait.ge @!p0 [sflag:s8], $0x0  }
0x24: {  	s3 =	sadd.s32 $0x88, s3;
	s6 =	simm.s32 @!p1 $0x1082;
	[sflag:s4] =	ssyncset.s32 $0xFFFFF086  }
0x25: {  	[simem:s6], [sflag:s4] =	dma.local [hbm:s3], $0xF7A  }
0x26: {  	[smem:$0x3F9B] =	sst s1;
	(tag) =	ssettag s2;
	_ =	strace s9  }
0x27: {  	s1 =	sld [smem:$0x3FAB]  }
0x28: {  	s2 =	sld [smem:$0x3FAC]  }
0x29: {  	s4 =	sld [smem:$0x3FAE]  }
0x2a: {  	p0 =	seq.s32 s5, $0x0;
	s5 =	sld [smem:$0x3FAF]  }
0x2b: {  	s6 =	sld [smem:$0x3FB0]  }
0x2c: {  	s7 =	sld [smem:$0x3FB1]  }
0x2d: {  	s3 =	simm.s32 $0x108;
	s8 =	sld [smem:$0x3FB2]  }
0x2e: {  	s3 =	simm.s32 @!p0 $0x1082;
	s9 =	sld [smem:$0x3FB3]  }
0x2f: {  	lr =	sadd.s32 s0, s3;
	s0 =	sld [smem:$0x3FAA]  }
0x30: {  	s3 =	sld [smem:$0x3FAD]  }
0x31: {  	[smem:$0x3FB6] =	sst s10  }
0x32: {  	s10 =	sld [smem:$0x3FB4];
	_ =	sdelay $0x3  }
0x33: {  	p0 =	seq.s32 s10, $0x1;
	s10 =	sld [smem:$0x3FB6];
	_ =	sdelay $0x3  }
0x34: {  	[smem:$0x3FB6] =	sst s10  }
0x35: {  	s10 =	sld [smem:$0x3FB5];
	_ =	sdelay $0x3  }
0x36: {  	p1 =	seq.s32 s10, $0x1;
	s10 =	sld [smem:$0x3FB6];
	_ =	sdelay $0x3  }
0x37: {  	[smem:$0x3FB6] =	sst s10  }
0x38: {  	s10 =	sld [smem:$0x3FB7]  }
0x39: {  	_ = 	snop;
	(pc) =	sbr.ind lr, $3  }
0x3a: {  	_ = 	snop  }
0x3b: {  	_ = 	snop  }
0x3c: {  	p2 =	seq.s32 s10, $0x1;
	s10 =	sld [smem:$0x3FB6]  }
0x3d: {  	_ =	shalt  }
0x3e: {  	_ =	shalt  }
0x3f: {  	_ =	shalt  }
0x40: {  	_ =	shalt  }
0x41: {  	_ =	shalt  }
0x42: {  	_ =	shalt  }
0x43: {  	_ =	shalt  }
0x44: {  	_ =	shalt  }
0x45: {  	_ =	shalt  }
0x46: {  	_ =	shalt  }
0x47: {  	_ =	shalt  }
0x48: {  	_ =	shalt  }
0x49: {  	_ =	shalt  }
0x4a: {  	_ =	shalt  }
0x4b: {  	_ =	shalt  }
0x4c: {  	_ =	shalt  }
0x4d: {  	_ =	shalt  }
0x4e: {  	_ =	shalt  }
0x4f: {  	_ =	shalt  }
0x50: {  	_ =	shalt  }
0x51: {  	_ =	shalt  }
0x52: {  	_ =	shalt  }
0x53: {  	_ =	shalt  }
0x54: {  	_ =	shalt  }
0x55: {  	_ =	shalt  }
0x56: {  	_ =	shalt  }
0x57: {  	_ =	shalt  }
0x58: {  	_ =	shalt  }
0x59: {  	_ =	shalt  }
0x5a: {  	_ =	shalt  }
0x5b: {  	_ =	shalt  }
0x5c: {  	_ =	shalt  }
0x5d: {  	_ =	shalt  }
0x5e: {  	_ =	shalt  }
0x5f: {  	_ =	shalt  }
0x60: {  	_ =	shalt  }
0x61: {  	_ =	shalt  }
0x62: {  	_ =	shalt  }
0x63: {  	_ =	shalt  }
0x64: {  	_ =	shalt  }
0x65: {  	_ =	shalt  }
0x66: {  	_ =	shalt  }
0x67: {  	_ =	shalt  }
0x68: {  	_ =	shalt  }
0x69: {  	_ =	shalt  }
0x6a: {  	_ =	shalt  }
0x6b: {  	_ =	shalt  }
0x6c: {  	_ =	shalt  }
0x6d: {  	_ =	shalt  }
0x6e: {  	_ =	shalt  }
0x6f: {  	_ =	shalt  }
0x70: {  	_ =	shalt  }
0x71: {  	_ =	shalt  }
0x72: {  	_ =	shalt  }
0x73: {  	_ =	shalt  }
0x74: {  	_ =	shalt  }
0x75: {  	_ =	shalt  }
0x76: {  	_ =	shalt  }
0x77: {  	_ =	shalt  }
0x78: {  	_ =	shalt  }
0x79: {  	_ =	shalt  }
0x7a: {  	_ =	shalt  }
0x7b: {  	_ =	shalt  }
0x7c: {  	_ =	shalt  }
0x7d: {  	_ =	shalt  }
0x7e: {  	_ =	shalt  }
0x7f: {  	_ =	shalt  }
0x80: {  	_ =	shalt  }
0x81: {  	_ =	shalt  }
0x82: {  	_ =	shalt  }
0x83: {  	_ =	shalt  }
0x84: {  	_ =	shalt  }
0x85: {  	_ =	shalt  }
0x86: {  	_ =	shalt  }
0x87: {  	_ =	shalt  }
.Lfunc_end0:
.L_simem_size_0:
called_computation_lowered:
.L_overlay_start_0:
0x88: {  	s2 =	sld [smem:$0x3FD9]  }
0x89: {  	s3 =	sld [smem:$0x3FFE];
	_ =	sdelay $0x1  }
0x8a: {  	s1 =	srdreg.scid  }
0x8b: {  	s0 =	sand.u32 $0x1, s1  }
0x8c: {  	s17 =	sshll.u32 s0, $0xA;
	s2 =	sadd.s32 s3, s2  }
0x8d: {  	s2 =	sadd.s32 s2, s17  }
0x8e: {  	[smem:$0x3FC2] =	sst s2  }
0x8f: {  	_ = 	snop  }
0x90: {  	s2 =	sld [smem:$0x3FC9];
	(tm) =	ssettm $0x1  }
0x91: {  	s18 =	sld [smem:$0x3FFB];
	_ =	sdelay $0x3  }
0x92: {  	_ =	strace s18  }
0x93: {  	s3 =	sld [smem:$0x3FFC];
	_ =	sdelay $0x3  }
0x94: {  	_ =	strace s3  }
0x95: {  	s3 =	sld [smem:$0x3FFD];
	_ =	sdelay $0x3  }
0x96: {  	_ =	strace s3  }
0x97: {  	_ =	strace $0x8FFFFFFF  }
0x98: {  	s19 =	sld [smem:$0x3FDB];
	_ =	sdelay $0x1  }
0x99: {  	s4 =	simm.s32 $_scs_section_size  }
0x9a: {  	s5 =	simm.s32 $_size__tile_overlayer_lowered;
	s6 =	simm.s32 $_tile_overlayer_lowered  }
0x9b: {  	s22 =	simm.s32 $0x1BFF;
	s21 =	sshll.u32 s6, $0x1;
	s3 =	sadd.s32 s4, s19  }
0x9c: {  	s7 =	simm.s32 $0x0;
	s20 =	sshll.u32 s5, $0x1;
	s5 =	sadd.s32 s21, s3  }
0x9d: {  	[timem:s7], [sflag:s22] =	dma.local [hbm:s5], s20  }
0x9e: {  	_ =	swait.ge [sflag:s22], s20  }
0x9f: {  	s4 =	ssub.s32 $0x0, s20;
	[sflag:s22] =	ssyncset.done $0x0  }
0xa0: {  	[sflag:s22] =	ssyncadd.s32 s4;
	_ =	sdelay $0x1  }
0xa1: {  	s23 =	simm.s32 $0x1B8B  }
0xa2: {  	_ =	swait.ge [sflag:s23], $0x1  }
0xa3: {  	[sflag:s23] =	ssyncset.done $0x0  }
0xa4: {  	s25 =	simm.s32 $0x1B8E;
	s24 =	sld [smem:$0x3FFE];
	[sflag:s23] =	ssyncadd.s32 $0xFFFFFFFF  }
0xa5: {  	s26 =	simm.s32 $execute0_lowered;
	[smem:$0x3FD2] =	sst s25  }
0xa6: {  	s5 =	sshll.u32 s26, $0x1;
	_ =	strace $0x80000046;
	[dreg:$0x1] =	wrdreg $0xFFFFFFFF  }
0xa7: {  	s28 =	simm.s32 $_size_execute0_lowered;
	s3 =	sadd.s32 s3, s5;
	[dreg:$0x0] =	wrdreg $0x0  }
0xa8: {  	s5 =	sshll.u32 s28, $0x1;
	[dreg:$0x2] =	wrdreg s3  }
0xa9: {  	[dreg:$0x3] =	wrdreg s5  }
0xaa: {  	[dreg:$0x4] =	wrdreg $0xC0  }
0xab: {  	_ =	task [dreg:s7], $0x5FFFF  }
0xac: {  	[dreg:$0x1] =	wrdreg $0xFFFFFFFF  }
0xad: {  	[dreg:$0x0] =	wrdreg $0x60  }
0xae: {  	[dreg:$0x2] =	wrdreg s2  }
0xaf: {  	[dreg:$0x3] =	wrdreg s24  }
0xb0: {  	[dreg:$0x4] =	wrdreg $0x88000  }
0xb1: {  	[dreg:$0x5] =	wrdreg $0x9  }
0xb2: {  	_ =	task.clear_ibuf [dreg:s7], $0x6FFFF;
	_ =	strace $0x90000046  }
0xb3: {  	s29 =	simm.s32 $0x9;
	_ =	strace $0x80000048  }
0xb4: {  	_ =	swait.ge [sflag:s29], $0x1  }
0xb5: {  	[sflag:s29] =	ssyncadd.s32 $0xFFFFFFFF  }
0xb6: {  	_ =	strace $0x90000048  }
0xb7: {  	_ =	sfence  }
0xb8: {  	s30 =	sld [smem:$0x0];
	_ =	sdelay $0x2  }
0xb9: {  	s31 =	sshll.u32 s1, $0xD;
	s1 =	sshrl.u32 s1, $0x2  }
0xba: {  	s3 =	sand.u32 $0x4000, s31;
	s1 =	sadd.s32 s1, s30  }
0xbb: {  	s0 =	sor.u32 s3, s0;
	s1 =	sshll.u32 s1, $0x11  }
0xbc: {  	s0 =	sor.u32 s1, s0  }
0xbd: {  	s0 =	sadd.s32 $0x8F2B, s0  }
0xbe: {  	[sflag:s0] =	ssyncadd.remote.s32 $0x1  }
0xbf: {  	_ =	sfence.sel $0xFFFF  }
0xc0: {  	[dreg:$0x0] =	wrdreg $0xFFFFFFFF;
	(pc) =	sbr.abs _section_cstart, $3  }
0xc1: {  	[dreg:$0x1] =	wrdreg $0xFFFFFFFF  }
0xc2: {  	_ =	task.clear_ibuf [dreg:s7], $0x2FFFF;
	_ =	strace $0x9FFFFFFF  }
0xc3: {  	(tm) =	ssettm $0x7FFFFFFF  }
tec
execute0_lowered:
.L_overlay_start_1:
0x0: {  	(tag) =	ssettag $0x1  }
0x1: {  	s2 =	rddreg [dreg:$0x0]  }
0x2: {  	s0 =	rddreg [dreg:$0x1]  }
0x3: {  	s3 =	rddreg [dreg:$0x2];
	s16 =	stileid.u32;
	s4 =	simm.s32 $0x0  }
0x4: {  	s5 =	srdreg.scid;
	s28 =	simm.s32 $0x180;
	s29 =	simm.s32 $0x500  }
0x5: {  	s30 =	simm.s32 $0x200;
	s31 =	simm.s32 $0x580;
	s10 =	simm.s32 $0x780  }
0x6: {  	s13 =	simm.s32 $0x0;
	s1 =	smul.u32 $0x980, s16;
	[smem:$0x7FF] =	sst s4  }
0x7: {  	s5 =	sand.u32 $0x1, s5;
	s6 =	sshll.u32 s16, $0x7;
	s8 =	smul.u32 $0x50000, s16  }
0x8: {  	s9 =	sadd.s32 $0x16A00, s0;
	s22 =	smul.u32 $0x2800, s16;
	_ =	strace $0x80000047  }
0x9: {  	s7 =	ssub.s32 $0x2, s5;
	s6 =	sadd.s32 s6, s0;
	[dreg:$0x4] =	wrdreg s9  }
0xa: {  	p0 =	sne.s32 s5, $0x0;
	s5 =	simm.s32 $0x600;
	s9 =	simm.s32 $0x680  }
0xb: {  	s1 =	sadd.s32 s1, s0;
	s18 =	sshrl.u32 s7, $0x1;
	s0 =	sadd.s32 $0x3EA00, s0  }
0xc: {  	s20 =	sshrl.u32 s8, $0x2;
	s21 =	sadd.s32 $0x16200, s6;
	[dreg:$0x9] =	wrdreg s22  }
0xd: {  	s6 =	sadd.s32 $0x15A00, s6;
	s22 =	simm.s32 $0x4800;
	[dreg:$0x5] =	wrdreg s0  }
0xe: {  	s8 =	simm.s32 $0x300;
	s19 =	ssub.s32 s7, s18;
	[dreg:$0x7] =	wrdreg s21  }
0xf: {  	s17 =	sadd.s32 s20, s3;
	[dreg:$0x8] =	wrdreg s6;
	s11 =	sadd.s32 $0xC200, s1  }
0x10: {  	s12 =	sadd.s32 $0x2A00, s1;
	s18 =	simm.s32 $0x800;
	s20 =	simm.s32 $0x400  }
0x11: {  	s21 =	simm.s32 $0x80;
	s0 =	smax.u32 s19, $0x1;
	[dreg:$0x6] =	wrdreg s17  }
0x12: {  	s6 =	simm.s32 $0x380;
	s23 =	sadd.s32 $0x4000, s17;
	[dreg:$0xa] =	wrdreg s0  }
.Ltmp0:
0x13: {  	s24 =	sadd.s32 $0x8000, s17;
	[dreg:$0xb] =	wrdreg s23;
	(pc) =	sbr.rel .LBB2_1-.Ltmp0, $4  }
0x14: {  	s1 =	simm.s32 $0x700;
	s25 =	sadd.s32 $0xC000, s17;
	[dreg:$0xc] =	wrdreg s24  }
0x15: {  	s26 =	sadd.s32 $0x10000, s17;
	s19 =	simm.s32 $0x3;
	[dreg:$0xd] =	wrdreg s25  }
0x16: {  	[dreg:$0xe] =	wrdreg s26;
	s23 =	simm.s32 $0x1;
	s24 =	simm.s32 $0x100  }
0x17: {  	v0 =	vimm.f32 $0.0e+00;
	s25 =	simm.s32 $0x2;
	s26 =	simm.s32 $0x480;
	s0 =	simm.s32 $0x280  }
.LBB2_7:
0x18: {  	s7 =	rddreg [dreg:$0x7]  }
0x19: {  	[tilespmem:s4], [sflag:$0x3] =	stream.linear.gather [hbm4b:s7+s4], $0x400, $0x38;
	[tilespmem:$0x1C800] =	vst v63  }
0x1a: {  	_ =	swait.ge [sflag:s19], $0x400  }
0x1b: {  	[sflag:s19] =	ssyncset.done $0x0  }
0x1c: {  	s15 =	rddreg [dreg:$0x8];
	[sflag:s19] =	ssyncadd.s32 $0xFFFFFC00  }
0x1d: {  	[tilespmem:s20], [sflag:$0x3] =	stream.linear.gather [hbm4b:s15+s4], $0x400, $0x38;
	[tilespmem:$0x1C800] =	vst v63  }
0x1e: {  	_ =	swait.ge [sflag:s19], $0x400  }
0x1f: {  	[sflag:s19] =	ssyncset.done $0x0  }
0x20: {  	[sflag:s19] =	ssyncadd.s32 $0xFFFFFC00  }
0x21: {  	[tilespmem:s18], [sflag:$0x1] =	stream.indirect.gather [hbm4b:s2+s21], $0x80, s4, s21, $0xb8;
	[tilespmem:$0x1C800] =	vst v63  }
0x22: {  	_ = 	snop  }
0x23: {  	[tilespmem:s22], [sflag:$0x2] =	stream.indirect.gather [hbm4b:s2+s21], $0x80, s21, s21, $0xb8;
	[tilespmem:$0x1C800] =	vst v63  }
0x24: {  	_ =	swait.ge [sflag:s23], $0x4000  }
0x25: {  	[sflag:s23] =	ssyncset.done $0x0  }
0x26: {  	[sflag:s23] =	ssyncadd.s32 $0xFFFFC000  }
0x27: {  	[spmem:s3] =	stream.indirect.scatter.add.f32 [tilespmem:s18], [sflag:$0x3], $0x80, s20, s21, $0xb8;
	[tilespmem:$0x1C800] =	vst v63  }
0x28: {  	_ =	swait.ge [sflag:s19], $0x4000  }
0x29: {  	[sflag:s19] =	ssyncset.done $0x0  }
0x2a: {  	[sflag:s19] =	ssyncadd.s32 $0xFFFFC000  }
0x2b: {  	[tilespmem:s18], [sflag:$0x1] =	stream.indirect.gather [hbm4b:s2+s21], $0x80, s24, s21, $0xb8;
	[tilespmem:$0x1C800] =	vst v63  }
0x2c: {  	_ =	swait.ge [sflag:s25], $0x4000  }
0x2d: {  	[sflag:s25] =	ssyncset.done $0x0  }
0x2e: {  	[sflag:s25] =	ssyncadd.s32 $0xFFFFC000  }
0x2f: {  	[spmem:s3] =	stream.indirect.scatter.add.f32 [tilespmem:s22], [sflag:$0x3], $0x80, s26, s21, $0xb8;
	[tilespmem:$0x1C800] =	vst v63  }
0x30: {  	_ =	swait.ge [sflag:s19], $0x4000  }
0x31: {  	[sflag:s19] =	ssyncset.done $0x0  }
0x32: {  	[sflag:s19] =	ssyncadd.s32 $0xFFFFC000  }
0x33: {  	[tilespmem:s22], [sflag:$0x2] =	stream.indirect.gather [hbm4b:s2+s21], $0x80, s28, s21, $0xb8;
	[tilespmem:$0x1C800] =	vst v63  }
0x34: {  	_ =	swait.ge [sflag:s23], $0x4000  }
0x35: {  	[sflag:s23] =	ssyncset.done $0x0  }
0x36: {  	[sflag:s23] =	ssyncadd.s32 $0xFFFFC000  }
0x37: {  	[spmem:s3] =	stream.indirect.scatter.add.f32 [tilespmem:s18], [sflag:$0x3], $0x80, s29, s21, $0xb8;
	[tilespmem:$0x1C800] =	vst v63  }
0x38: {  	_ =	swait.ge [sflag:s19], $0x4000  }
0x39: {  	[sflag:s19] =	ssyncset.done $0x0  }
0x3a: {  	[sflag:s19] =	ssyncadd.s32 $0xFFFFC000  }
0x3b: {  	[tilespmem:s18], [sflag:$0x1] =	stream.indirect.gather [hbm4b:s2+s21], $0x80, s30, s21, $0xb8;
	[tilespmem:$0x1C800] =	vst v63  }
0x3c: {  	_ =	swait.ge [sflag:s25], $0x4000  }
0x3d: {  	[sflag:s25] =	ssyncset.done $0x0  }
0x3e: {  	[sflag:s25] =	ssyncadd.s32 $0xFFFFC000  }
0x3f: {  	[spmem:s3] =	stream.indirect.scatter.add.f32 [tilespmem:s22], [sflag:$0x3], $0x80, s31, s21, $0xb8;
	[tilespmem:$0x1C800] =	vst v63  }
0x40: {  	_ =	swait.ge [sflag:s19], $0x4000  }
0x41: {  	[sflag:s19] =	ssyncset.done $0x0  }
0x42: {  	[sflag:s19] =	ssyncadd.s32 $0xFFFFC000  }
0x43: {  	[tilespmem:s22], [sflag:$0x2] =	stream.indirect.gather [hbm4b:s2+s21], $0x80, s0, s21, $0xb8;
	[tilespmem:$0x1C800] =	vst v63  }
0x44: {  	_ =	swait.ge [sflag:s23], $0x4000  }
0x45: {  	[sflag:s23] =	ssyncset.done $0x0  }
0x46: {  	[sflag:s23] =	ssyncadd.s32 $0xFFFFC000  }
0x47: {  	[spmem:s3] =	stream.indirect.scatter.add.f32 [tilespmem:s18], [sflag:$0x3], $0x80, s5, s21, $0xb8;
	[tilespmem:$0x1C800] =	vst v63  }
0x48: {  	_ =	swait.ge [sflag:s19], $0x4000  }
0x49: {  	[sflag:s19] =	ssyncset.done $0x0  }
0x4a: {  	[sflag:s19] =	ssyncadd.s32 $0xFFFFC000  }
0x4b: {  	[tilespmem:s18], [sflag:$0x1] =	stream.indirect.gather [hbm4b:s2+s21], $0x80, s8, s21, $0xb8;
	[tilespmem:$0x1C800] =	vst v63  }
0x4c: {  	_ =	swait.ge [sflag:s25], $0x4000  }
0x4d: {  	[sflag:s25] =	ssyncset.done $0x0  }
0x4e: {  	[sflag:s25] =	ssyncadd.s32 $0xFFFFC000  }
0x4f: {  	[spmem:s3] =	stream.indirect.scatter.add.f32 [tilespmem:s22], [sflag:$0x3], $0x80, s9, s21, $0xb8;
	[tilespmem:$0x1C800] =	vst v63  }
0x50: {  	_ =	swait.ge [sflag:s19], $0x4000  }
0x51: {  	[sflag:s19] =	ssyncset.done $0x0  }
0x52: {  	[sflag:s19] =	ssyncadd.s32 $0xFFFFC000  }
0x53: {  	[tilespmem:s22], [sflag:$0x2] =	stream.indirect.gather [hbm4b:s2+s21], $0x80, s6, s21, $0xb8;
	[tilespmem:$0x1C800] =	vst v63  }
0x54: {  	_ =	swait.ge [sflag:s23], $0x4000  }
0x55: {  	[sflag:s23] =	ssyncset.done $0x0  }
0x56: {  	[sflag:s23] =	ssyncadd.s32 $0xFFFFC000  }
0x57: {  	[spmem:s3] =	stream.indirect.scatter.add.f32 [tilespmem:s18], [sflag:$0x3], $0x80, s1, s21, $0xb8;
	[tilespmem:$0x1C800] =	vst v63  }
0x58: {  	_ =	swait.ge [sflag:s19], $0x4000  }
0x59: {  	[sflag:s19] =	ssyncset.done $0x0  }
0x5a: {  	[sflag:s19] =	ssyncadd.s32 $0xFFFFC000  }
0x5b: {  	_ =	swait.ge [sflag:s25], $0x4000  }
0x5c: {  	[sflag:s25] =	ssyncset.done $0x0  }
0x5d: {  	[sflag:s25] =	ssyncadd.s32 $0xFFFFC000  }
0x5e: {  	[spmem:s3] =	stream.indirect.scatter.add.f32 [tilespmem:s22], [sflag:$0x3], $0x80, s10, s21, $0xb8;
	[tilespmem:$0x1C800] =	vst v63  }
0x5f: {  	_ =	swait.ge [sflag:s19], $0x4000  }
0x60: {  	[sflag:s19] =	ssyncset.done $0x0  }
0x61: {  	s14 =	rddreg [dreg:$0x5];
	[sflag:s19] =	ssyncadd.s32 $0xFFFFC000  }
.LBB2_8:
0x62: {  	s7 =	rddreg [dreg:$0x9];
	s15 =	sshll.u32 s16, $0x6;
	[bflag:$0x0] =	sbarrier.arrive $0xFFFF  }
0x63: {  	s7 =	sadd.s32 s14, s7;
	s14 =	sor.u32 $0x1C03, s15;
	s15 =	sshrl.u32 s17, $0x3  }
0x64: {  	[hbm:s7], [sflag:s14] =	dma.local [spmem:s15], $0x2800  }
0x65: {  	_ =	swait.ge [sflag:s19], $0x2800  }
0x66: {  	s13 =	sadd.s32 $0x1, s13;
	s15 =	rddreg [dreg:$0xa]  }
0x67: {  	p1 =	sne.s32 s13, s15  }
.Ltmp1:
0x68: {  	_ = 	snop;
	(pc) =	sbr.rel @!p1 .LBB2_9-.Ltmp1, $3  }
0x69: {  	_ =	sdelay $0x1  }
0x6a: {  	[sflag:s19] =	ssyncset.done $0x0  }
0x6b: {  	[sflag:s19] =	ssyncadd.s32 $0xFFFFD800  }
.LBB2_1:
0x6c: {  	s14 =	simm.s32 $0x0;
	s15 =	simm.s32 $0x200  }
.LBB2_2:
0x6d: {  	p1 =	sne.s32 s15, $0xFE00;
	[tilespmem:s14+$0x870] =	vst v0  }
0x6e: {  	[tilespmem:s14+$0x800] =	vst v0  }
0x6f: {  	[tilespmem:s14+$0x810] =	vst v0  }
.Ltmp2:
0x70: {  	[tilespmem:s14+$0x820] =	vst v0;
	(pc) =	sbr.rel @p1 .LBB2_2-.Ltmp2, $4  }
0x71: {  	[tilespmem:s14+$0x830] =	vst v0  }
0x72: {  	[tilespmem:s14+$0x840] =	vst v0  }
0x73: {  	[tilespmem:s14+$0x850] =	vst v0  }
0x74: {  	[tilespmem:s14+$0x860] =	vst v0;
	s14 =	sshra.s32 s15, $0x2;
	s15 =	sadd.s32 $0x200, s15  }
0x75: {  	[tilespmem:s14+$0x870] =	vst v0  }
0x76: {  	[tilespmem:s14+$0x800] =	vst v0  }
0x77: {  	[tilespmem:s14+$0x810] =	vst v0  }
0x78: {  	[tilespmem:s14+$0x820] =	vst v0  }
0x79: {  	[tilespmem:s14+$0x830] =	vst v0  }
0x7a: {  	[tilespmem:s14+$0x840] =	vst v0  }
0x7b: {  	[tilespmem:s14+$0x850] =	vst v0  }
0x7c: {  	[tilespmem:s14+$0x860] =	vst v0  }
0x7d: {  	[spmem:s17] =	stream.linear.scatter [tilespmem:s18], [sflag:$0x3], $0x4000, $0x38;
	[tilespmem:$0x1C800] =	vst v63  }
0x7e: {  	_ =	swait.ge [sflag:s19], $0x4000  }
0x7f: {  	[sflag:s19] =	ssyncset.done $0x0  }
0x80: {  	s7 =	rddreg [dreg:$0xb];
	[sflag:s19] =	ssyncadd.s32 $0xFFFFC000  }
0x81: {  	[spmem:s7] =	stream.linear.scatter [tilespmem:s18], [sflag:$0x3], $0x4000, $0x38;
	[tilespmem:$0x1C800] =	vst v63  }
0x82: {  	_ =	swait.ge [sflag:s19], $0x4000  }
0x83: {  	[sflag:s19] =	ssyncset.done $0x0  }
0x84: {  	s15 =	rddreg [dreg:$0xc];
	[sflag:s19] =	ssyncadd.s32 $0xFFFFC000  }
0x85: {  	[spmem:s15] =	stream.linear.scatter [tilespmem:s18], [sflag:$0x3], $0x4000, $0x38;
	[tilespmem:$0x1C800] =	vst v63  }
0x86: {  	_ =	swait.ge [sflag:s19], $0x4000  }
0x87: {  	[sflag:s19] =	ssyncset.done $0x0  }
0x88: {  	s14 =	rddreg [dreg:$0xd];
	[sflag:s19] =	ssyncadd.s32 $0xFFFFC000  }
0x89: {  	[spmem:s14] =	stream.linear.scatter [tilespmem:s18], [sflag:$0x3], $0x4000, $0x38;
	[tilespmem:$0x1C800] =	vst v63  }
0x8a: {  	_ =	swait.ge [sflag:s19], $0x4000  }
0x8b: {  	[sflag:s19] =	ssyncset.done $0x0  }
0x8c: {  	s15 =	rddreg [dreg:$0xe];
	[sflag:s19] =	ssyncadd.s32 $0xFFFFC000  }
0x8d: {  	[spmem:s15] =	stream.linear.scatter [tilespmem:s18], [sflag:$0x3], $0x4000, $0x38;
	[tilespmem:$0x1C800] =	vst v63  }
.Ltmp3:
0x8e: {  	_ =	swait.ge [sflag:s19], $0x4000;
	(pc) =	sbr.rel @p0 .LBB2_7-.Ltmp3, $3  }
0x8f: {  	[sflag:s19] =	ssyncset.done $0x0  }
0x90: {  	[sflag:s19] =	ssyncadd.s32 $0xFFFFC000  }
0x91: {  	[bflag:$0x0] =	sbarrier.arrive $0xFFFF;
	_ =	sdelay $0x1  }
0x92: {  	s14 =	sadd.s32 $0x0, s11  }
0x93: {  	[tilespmem:s4], [sflag:$0x3] =	stream.linear.gather [hbm4b:s14+s4], $0x400, $0x38;
	[tilespmem:$0x1C800] =	vst v63  }
0x94: {  	_ =	swait.ge [sflag:s19], $0x400  }
0x95: {  	[sflag:s19] =	ssyncset.done $0x0  }
0x96: {  	s17 =	sadd.s32 $0x0, s12;
	[sflag:s19] =	ssyncadd.s32 $0xFFFFFC00  }
0x97: {  	[tilespmem:s20], [sflag:$0x3] =	stream.linear.gather [hbm4b:s17+s4], $0x400, $0x38;
	[tilespmem:$0x1C800] =	vst v63  }
0x98: {  	_ =	swait.ge [sflag:s19], $0x400  }
0x99: {  	[sflag:s19] =	ssyncset.done $0x0  }
0x9a: {  	[sflag:s19] =	ssyncadd.s32 $0xFFFFFC00  }
0x9b: {  	[tilespmem:s18], [sflag:$0x1] =	stream.indirect.gather [hbm4b:s2+s21], $0x80, s4, s21, $0xb8;
	[tilespmem:$0x1C800] =	vst v63  }
0x9c: {  	_ = 	snop  }
0x9d: {  	[tilespmem:s22], [sflag:$0x2] =	stream.indirect.gather [hbm4b:s2+s21], $0x80, s21, s21, $0xb8;
	[tilespmem:$0x1C800] =	vst v63  }
0x9e: {  	_ =	swait.ge [sflag:s23], $0x4000  }
0x9f: {  	[sflag:s23] =	ssyncset.done $0x0  }
0xa0: {  	[sflag:s23] =	ssyncadd.s32 $0xFFFFC000  }
0xa1: {  	[spmem:s3] =	stream.indirect.scatter.add.f32 [tilespmem:s18], [sflag:$0x3], $0x80, s20, s21, $0xb8;
	[tilespmem:$0x1C800] =	vst v63  }
0xa2: {  	_ =	swait.ge [sflag:s19], $0x4000  }
0xa3: {  	[sflag:s19] =	ssyncset.done $0x0  }
0xa4: {  	[sflag:s19] =	ssyncadd.s32 $0xFFFFC000  }
0xa5: {  	[tilespmem:s18], [sflag:$0x1] =	stream.indirect.gather [hbm4b:s2+s21], $0x80, s24, s21, $0xb8;
	[tilespmem:$0x1C800] =	vst v63  }
0xa6: {  	_ =	swait.ge [sflag:s25], $0x4000  }
0xa7: {  	[sflag:s25] =	ssyncset.done $0x0  }
0xa8: {  	[sflag:s25] =	ssyncadd.s32 $0xFFFFC000  }
0xa9: {  	[spmem:s3] =	stream.indirect.scatter.add.f32 [tilespmem:s22], [sflag:$0x3], $0x80, s26, s21, $0xb8;
	[tilespmem:$0x1C800] =	vst v63  }
0xaa: {  	_ =	swait.ge [sflag:s19], $0x4000  }
0xab: {  	[sflag:s19] =	ssyncset.done $0x0  }
0xac: {  	[sflag:s19] =	ssyncadd.s32 $0xFFFFC000  }
0xad: {  	[tilespmem:s22], [sflag:$0x2] =	stream.indirect.gather [hbm4b:s2+s21], $0x80, s28, s21, $0xb8;
	[tilespmem:$0x1C800] =	vst v63  }
0xae: {  	_ =	swait.ge [sflag:s23], $0x4000  }
0xaf: {  	[sflag:s23] =	ssyncset.done $0x0  }
0xb0: {  	[sflag:s23] =	ssyncadd.s32 $0xFFFFC000  }
0xb1: {  	[spmem:s3] =	stream.indirect.scatter.add.f32 [tilespmem:s18], [sflag:$0x3], $0x80, s29, s21, $0xb8;
	[tilespmem:$0x1C800] =	vst v63  }
0xb2: {  	_ =	swait.ge [sflag:s19], $0x4000  }
0xb3: {  	[sflag:s19] =	ssyncset.done $0x0  }
0xb4: {  	[sflag:s19] =	ssyncadd.s32 $0xFFFFC000  }
0xb5: {  	[tilespmem:s18], [sflag:$0x1] =	stream.indirect.gather [hbm4b:s2+s21], $0x80, s30, s21, $0xb8;
	[tilespmem:$0x1C800] =	vst v63  }
0xb6: {  	_ =	swait.ge [sflag:s25], $0x4000  }
0xb7: {  	[sflag:s25] =	ssyncset.done $0x0  }
0xb8: {  	[sflag:s25] =	ssyncadd.s32 $0xFFFFC000  }
0xb9: {  	[spmem:s3] =	stream.indirect.scatter.add.f32 [tilespmem:s22], [sflag:$0x3], $0x80, s31, s21, $0xb8;
	[tilespmem:$0x1C800] =	vst v63  }
0xba: {  	_ =	swait.ge [sflag:s19], $0x4000  }
0xbb: {  	[sflag:s19] =	ssyncset.done $0x0  }
0xbc: {  	[sflag:s19] =	ssyncadd.s32 $0xFFFFC000  }
0xbd: {  	[tilespmem:s22], [sflag:$0x2] =	stream.indirect.gather [hbm4b:s2+s21], $0x80, s0, s21, $0xb8;
	[tilespmem:$0x1C800] =	vst v63  }
0xbe: {  	_ =	swait.ge [sflag:s23], $0x4000  }
0xbf: {  	[sflag:s23] =	ssyncset.done $0x0  }
0xc0: {  	[sflag:s23] =	ssyncadd.s32 $0xFFFFC000  }
0xc1: {  	[spmem:s3] =	stream.indirect.scatter.add.f32 [tilespmem:s18], [sflag:$0x3], $0x80, s5, s21, $0xb8;
	[tilespmem:$0x1C800] =	vst v63  }
0xc2: {  	_ =	swait.ge [sflag:s19], $0x4000  }
0xc3: {  	[sflag:s19] =	ssyncset.done $0x0  }
0xc4: {  	[sflag:s19] =	ssyncadd.s32 $0xFFFFC000  }
0xc5: {  	[tilespmem:s18], [sflag:$0x1] =	stream.indirect.gather [hbm4b:s2+s21], $0x80, s8, s21, $0xb8;
	[tilespmem:$0x1C800] =	vst v63  }
0xc6: {  	_ =	swait.ge [sflag:s25], $0x4000  }
0xc7: {  	[sflag:s25] =	ssyncset.done $0x0  }
0xc8: {  	[sflag:s25] =	ssyncadd.s32 $0xFFFFC000  }
0xc9: {  	[spmem:s3] =	stream.indirect.scatter.add.f32 [tilespmem:s22], [sflag:$0x3], $0x80, s9, s21, $0xb8;
	[tilespmem:$0x1C800] =	vst v63  }
0xca: {  	_ =	swait.ge [sflag:s19], $0x4000  }
0xcb: {  	[sflag:s19] =	ssyncset.done $0x0  }
0xcc: {  	[sflag:s19] =	ssyncadd.s32 $0xFFFFC000  }
0xcd: {  	[tilespmem:s22], [sflag:$0x2] =	stream.indirect.gather [hbm4b:s2+s21], $0x80, s6, s21, $0xb8;
	[tilespmem:$0x1C800] =	vst v63  }
0xce: {  	_ =	swait.ge [sflag:s23], $0x4000  }
0xcf: {  	[sflag:s23] =	ssyncset.done $0x0  }
0xd0: {  	[sflag:s23] =	ssyncadd.s32 $0xFFFFC000  }
0xd1: {  	[spmem:s3] =	stream.indirect.scatter.add.f32 [tilespmem:s18], [sflag:$0x3], $0x80, s1, s21, $0xb8;
	[tilespmem:$0x1C800] =	vst v63  }
0xd2: {  	_ =	swait.ge [sflag:s19], $0x4000  }
0xd3: {  	[sflag:s19] =	ssyncset.done $0x0  }
0xd4: {  	[sflag:s19] =	ssyncadd.s32 $0xFFFFC000  }
0xd5: {  	_ =	swait.ge [sflag:s25], $0x4000  }
0xd6: {  	[sflag:s25] =	ssyncset.done $0x0  }
0xd7: {  	[sflag:s25] =	ssyncadd.s32 $0xFFFFC000  }
0xd8: {  	[spmem:s3] =	stream.indirect.scatter.add.f32 [tilespmem:s22], [sflag:$0x3], $0x80, s10, s21, $0xb8;
	[tilespmem:$0x1C800] =	vst v63  }
0xd9: {  	_ =	swait.ge [sflag:s19], $0x4000  }
0xda: {  	s15 =	simm.s32 $0x100;
	s14 =	simm.s32 $0x80;
	[sflag:s19] =	ssyncset.done $0x0  }
.LBB2_5:
0xdb: {  	s17 =	sadd.s32 s14, s11  }
0xdc: {  	[sflag:s19] =	ssyncadd.s32 $0xFFFFC000;
	s7 =	smov.u32 s15;
	s16 =	sadd.s32 $0x80, s15  }
0xdd: {  	[tilespmem:s4], [sflag:$0x3] =	stream.linear.gather [hbm4b:s17+s4], $0x400, $0x38;
	[tilespmem:$0x1C800] =	vst v63  }
0xde: {  	p1 =	seq.s32 s15, $0x900;
	_ =	swait.ge [sflag:s19], $0x400  }
0xdf: {  	[sflag:s19] =	ssyncset.done $0x0  }
0xe0: {  	s15 =	sadd.s32 s14, s12;
	s14 =	smov.u32 s7;
	[sflag:s19] =	ssyncadd.s32 $0xFFFFFC00  }
0xe1: {  	[tilespmem:s20], [sflag:$0x3] =	stream.linear.gather [hbm4b:s15+s4], $0x400, $0x38;
	[tilespmem:$0x1C800] =	vst v63  }
0xe2: {  	_ =	swait.ge [sflag:s19], $0x400  }
0xe3: {  	[sflag:s19] =	ssyncset.done $0x0  }
0xe4: {  	[sflag:s19] =	ssyncadd.s32 $0xFFFFFC00  }
0xe5: {  	[tilespmem:s18], [sflag:$0x1] =	stream.indirect.gather [hbm4b:s2+s21], $0x80, s4, s21, $0xb8;
	[tilespmem:$0x1C800] =	vst v63  }
0xe6: {  	_ = 	snop  }
0xe7: {  	[tilespmem:s22], [sflag:$0x2] =	stream.indirect.gather [hbm4b:s2+s21], $0x80, s21, s21, $0xb8;
	[tilespmem:$0x1C800] =	vst v63  }
0xe8: {  	_ =	swait.ge [sflag:s23], $0x4000  }
0xe9: {  	[sflag:s23] =	ssyncset.done $0x0  }
0xea: {  	[sflag:s23] =	ssyncadd.s32 $0xFFFFC000  }
0xeb: {  	[spmem:s3] =	stream.indirect.scatter.add.f32 [tilespmem:s18], [sflag:$0x3], $0x80, s20, s21, $0xb8;
	[tilespmem:$0x1C800] =	vst v63  }
0xec: {  	_ =	swait.ge [sflag:s19], $0x4000  }
0xed: {  	[sflag:s19] =	ssyncset.done $0x0  }
0xee: {  	[sflag:s19] =	ssyncadd.s32 $0xFFFFC000  }
0xef: {  	[tilespmem:s18], [sflag:$0x1] =	stream.indirect.gather [hbm4b:s2+s21], $0x80, s24, s21, $0xb8;
	[tilespmem:$0x1C800] =	vst v63  }
0xf0: {  	_ =	swait.ge [sflag:s25], $0x4000  }
0xf1: {  	[sflag:s25] =	ssyncset.done $0x0  }
0xf2: {  	[sflag:s25] =	ssyncadd.s32 $0xFFFFC000  }
0xf3: {  	[spmem:s3] =	stream.indirect.scatter.add.f32 [tilespmem:s22], [sflag:$0x3], $0x80, s26, s21, $0xb8;
	[tilespmem:$0x1C800] =	vst v63  }
0xf4: {  	_ =	swait.ge [sflag:s19], $0x4000  }
0xf5: {  	[sflag:s19] =	ssyncset.done $0x0  }
0xf6: {  	[sflag:s19] =	ssyncadd.s32 $0xFFFFC000  }
0xf7: {  	[tilespmem:s22], [sflag:$0x2] =	stream.indirect.gather [hbm4b:s2+s21], $0x80, s28, s21, $0xb8;
	[tilespmem:$0x1C800] =	vst v63  }
0xf8: {  	_ =	swait.ge [sflag:s23], $0x4000  }
0xf9: {  	[sflag:s23] =	ssyncset.done $0x0  }
0xfa: {  	[sflag:s23] =	ssyncadd.s32 $0xFFFFC000  }
0xfb: {  	[spmem:s3] =	stream.indirect.scatter.add.f32 [tilespmem:s18], [sflag:$0x3], $0x80, s29, s21, $0xb8;
	[tilespmem:$0x1C800] =	vst v63  }
0xfc: {  	_ =	swait.ge [sflag:s19], $0x4000  }
0xfd: {  	[sflag:s19] =	ssyncset.done $0x0  }
0xfe: {  	[sflag:s19] =	ssyncadd.s32 $0xFFFFC000  }
0xff: {  	[tilespmem:s18], [sflag:$0x1] =	stream.indirect.gather [hbm4b:s2+s21], $0x80, s30, s21, $0xb8;
	[tilespmem:$0x1C800] =	vst v63  }
0x100: {  	_ =	swait.ge [sflag:s25], $0x4000  }
0x101: {  	[sflag:s25] =	ssyncset.done $0x0  }
0x102: {  	[sflag:s25] =	ssyncadd.s32 $0xFFFFC000  }
0x103: {  	[spmem:s3] =	stream.indirect.scatter.add.f32 [tilespmem:s22], [sflag:$0x3], $0x80, s31, s21, $0xb8;
	[tilespmem:$0x1C800] =	vst v63  }
0x104: {  	_ =	swait.ge [sflag:s19], $0x4000  }
0x105: {  	[sflag:s19] =	ssyncset.done $0x0  }
0x106: {  	[sflag:s19] =	ssyncadd.s32 $0xFFFFC000  }
0x107: {  	[tilespmem:s22], [sflag:$0x2] =	stream.indirect.gather [hbm4b:s2+s21], $0x80, s0, s21, $0xb8;
	[tilespmem:$0x1C800] =	vst v63  }
0x108: {  	_ =	swait.ge [sflag:s23], $0x4000  }
0x109: {  	[sflag:s23] =	ssyncset.done $0x0  }
0x10a: {  	[sflag:s23] =	ssyncadd.s32 $0xFFFFC000  }
0x10b: {  	[spmem:s3] =	stream.indirect.scatter.add.f32 [tilespmem:s18], [sflag:$0x3], $0x80, s5, s21, $0xb8;
	[tilespmem:$0x1C800] =	vst v63  }
0x10c: {  	_ =	swait.ge [sflag:s19], $0x4000  }
0x10d: {  	[sflag:s19] =	ssyncset.done $0x0  }
0x10e: {  	[sflag:s19] =	ssyncadd.s32 $0xFFFFC000  }
0x10f: {  	[tilespmem:s18], [sflag:$0x1] =	stream.indirect.gather [hbm4b:s2+s21], $0x80, s8, s21, $0xb8;
	[tilespmem:$0x1C800] =	vst v63  }
0x110: {  	_ =	swait.ge [sflag:s25], $0x4000  }
0x111: {  	[sflag:s25] =	ssyncset.done $0x0  }
0x112: {  	[sflag:s25] =	ssyncadd.s32 $0xFFFFC000  }
0x113: {  	[spmem:s3] =	stream.indirect.scatter.add.f32 [tilespmem:s22], [sflag:$0x3], $0x80, s9, s21, $0xb8;
	[tilespmem:$0x1C800] =	vst v63  }
0x114: {  	_ =	swait.ge [sflag:s19], $0x4000  }
0x115: {  	[sflag:s19] =	ssyncset.done $0x0  }
0x116: {  	[sflag:s19] =	ssyncadd.s32 $0xFFFFC000  }
0x117: {  	[tilespmem:s22], [sflag:$0x2] =	stream.indirect.gather [hbm4b:s2+s21], $0x80, s6, s21, $0xb8;
	[tilespmem:$0x1C800] =	vst v63  }
0x118: {  	_ =	swait.ge [sflag:s23], $0x4000  }
0x119: {  	[sflag:s23] =	ssyncset.done $0x0  }
0x11a: {  	[sflag:s23] =	ssyncadd.s32 $0xFFFFC000  }
0x11b: {  	[spmem:s3] =	stream.indirect.scatter.add.f32 [tilespmem:s18], [sflag:$0x3], $0x80, s1, s21, $0xb8;
	[tilespmem:$0x1C800] =	vst v63  }
0x11c: {  	_ =	swait.ge [sflag:s19], $0x4000  }
0x11d: {  	[sflag:s19] =	ssyncset.done $0x0  }
0x11e: {  	[sflag:s19] =	ssyncadd.s32 $0xFFFFC000  }
0x11f: {  	_ =	swait.ge [sflag:s25], $0x4000  }
.Ltmp4:
0x120: {  	[sflag:s25] =	ssyncset.done $0x0;
	(pc) =	sbr.rel @!p1 .LBB2_5-.Ltmp4, $4  }
0x121: {  	[sflag:s25] =	ssyncadd.s32 $0xFFFFC000  }
0x122: {  	[spmem:s3] =	stream.indirect.scatter.add.f32 [tilespmem:s22], [sflag:$0x3], $0x80, s10, s21, $0xb8;
	[tilespmem:$0x1C800] =	vst v63  }
0x123: {  	_ =	swait.ge [sflag:s19], $0x4000  }
0x124: {  	s15 =	smov.u32 s16;
	[sflag:s19] =	ssyncset.done $0x0  }
0x125: {  	s7 =	sadd.s32 s14, s11;
	[sflag:s19] =	ssyncadd.s32 $0xFFFFC000  }
0x126: {  	[tilespmem:s4], [sflag:$0x3] =	stream.linear.gather [hbm4b:s7+s4], $0x400, $0x38;
	[tilespmem:$0x1C800] =	vst v63  }
0x127: {  	_ =	swait.ge [sflag:s19], $0x400  }
0x128: {  	[sflag:s19] =	ssyncset.done $0x0  }
0x129: {  	s17 =	sadd.s32 s14, s12;
	[sflag:s19] =	ssyncadd.s32 $0xFFFFFC00  }
0x12a: {  	[tilespmem:s20], [sflag:$0x3] =	stream.linear.gather [hbm4b:s17+s4], $0x400, $0x38;
	[tilespmem:$0x1C800] =	vst v63  }
0x12b: {  	_ =	swait.ge [sflag:s19], $0x400  }
0x12c: {  	[sflag:s19] =	ssyncset.done $0x0  }
0x12d: {  	[sflag:s19] =	ssyncadd.s32 $0xFFFFFC00  }
0x12e: {  	[tilespmem:s18], [sflag:$0x1] =	stream.indirect.gather [hbm4b:s2+s21], $0x80, s4, s21, $0xb8;
	[tilespmem:$0x1C800] =	vst v63  }
0x12f: {  	_ = 	snop  }
0x130: {  	[tilespmem:s22], [sflag:$0x2] =	stream.indirect.gather [hbm4b:s2+s21], $0x80, s21, s21, $0xb8;
	[tilespmem:$0x1C800] =	vst v63  }
0x131: {  	_ =	swait.ge [sflag:s23], $0x4000  }
0x132: {  	[sflag:s23] =	ssyncset.done $0x0  }
0x133: {  	[sflag:s23] =	ssyncadd.s32 $0xFFFFC000  }
0x134: {  	[spmem:s3] =	stream.indirect.scatter.add.f32 [tilespmem:s18], [sflag:$0x3], $0x80, s20, s21, $0xb8;
	[tilespmem:$0x1C800] =	vst v63  }
0x135: {  	_ =	swait.ge [sflag:s19], $0x4000  }
0x136: {  	[sflag:s19] =	ssyncset.done $0x0  }
0x137: {  	[sflag:s19] =	ssyncadd.s32 $0xFFFFC000  }
0x138: {  	[tilespmem:s18], [sflag:$0x1] =	stream.indirect.gather [hbm4b:s2+s21], $0x80, s24, s21, $0xb8;
	[tilespmem:$0x1C800] =	vst v63  }
0x139: {  	_ =	swait.ge [sflag:s25], $0x4000  }
0x13a: {  	[sflag:s25] =	ssyncset.done $0x0  }
0x13b: {  	[sflag:s25] =	ssyncadd.s32 $0xFFFFC000  }
0x13c: {  	[spmem:s3] =	stream.indirect.scatter.add.f32 [tilespmem:s22], [sflag:$0x3], $0x80, s26, s21, $0xb8;
	[tilespmem:$0x1C800] =	vst v63  }
0x13d: {  	_ =	swait.ge [sflag:s19], $0x4000  }
0x13e: {  	[sflag:s19] =	ssyncset.done $0x0  }
0x13f: {  	[sflag:s19] =	ssyncadd.s32 $0xFFFFC000  }
0x140: {  	[tilespmem:s22], [sflag:$0x2] =	stream.indirect.gather [hbm4b:s2+s21], $0x80, s28, s21, $0xb8;
	[tilespmem:$0x1C800] =	vst v63  }
0x141: {  	_ =	swait.ge [sflag:s23], $0x4000  }
0x142: {  	[sflag:s23] =	ssyncset.done $0x0  }
0x143: {  	[sflag:s23] =	ssyncadd.s32 $0xFFFFC000  }
0x144: {  	[spmem:s3] =	stream.indirect.scatter.add.f32 [tilespmem:s18], [sflag:$0x3], $0x80, s29, s21, $0xb8;
	[tilespmem:$0x1C800] =	vst v63  }
0x145: {  	_ =	swait.ge [sflag:s19], $0x4000  }
0x146: {  	[sflag:s19] =	ssyncset.done $0x0  }
0x147: {  	[sflag:s19] =	ssyncadd.s32 $0xFFFFC000  }
0x148: {  	[tilespmem:s18], [sflag:$0x1] =	stream.indirect.gather [hbm4b:s2+s21], $0x80, s30, s21, $0xb8;
	[tilespmem:$0x1C800] =	vst v63  }
0x149: {  	_ =	swait.ge [sflag:s25], $0x4000  }
0x14a: {  	[sflag:s25] =	ssyncset.done $0x0  }
0x14b: {  	[sflag:s25] =	ssyncadd.s32 $0xFFFFC000  }
0x14c: {  	[spmem:s3] =	stream.indirect.scatter.add.f32 [tilespmem:s22], [sflag:$0x3], $0x80, s31, s21, $0xb8;
	[tilespmem:$0x1C800] =	vst v63  }
0x14d: {  	_ =	swait.ge [sflag:s19], $0x4000  }
0x14e: {  	[sflag:s19] =	ssyncset.done $0x0  }
0x14f: {  	[sflag:s19] =	ssyncadd.s32 $0xFFFFC000  }
0x150: {  	[tilespmem:s22], [sflag:$0x2] =	stream.indirect.gather [hbm4b:s2+s21], $0x80, s0, s21, $0xb8;
	[tilespmem:$0x1C800] =	vst v63  }
0x151: {  	_ =	swait.ge [sflag:s23], $0x4000  }
0x152: {  	[sflag:s23] =	ssyncset.done $0x0  }
0x153: {  	[sflag:s23] =	ssyncadd.s32 $0xFFFFC000  }
0x154: {  	[spmem:s3] =	stream.indirect.scatter.add.f32 [tilespmem:s18], [sflag:$0x3], $0x80, s5, s21, $0xb8;
	[tilespmem:$0x1C800] =	vst v63  }
0x155: {  	_ =	swait.ge [sflag:s19], $0x4000  }
0x156: {  	[sflag:s19] =	ssyncset.done $0x0  }
0x157: {  	[sflag:s19] =	ssyncadd.s32 $0xFFFFC000  }
0x158: {  	[tilespmem:s18], [sflag:$0x1] =	stream.indirect.gather [hbm4b:s2+s21], $0x80, s8, s21, $0xb8;
	[tilespmem:$0x1C800] =	vst v63  }
0x159: {  	_ =	swait.ge [sflag:s25], $0x4000  }
0x15a: {  	[sflag:s25] =	ssyncset.done $0x0  }
0x15b: {  	[sflag:s25] =	ssyncadd.s32 $0xFFFFC000  }
0x15c: {  	[spmem:s3] =	stream.indirect.scatter.add.f32 [tilespmem:s22], [sflag:$0x3], $0x80, s9, s21, $0xb8;
	[tilespmem:$0x1C800] =	vst v63  }
0x15d: {  	_ =	swait.ge [sflag:s19], $0x4000  }
0x15e: {  	[sflag:s19] =	ssyncset.done $0x0  }
0x15f: {  	[sflag:s19] =	ssyncadd.s32 $0xFFFFC000  }
0x160: {  	[tilespmem:s22], [sflag:$0x2] =	stream.indirect.gather [hbm4b:s2+s21], $0x80, s6, s21, $0xb8;
	[tilespmem:$0x1C800] =	vst v63  }
0x161: {  	_ =	swait.ge [sflag:s23], $0x4000  }
0x162: {  	[sflag:s23] =	ssyncset.done $0x0  }
0x163: {  	[sflag:s23] =	ssyncadd.s32 $0xFFFFC000  }
0x164: {  	[spmem:s3] =	stream.indirect.scatter.add.f32 [tilespmem:s18], [sflag:$0x3], $0x80, s1, s21, $0xb8;
	[tilespmem:$0x1C800] =	vst v63  }
0x165: {  	_ =	swait.ge [sflag:s19], $0x4000  }
0x166: {  	[sflag:s19] =	ssyncset.done $0x0  }
0x167: {  	[sflag:s19] =	ssyncadd.s32 $0xFFFFC000  }
0x168: {  	_ =	swait.ge [sflag:s25], $0x4000  }
0x169: {  	[sflag:s25] =	ssyncset.done $0x0  }
.Ltmp5:
0x16a: {  	[sflag:s25] =	ssyncadd.s32 $0xFFFFC000;
	(pc) =	sbr.rel .LBB2_8-.Ltmp5, $4  }
0x16b: {  	[spmem:s3] =	stream.indirect.scatter.add.f32 [tilespmem:s22], [sflag:$0x3], $0x80, s10, s21, $0xb8;
	[tilespmem:$0x1C800] =	vst v63  }
0x16c: {  	_ =	swait.ge [sflag:s19], $0x4000  }
0x16d: {  	[sflag:s19] =	ssyncset.done $0x0;
	s14 =	rddreg [dreg:$0x4]  }
0x16e: {  	s16 =	stileid.u32;
	s17 =	rddreg [dreg:$0x6];
	[sflag:s19] =	ssyncadd.s32 $0xFFFFC000  }
.LBB2_9:
0x16f: {  	_ =	sfence.sel $0x180000  }
0x170: {  	[bflag:$0x0] =	sbarrier.arrive $0xFFFF  }
0x171: {  	_ =	strace $0x90000047  }
0x172: {  	[bflag:$0x2] =	sbarrier.arrive $0xFFFF  }
0x173: {  	p0 =	sne.s32 s16, $0x0;
	s0 =	rddreg [dreg:$0x3]  }
0x174: {  	s0 =	sadd.s32 @!p0 $0x100000, s0  }
0x175: {  	[sflag:s0] =	ssyncadd.tile.s32 @!p0 $0x1;
	_ =	shalt  }
.Lfunc_end2:
_tile_overlayer_lowered:
.L_overlay_start_2:
0x176: {  	(tag) =	ssettag $0x2  }
0x177: {  	s0 =	rddreg [dreg:$0x0];
	s2 =	stileid.u32  }
0x178: {  	s1 =	rddreg [dreg:$0x1];
	p0 =	sne.s32 s2, $0x0  }
0x179: {  	s3 =	rddreg [dreg:$0x2];
	[bflag:$0x3] =	sbarrier.arrive $0xFFFF;
	s2 =	simm.s32 @!p0 $0x1C03  }
0x17a: {  	[timem:s3], [sflag:s2] =	dma.local @!p0 [hbm:s0], s1  }
0x17b: {  	s0 =	simm.s32 @!p0 $0x3  }
0x17c: {  	_ =	swait.ge @!p0 [sflag:s0], s1  }
0x17d: {  	s1 =	ssub.s32 @!p0 $0x0, s1;
	[sflag:s0] =	ssyncset.done @!p0 $0x0  }
0x17e: {  	[sflag:s0] =	ssyncadd.s32 @!p0 s1  }
0x17f: {  	[bflag:$0x3] =	sbarrier.arrive $0xFFFF  }
0x180: {  	_ =	shalt  }

// kernel: kernel.9.cloned.1.call-start
scs
__scs_entry_jumppad:
0x0: {  	(pc) =	sbr.rel $0x88, $3  }
0x1: {  	(tag) =	ssettag $0x0;
	lr =	simm.s32 $0x1  }
0x2: {  	[smem:$0x3F9B] =	sst lr;
	_ =	strace $0xD0000000  }
0x3: {  	_ = 	snop  }
0x4: {  	_ = 	snop  }
0x5: {  	_ = 	snop  }
0x6: {  	_ = 	snop  }
0x7: {  	_ = 	snop  }
__scs_overlays_trampoline_lowered:
0x8: {  	[smem:$0x3FAA] =	sst s0  }
0x9: {  	[smem:$0x3FAB] =	sst s1  }
0xa: {  	[smem:$0x3FAC] =	sst s2  }
0xb: {  	[smem:$0x3FAD] =	sst s3  }
0xc: {  	[smem:$0x3FAE] =	sst s4  }
0xd: {  	[smem:$0x3FAF] =	sst s5  }
0xe: {  	[smem:$0x3FB0] =	sst s6  }
0xf: {  	[smem:$0x3FB1] =	sst s7  }
0x10: {  	[smem:$0x3FB2] =	sst s8  }
0x11: {  	[smem:$0x3FB3] =	sst s9;
	s0 =	simm.s32 @!p0 $0x0  }
0x12: {  	s1 =	sld [smem:$0x3F99];
	s0 =	simm.s32 @p0 $0x1  }
0x13: {  	[smem:$0x3FB4] =	sst s0;
	s0 =	simm.s32 @!p1 $0x0  }
0x14: {  	s2 =	sld [smem:$0x3F98];
	s0 =	simm.s32 @p1 $0x1  }
0x15: {  	[smem:$0x3FB5] =	sst s0;
	s0 =	simm.s32 @!p2 $0x0  }
0x16: {  	s3 =	sld [smem:$0x3FDB];
	s0 =	simm.s32 @p2 $0x1  }
0x17: {  	s4 =	simm.s32 $0x1BF5;
	[smem:$0x3FB7] =	sst s0  }
0x18: {  	s0 =	sld [smem:$0x3F9A];
	_ =	swait.ge [sflag:s4], $0x0  }
0x19: {  	s7 =	sld [smem:$0x3F9B]  }
0x1a: {  	s8 =	sadd.s32 $0xFFFFE003, lr  }
0x1b: {  	s9 =	sadd.s32 $0xFFFFFEF7, lr;
	s5 =	simm.s32 $0xFFFFFFFF;
	p2 =	slt.u32 s8, $0xFFFFF086  }
0x1c: {  	p1 =	slt.u32 s9, $0xF7A;
	s5 =	simm.s32 @!p2 $0x0  }
0x1d: {  	s5 =	simm.s32 @p1 $0x1;
	p0 =	seq.s32 s7, s2  }
0x1e: {  	s7 =	smul.u32 @!p0 $0xF7A, s2;
	p2 =	seq.s32 @!p0 s5, $0x0  }
0x1f: {  	s9 =	smul.u32 $0xF7A, s1;
	s8 =	simm.s32 @!p0 $0x1BF5;
	p2 =	por !p2, p0  }
0x20: {  	[sflag:s8] =	ssyncset.s32 @!p0 $0xFFFFF086;
	s6 =	sadd.s32 @!p0 s3, s7;
	s7 =	simm.s32 @!p0 $0x108  }
0x21: {  	s3 =	sadd.s32 s3, s9;
	s6 =	sadd.s32 @!p0 $0x88, s6;
	s7 =	simm.s32 @p2 $0x1082  }
0x22: {  	[simem:s7], [sflag:s8] =	dma.local @!p0 [hbm:s6], $0xF7A  }
0x23: {  	s9 =	sor.u32 $0xD0000000, s2;
	s6 =	simm.s32 $0x108;
	_ =	swait.ge @!p0 [sflag:s8], $0x0  }
0x24: {  	s3 =	sadd.s32 $0x88, s3;
	s6 =	simm.s32 @!p1 $0x1082;
	[sflag:s4] =	ssyncset.s32 $0xFFFFF086  }
0x25: {  	[simem:s6], [sflag:s4] =	dma.local [hbm:s3], $0xF7A  }
0x26: {  	[smem:$0x3F9B] =	sst s1;
	(tag) =	ssettag s2;
	_ =	strace s9  }
0x27: {  	s1 =	sld [smem:$0x3FAB]  }
0x28: {  	s2 =	sld [smem:$0x3FAC]  }
0x29: {  	s4 =	sld [smem:$0x3FAE]  }
0x2a: {  	p0 =	seq.s32 s5, $0x0;
	s5 =	sld [smem:$0x3FAF]  }
0x2b: {  	s6 =	sld [smem:$0x3FB0]  }
0x2c: {  	s7 =	sld [smem:$0x3FB1]  }
0x2d: {  	s3 =	simm.s32 $0x108;
	s8 =	sld [smem:$0x3FB2]  }
0x2e: {  	s3 =	simm.s32 @!p0 $0x1082;
	s9 =	sld [smem:$0x3FB3]  }
0x2f: {  	lr =	sadd.s32 s0, s3;
	s0 =	sld [smem:$0x3FAA]  }
0x30: {  	s3 =	sld [smem:$0x3FAD]  }
0x31: {  	[smem:$0x3FB6] =	sst s10  }
0x32: {  	s10 =	sld [smem:$0x3FB4];
	_ =	sdelay $0x3  }
0x33: {  	p0 =	seq.s32 s10, $0x1;
	s10 =	sld [smem:$0x3FB6];
	_ =	sdelay $0x3  }
0x34: {  	[smem:$0x3FB6] =	sst s10  }
0x35: {  	s10 =	sld [smem:$0x3FB5];
	_ =	sdelay $0x3  }
0x36: {  	p1 =	seq.s32 s10, $0x1;
	s10 =	sld [smem:$0x3FB6];
	_ =	sdelay $0x3  }
0x37: {  	[smem:$0x3FB6] =	sst s10  }
0x38: {  	s10 =	sld [smem:$0x3FB7]  }
0x39: {  	_ = 	snop;
	(pc) =	sbr.ind lr, $3  }
0x3a: {  	_ = 	snop  }
0x3b: {  	_ = 	snop  }
0x3c: {  	p2 =	seq.s32 s10, $0x1;
	s10 =	sld [smem:$0x3FB6]  }
0x3d: {  	_ =	shalt  }
0x3e: {  	_ =	shalt  }
0x3f: {  	_ =	shalt  }
0x40: {  	_ =	shalt  }
0x41: {  	_ =	shalt  }
0x42: {  	_ =	shalt  }
0x43: {  	_ =	shalt  }
0x44: {  	_ =	shalt  }
0x45: {  	_ =	shalt  }
0x46: {  	_ =	shalt  }
0x47: {  	_ =	shalt  }
0x48: {  	_ =	shalt  }
0x49: {  	_ =	shalt  }
0x4a: {  	_ =	shalt  }
0x4b: {  	_ =	shalt  }
0x4c: {  	_ =	shalt  }
0x4d: {  	_ =	shalt  }
0x4e: {  	_ =	shalt  }
0x4f: {  	_ =	shalt  }
0x50: {  	_ =	shalt  }
0x51: {  	_ =	shalt  }
0x52: {  	_ =	shalt  }
0x53: {  	_ =	shalt  }
0x54: {  	_ =	shalt  }
0x55: {  	_ =	shalt  }
0x56: {  	_ =	shalt  }
0x57: {  	_ =	shalt  }
0x58: {  	_ =	shalt  }
0x59: {  	_ =	shalt  }
0x5a: {  	_ =	shalt  }
0x5b: {  	_ =	shalt  }
0x5c: {  	_ =	shalt  }
0x5d: {  	_ =	shalt  }
0x5e: {  	_ =	shalt  }
0x5f: {  	_ =	shalt  }
0x60: {  	_ =	shalt  }
0x61: {  	_ =	shalt  }
0x62: {  	_ =	shalt  }
0x63: {  	_ =	shalt  }
0x64: {  	_ =	shalt  }
0x65: {  	_ =	shalt  }
0x66: {  	_ =	shalt  }
0x67: {  	_ =	shalt  }
0x68: {  	_ =	shalt  }
0x69: {  	_ =	shalt  }
0x6a: {  	_ =	shalt  }
0x6b: {  	_ =	shalt  }
0x6c: {  	_ =	shalt  }
0x6d: {  	_ =	shalt  }
0x6e: {  	_ =	shalt  }
0x6f: {  	_ =	shalt  }
0x70: {  	_ =	shalt  }
0x71: {  	_ =	shalt  }
0x72: {  	_ =	shalt  }
0x73: {  	_ =	shalt  }
0x74: {  	_ =	shalt  }
0x75: {  	_ =	shalt  }
0x76: {  	_ =	shalt  }
0x77: {  	_ =	shalt  }
0x78: {  	_ =	shalt  }
0x79: {  	_ =	shalt  }
0x7a: {  	_ =	shalt  }
0x7b: {  	_ =	shalt  }
0x7c: {  	_ =	shalt  }
0x7d: {  	_ =	shalt  }
0x7e: {  	_ =	shalt  }
0x7f: {  	_ =	shalt  }
0x80: {  	_ =	shalt  }
0x81: {  	_ =	shalt  }
0x82: {  	_ =	shalt  }
0x83: {  	_ =	shalt  }
0x84: {  	_ =	shalt  }
0x85: {  	_ =	shalt  }
0x86: {  	_ =	shalt  }
0x87: {  	_ =	shalt  }
.Lfunc_end0:
.L_simem_size_0:
called_computation.1_lowered:
.L_overlay_start_0:
0x88: {  	s2 =	sld [smem:$0x3FD9]  }
0x89: {  	s3 =	sld [smem:$0x3FFE];
	_ =	sdelay $0x1  }
0x8a: {  	s1 =	srdreg.scid  }
0x8b: {  	s0 =	sand.u32 $0x1, s1  }
0x8c: {  	s17 =	sshll.u32 s0, $0xA;
	s2 =	sadd.s32 s3, s2  }
0x8d: {  	s2 =	sadd.s32 s2, s17  }
0x8e: {  	[smem:$0x3FC2] =	sst s2  }
0x8f: {  	_ = 	snop  }
0x90: {  	s2 =	sld [smem:$0x3FD0];
	(tm) =	ssettm $0x1  }
0x91: {  	s18 =	sld [smem:$0x3FFB];
	_ =	sdelay $0x3  }
0x92: {  	_ =	strace s18  }
0x93: {  	s3 =	sld [smem:$0x3FFC];
	_ =	sdelay $0x3  }
0x94: {  	_ =	strace s3  }
0x95: {  	s3 =	sld [smem:$0x3FFD];
	_ =	sdelay $0x3  }
0x96: {  	_ =	strace s3  }
0x97: {  	_ =	strace $0x8FFFFFFF  }
0x98: {  	s19 =	sld [smem:$0x3FDB];
	_ =	sdelay $0x1  }
0x99: {  	s4 =	simm.s32 $_scs_section_size  }
0x9a: {  	s5 =	simm.s32 $_size__tile_overlayer_lowered;
	s6 =	simm.s32 $_tile_overlayer_lowered  }
0x9b: {  	s22 =	simm.s32 $0x1BFF;
	s21 =	sshll.u32 s6, $0x1;
	s3 =	sadd.s32 s4, s19  }
0x9c: {  	s7 =	simm.s32 $0x0;
	s20 =	sshll.u32 s5, $0x1;
	s5 =	sadd.s32 s21, s3  }
0x9d: {  	[timem:s7], [sflag:s22] =	dma.local [hbm:s5], s20  }
0x9e: {  	_ =	swait.ge [sflag:s22], s20  }
0x9f: {  	s4 =	ssub.s32 $0x0, s20;
	[sflag:s22] =	ssyncset.done $0x0  }
0xa0: {  	[sflag:s22] =	ssyncadd.s32 s4;
	_ =	sdelay $0x1  }
0xa1: {  	s23 =	simm.s32 $0x1B8B  }
0xa2: {  	_ =	swait.ge [sflag:s23], $0x1  }
0xa3: {  	[sflag:s23] =	ssyncset.done $0x0  }
0xa4: {  	s25 =	simm.s32 $0x1B8E;
	s24 =	sld [smem:$0x3FFE];
	[sflag:s23] =	ssyncadd.s32 $0xFFFFFFFF  }
0xa5: {  	s26 =	simm.s32 $execute0_lowered;
	[smem:$0x3FD2] =	sst s25  }
0xa6: {  	s5 =	sshll.u32 s26, $0x1;
	_ =	strace $0x80000049;
	[dreg:$0x1] =	wrdreg $0xFFFFFFFF  }
0xa7: {  	s28 =	simm.s32 $_size_execute0_lowered;
	s3 =	sadd.s32 s3, s5;
	[dreg:$0x0] =	wrdreg $0x0  }
0xa8: {  	s5 =	sshll.u32 s28, $0x1;
	[dreg:$0x2] =	wrdreg s3  }
0xa9: {  	[dreg:$0x3] =	wrdreg s5  }
0xaa: {  	[dreg:$0x4] =	wrdreg $0xC0  }
0xab: {  	_ =	task [dreg:s7], $0x5FFFF  }
0xac: {  	[dreg:$0x1] =	wrdreg $0xFFFFFFFF  }
0xad: {  	[dreg:$0x0] =	wrdreg $0x60  }
0xae: {  	[dreg:$0x2] =	wrdreg s2  }
0xaf: {  	[dreg:$0x3] =	wrdreg s24  }
0xb0: {  	[dreg:$0x4] =	wrdreg $0x88000  }
0xb1: {  	[dreg:$0x5] =	wrdreg $0x9  }
0xb2: {  	_ =	task.clear_ibuf [dreg:s7], $0x6FFFF;
	_ =	strace $0x90000049  }
0xb3: {  	s29 =	simm.s32 $0x9;
	_ =	strace $0x8000004B  }
0xb4: {  	_ =	swait.ge [sflag:s29], $0x1  }
0xb5: {  	[sflag:s29] =	ssyncadd.s32 $0xFFFFFFFF  }
0xb6: {  	_ =	strace $0x9000004B  }
0xb7: {  	_ =	sfence  }
0xb8: {  	s30 =	sld [smem:$0x0];
	_ =	sdelay $0x2  }
0xb9: {  	s31 =	sshll.u32 s1, $0xD;
	s1 =	sshrl.u32 s1, $0x2  }
0xba: {  	s3 =	sand.u32 $0x4000, s31;
	s1 =	sadd.s32 s1, s30  }
0xbb: {  	s0 =	sor.u32 s3, s0;
	s1 =	sshll.u32 s1, $0x11  }
0xbc: {  	s0 =	sor.u32 s1, s0  }
0xbd: {  	s0 =	sadd.s32 $0x8F2B, s0  }
0xbe: {  	[sflag:s0] =	ssyncadd.remote.s32 $0x1  }
0xbf: {  	_ =	sfence.sel $0xFFFF  }
0xc0: {  	[dreg:$0x0] =	wrdreg $0xFFFFFFFF;
	(pc) =	sbr.abs _section_cstart, $3  }
0xc1: {  	[dreg:$0x1] =	wrdreg $0xFFFFFFFF  }
0xc2: {  	_ =	task.clear_ibuf [dreg:s7], $0x2FFFF;
	_ =	strace $0x9FFFFFFF  }
0xc3: {  	(tm) =	ssettm $0x7FFFFFFF  }
tec
execute0_lowered:
.L_overlay_start_1:
0x0: {  	(tag) =	ssettag $0x1  }
0x1: {  	s2 =	rddreg [dreg:$0x0]  }
0x2: {  	s0 =	rddreg [dreg:$0x1]  }
0x3: {  	s3 =	rddreg [dreg:$0x2];
	s16 =	stileid.u32;
	s4 =	simm.s32 $0x0  }
0x4: {  	s5 =	srdreg.scid;
	s28 =	simm.s32 $0x180;
	s29 =	simm.s32 $0x500  }
0x5: {  	s30 =	simm.s32 $0x200;
	s31 =	simm.s32 $0x580;
	s10 =	simm.s32 $0x780  }
0x6: {  	s13 =	simm.s32 $0x0;
	s1 =	smul.u32 $0x980, s16;
	[smem:$0x7FF] =	sst s4  }
0x7: {  	s5 =	sand.u32 $0x1, s5;
	s6 =	sshll.u32 s16, $0x7;
	s8 =	smul.u32 $0x50000, s16  }
0x8: {  	s9 =	sadd.s32 $0x16A00, s0;
	s22 =	smul.u32 $0x2800, s16;
	_ =	strace $0x8000004A  }
0x9: {  	s7 =	ssub.s32 $0x2, s5;
	s6 =	sadd.s32 s6, s0;
	[dreg:$0x4] =	wrdreg s9  }
0xa: {  	p0 =	sne.s32 s5, $0x0;
	s5 =	simm.s32 $0x600;
	s9 =	simm.s32 $0x680  }
0xb: {  	s1 =	sadd.s32 s1, s0;
	s18 =	sshrl.u32 s7, $0x1;
	s0 =	sadd.s32 $0x3EA00, s0  }
0xc: {  	s20 =	sshrl.u32 s8, $0x2;
	s21 =	sadd.s32 $0x16200, s6;
	[dreg:$0x9] =	wrdreg s22  }
0xd: {  	s6 =	sadd.s32 $0x15A00, s6;
	s22 =	simm.s32 $0x4800;
	[dreg:$0x5] =	wrdreg s0  }
0xe: {  	s8 =	simm.s32 $0x300;
	s19 =	ssub.s32 s7, s18;
	[dreg:$0x7] =	wrdreg s21  }
0xf: {  	s17 =	sadd.s32 s20, s3;
	[dreg:$0x8] =	wrdreg s6;
	s11 =	sadd.s32 $0xC200, s1  }
0x10: {  	s12 =	sadd.s32 $0x2A00, s1;
	s18 =	simm.s32 $0x800;
	s20 =	simm.s32 $0x400  }
0x11: {  	s21 =	simm.s32 $0x80;
	s0 =	smax.u32 s19, $0x1;
	[dreg:$0x6] =	wrdreg s17  }
0x12: {  	s6 =	simm.s32 $0x380;
	s23 =	sadd.s32 $0x4000, s17;
	[dreg:$0xa] =	wrdreg s0  }
.Ltmp0:
0x13: {  	s24 =	sadd.s32 $0x8000, s17;
	[dreg:$0xb] =	wrdreg s23;
	(pc) =	sbr.rel .LBB2_1-.Ltmp0, $4  }
0x14: {  	s1 =	simm.s32 $0x700;
	s25 =	sadd.s32 $0xC000, s17;
	[dreg:$0xc] =	wrdreg s24  }
0x15: {  	s26 =	sadd.s32 $0x10000, s17;
	s19 =	simm.s32 $0x3;
	[dreg:$0xd] =	wrdreg s25  }
0x16: {  	[dreg:$0xe] =	wrdreg s26;
	s23 =	simm.s32 $0x1;
	s24 =	simm.s32 $0x100  }
0x17: {  	v0 =	vimm.f32 $0.0e+00;
	s25 =	simm.s32 $0x2;
	s26 =	simm.s32 $0x480;
	s0 =	simm.s32 $0x280  }
.LBB2_7:
0x18: {  	s7 =	rddreg [dreg:$0x7]  }
0x19: {  	[tilespmem:s4], [sflag:$0x3] =	stream.linear.gather [hbm4b:s7+s4], $0x400, $0x38;
	[tilespmem:$0x1C800] =	vst v63  }
0x1a: {  	_ =	swait.ge [sflag:s19], $0x400  }
0x1b: {  	[sflag:s19] =	ssyncset.done $0x0  }
0x1c: {  	s15 =	rddreg [dreg:$0x8];
	[sflag:s19] =	ssyncadd.s32 $0xFFFFFC00  }
0x1d: {  	[tilespmem:s20], [sflag:$0x3] =	stream.linear.gather [hbm4b:s15+s4], $0x400, $0x38;
	[tilespmem:$0x1C800] =	vst v63  }
0x1e: {  	_ =	swait.ge [sflag:s19], $0x400  }
0x1f: {  	[sflag:s19] =	ssyncset.done $0x0  }
0x20: {  	[sflag:s19] =	ssyncadd.s32 $0xFFFFFC00  }
0x21: {  	[tilespmem:s18], [sflag:$0x1] =	stream.indirect.gather [hbm4b:s2+s21], $0x80, s4, s21, $0xb8;
	[tilespmem:$0x1C800] =	vst v63  }
0x22: {  	_ = 	snop  }
0x23: {  	[tilespmem:s22], [sflag:$0x2] =	stream.indirect.gather [hbm4b:s2+s21], $0x80, s21, s21, $0xb8;
	[tilespmem:$0x1C800] =	vst v63  }
0x24: {  	_ =	swait.ge [sflag:s23], $0x4000  }
0x25: {  	[sflag:s23] =	ssyncset.done $0x0  }
0x26: {  	[sflag:s23] =	ssyncadd.s32 $0xFFFFC000  }
0x27: {  	[spmem:s3] =	stream.indirect.scatter.add.f32 [tilespmem:s18], [sflag:$0x3], $0x80, s20, s21, $0xb8;
	[tilespmem:$0x1C800] =	vst v63  }
0x28: {  	_ =	swait.ge [sflag:s19], $0x4000  }
0x29: {  	[sflag:s19] =	ssyncset.done $0x0  }
0x2a: {  	[sflag:s19] =	ssyncadd.s32 $0xFFFFC000  }
0x2b: {  	[tilespmem:s18], [sflag:$0x1] =	stream.indirect.gather [hbm4b:s2+s21], $0x80, s24, s21, $0xb8;
	[tilespmem:$0x1C800] =	vst v63  }
0x2c: {  	_ =	swait.ge [sflag:s25], $0x4000  }
0x2d: {  	[sflag:s25] =	ssyncset.done $0x0  }
0x2e: {  	[sflag:s25] =	ssyncadd.s32 $0xFFFFC000  }
0x2f: {  	[spmem:s3] =	stream.indirect.scatter.add.f32 [tilespmem:s22], [sflag:$0x3], $0x80, s26, s21, $0xb8;
	[tilespmem:$0x1C800] =	vst v63  }
0x30: {  	_ =	swait.ge [sflag:s19], $0x4000  }
0x31: {  	[sflag:s19] =	ssyncset.done $0x0  }
0x32: {  	[sflag:s19] =	ssyncadd.s32 $0xFFFFC000  }
0x33: {  	[tilespmem:s22], [sflag:$0x2] =	stream.indirect.gather [hbm4b:s2+s21], $0x80, s28, s21, $0xb8;
	[tilespmem:$0x1C800] =	vst v63  }
0x34: {  	_ =	swait.ge [sflag:s23], $0x4000  }
0x35: {  	[sflag:s23] =	ssyncset.done $0x0  }
0x36: {  	[sflag:s23] =	ssyncadd.s32 $0xFFFFC000  }
0x37: {  	[spmem:s3] =	stream.indirect.scatter.add.f32 [tilespmem:s18], [sflag:$0x3], $0x80, s29, s21, $0xb8;
	[tilespmem:$0x1C800] =	vst v63  }
0x38: {  	_ =	swait.ge [sflag:s19], $0x4000  }
0x39: {  	[sflag:s19] =	ssyncset.done $0x0  }
0x3a: {  	[sflag:s19] =	ssyncadd.s32 $0xFFFFC000  }
0x3b: {  	[tilespmem:s18], [sflag:$0x1] =	stream.indirect.gather [hbm4b:s2+s21], $0x80, s30, s21, $0xb8;
	[tilespmem:$0x1C800] =	vst v63  }
0x3c: {  	_ =	swait.ge [sflag:s25], $0x4000  }
0x3d: {  	[sflag:s25] =	ssyncset.done $0x0  }
0x3e: {  	[sflag:s25] =	ssyncadd.s32 $0xFFFFC000  }
0x3f: {  	[spmem:s3] =	stream.indirect.scatter.add.f32 [tilespmem:s22], [sflag:$0x3], $0x80, s31, s21, $0xb8;
	[tilespmem:$0x1C800] =	vst v63  }
0x40: {  	_ =	swait.ge [sflag:s19], $0x4000  }
0x41: {  	[sflag:s19] =	ssyncset.done $0x0  }
0x42: {  	[sflag:s19] =	ssyncadd.s32 $0xFFFFC000  }
0x43: {  	[tilespmem:s22], [sflag:$0x2] =	stream.indirect.gather [hbm4b:s2+s21], $0x80, s0, s21, $0xb8;
	[tilespmem:$0x1C800] =	vst v63  }
0x44: {  	_ =	swait.ge [sflag:s23], $0x4000  }
0x45: {  	[sflag:s23] =	ssyncset.done $0x0  }
0x46: {  	[sflag:s23] =	ssyncadd.s32 $0xFFFFC000  }
0x47: {  	[spmem:s3] =	stream.indirect.scatter.add.f32 [tilespmem:s18], [sflag:$0x3], $0x80, s5, s21, $0xb8;
	[tilespmem:$0x1C800] =	vst v63  }
0x48: {  	_ =	swait.ge [sflag:s19], $0x4000  }
0x49: {  	[sflag:s19] =	ssyncset.done $0x0  }
0x4a: {  	[sflag:s19] =	ssyncadd.s32 $0xFFFFC000  }
0x4b: {  	[tilespmem:s18], [sflag:$0x1] =	stream.indirect.gather [hbm4b:s2+s21], $0x80, s8, s21, $0xb8;
	[tilespmem:$0x1C800] =	vst v63  }
0x4c: {  	_ =	swait.ge [sflag:s25], $0x4000  }
0x4d: {  	[sflag:s25] =	ssyncset.done $0x0  }
0x4e: {  	[sflag:s25] =	ssyncadd.s32 $0xFFFFC000  }
0x4f: {  	[spmem:s3] =	stream.indirect.scatter.add.f32 [tilespmem:s22], [sflag:$0x3], $0x80, s9, s21, $0xb8;
	[tilespmem:$0x1C800] =	vst v63  }
0x50: {  	_ =	swait.ge [sflag:s19], $0x4000  }
0x51: {  	[sflag:s19] =	ssyncset.done $0x0  }
0x52: {  	[sflag:s19] =	ssyncadd.s32 $0xFFFFC000  }
0x53: {  	[tilespmem:s22], [sflag:$0x2] =	stream.indirect.gather [hbm4b:s2+s21], $0x80, s6, s21, $0xb8;
	[tilespmem:$0x1C800] =	vst v63  }
0x54: {  	_ =	swait.ge [sflag:s23], $0x4000  }
0x55: {  	[sflag:s23] =	ssyncset.done $0x0  }
0x56: {  	[sflag:s23] =	ssyncadd.s32 $0xFFFFC000  }
0x57: {  	[spmem:s3] =	stream.indirect.scatter.add.f32 [tilespmem:s18], [sflag:$0x3], $0x80, s1, s21, $0xb8;
	[tilespmem:$0x1C800] =	vst v63  }
0x58: {  	_ =	swait.ge [sflag:s19], $0x4000  }
0x59: {  	[sflag:s19] =	ssyncset.done $0x0  }
0x5a: {  	[sflag:s19] =	ssyncadd.s32 $0xFFFFC000  }
0x5b: {  	_ =	swait.ge [sflag:s25], $0x4000  }
0x5c: {  	[sflag:s25] =	ssyncset.done $0x0  }
0x5d: {  	[sflag:s25] =	ssyncadd.s32 $0xFFFFC000  }
0x5e: {  	[spmem:s3] =	stream.indirect.scatter.add.f32 [tilespmem:s22], [sflag:$0x3], $0x80, s10, s21, $0xb8;
	[tilespmem:$0x1C800] =	vst v63  }
0x5f: {  	_ =	swait.ge [sflag:s19], $0x4000  }
0x60: {  	[sflag:s19] =	ssyncset.done $0x0  }
0x61: {  	s14 =	rddreg [dreg:$0x5];
	[sflag:s19] =	ssyncadd.s32 $0xFFFFC000  }
.LBB2_8:
0x62: {  	s7 =	rddreg [dreg:$0x9];
	s15 =	sshll.u32 s16, $0x6;
	[bflag:$0x0] =	sbarrier.arrive $0xFFFF  }
0x63: {  	s7 =	sadd.s32 s14, s7;
	s14 =	sor.u32 $0x1C03, s15;
	s15 =	sshrl.u32 s17, $0x3  }
0x64: {  	[hbm:s7], [sflag:s14] =	dma.local [spmem:s15], $0x2800  }
0x65: {  	_ =	swait.ge [sflag:s19], $0x2800  }
0x66: {  	s13 =	sadd.s32 $0x1, s13;
	s15 =	rddreg [dreg:$0xa]  }
0x67: {  	p1 =	sne.s32 s13, s15  }
.Ltmp1:
0x68: {  	_ = 	snop;
	(pc) =	sbr.rel @!p1 .LBB2_9-.Ltmp1, $3  }
0x69: {  	_ =	sdelay $0x1  }
0x6a: {  	[sflag:s19] =	ssyncset.done $0x0  }
0x6b: {  	[sflag:s19] =	ssyncadd.s32 $0xFFFFD800  }
.LBB2_1:
0x6c: {  	s14 =	simm.s32 $0x0;
	s15 =	simm.s32 $0x200  }
.LBB2_2:
0x6d: {  	p1 =	sne.s32 s15, $0xFE00;
	[tilespmem:s14+$0x870] =	vst v0  }
0x6e: {  	[tilespmem:s14+$0x800] =	vst v0  }
0x6f: {  	[tilespmem:s14+$0x810] =	vst v0  }
.Ltmp2:
0x70: {  	[tilespmem:s14+$0x820] =	vst v0;
	(pc) =	sbr.rel @p1 .LBB2_2-.Ltmp2, $4  }
0x71: {  	[tilespmem:s14+$0x830] =	vst v0  }
0x72: {  	[tilespmem:s14+$0x840] =	vst v0  }
0x73: {  	[tilespmem:s14+$0x850] =	vst v0  }
0x74: {  	[tilespmem:s14+$0x860] =	vst v0;
	s14 =	sshra.s32 s15, $0x2;
	s15 =	sadd.s32 $0x200, s15  }
0x75: {  	[tilespmem:s14+$0x870] =	vst v0  }
0x76: {  	[tilespmem:s14+$0x800] =	vst v0  }
0x77: {  	[tilespmem:s14+$0x810] =	vst v0  }
0x78: {  	[tilespmem:s14+$0x820] =	vst v0  }
0x79: {  	[tilespmem:s14+$0x830] =	vst v0  }
0x7a: {  	[tilespmem:s14+$0x840] =	vst v0  }
0x7b: {  	[tilespmem:s14+$0x850] =	vst v0  }
0x7c: {  	[tilespmem:s14+$0x860] =	vst v0  }
0x7d: {  	[spmem:s17] =	stream.linear.scatter [tilespmem:s18], [sflag:$0x3], $0x4000, $0x38;
	[tilespmem:$0x1C800] =	vst v63  }
0x7e: {  	_ =	swait.ge [sflag:s19], $0x4000  }
0x7f: {  	[sflag:s19] =	ssyncset.done $0x0  }
0x80: {  	s7 =	rddreg [dreg:$0xb];
	[sflag:s19] =	ssyncadd.s32 $0xFFFFC000  }
0x81: {  	[spmem:s7] =	stream.linear.scatter [tilespmem:s18], [sflag:$0x3], $0x4000, $0x38;
	[tilespmem:$0x1C800] =	vst v63  }
0x82: {  	_ =	swait.ge [sflag:s19], $0x4000  }
0x83: {  	[sflag:s19] =	ssyncset.done $0x0  }
0x84: {  	s15 =	rddreg [dreg:$0xc];
	[sflag:s19] =	ssyncadd.s32 $0xFFFFC000  }
0x85: {  	[spmem:s15] =	stream.linear.scatter [tilespmem:s18], [sflag:$0x3], $0x4000, $0x38;
	[tilespmem:$0x1C800] =	vst v63  }
0x86: {  	_ =	swait.ge [sflag:s19], $0x4000  }
0x87: {  	[sflag:s19] =	ssyncset.done $0x0  }
0x88: {  	s14 =	rddreg [dreg:$0xd];
	[sflag:s19] =	ssyncadd.s32 $0xFFFFC000  }
0x89: {  	[spmem:s14] =	stream.linear.scatter [tilespmem:s18], [sflag:$0x3], $0x4000, $0x38;
	[tilespmem:$0x1C800] =	vst v63  }
0x8a: {  	_ =	swait.ge [sflag:s19], $0x4000  }
0x8b: {  	[sflag:s19] =	ssyncset.done $0x0  }
0x8c: {  	s15 =	rddreg [dreg:$0xe];
	[sflag:s19] =	ssyncadd.s32 $0xFFFFC000  }
0x8d: {  	[spmem:s15] =	stream.linear.scatter [tilespmem:s18], [sflag:$0x3], $0x4000, $0x38;
	[tilespmem:$0x1C800] =	vst v63  }
.Ltmp3:
0x8e: {  	_ =	swait.ge [sflag:s19], $0x4000;
	(pc) =	sbr.rel @p0 .LBB2_7-.Ltmp3, $3  }
0x8f: {  	[sflag:s19] =	ssyncset.done $0x0  }
0x90: {  	[sflag:s19] =	ssyncadd.s32 $0xFFFFC000  }
0x91: {  	[bflag:$0x0] =	sbarrier.arrive $0xFFFF;
	_ =	sdelay $0x1  }
0x92: {  	s14 =	sadd.s32 $0x0, s11  }
0x93: {  	[tilespmem:s4], [sflag:$0x3] =	stream.linear.gather [hbm4b:s14+s4], $0x400, $0x38;
	[tilespmem:$0x1C800] =	vst v63  }
0x94: {  	_ =	swait.ge [sflag:s19], $0x400  }
0x95: {  	[sflag:s19] =	ssyncset.done $0x0  }
0x96: {  	s17 =	sadd.s32 $0x0, s12;
	[sflag:s19] =	ssyncadd.s32 $0xFFFFFC00  }
0x97: {  	[tilespmem:s20], [sflag:$0x3] =	stream.linear.gather [hbm4b:s17+s4], $0x400, $0x38;
	[tilespmem:$0x1C800] =	vst v63  }
0x98: {  	_ =	swait.ge [sflag:s19], $0x400  }
0x99: {  	[sflag:s19] =	ssyncset.done $0x0  }
0x9a: {  	[sflag:s19] =	ssyncadd.s32 $0xFFFFFC00  }
0x9b: {  	[tilespmem:s18], [sflag:$0x1] =	stream.indirect.gather [hbm4b:s2+s21], $0x80, s4, s21, $0xb8;
	[tilespmem:$0x1C800] =	vst v63  }
0x9c: {  	_ = 	snop  }
0x9d: {  	[tilespmem:s22], [sflag:$0x2] =	stream.indirect.gather [hbm4b:s2+s21], $0x80, s21, s21, $0xb8;
	[tilespmem:$0x1C800] =	vst v63  }
0x9e: {  	_ =	swait.ge [sflag:s23], $0x4000  }
0x9f: {  	[sflag:s23] =	ssyncset.done $0x0  }
0xa0: {  	[sflag:s23] =	ssyncadd.s32 $0xFFFFC000  }
0xa1: {  	[spmem:s3] =	stream.indirect.scatter.add.f32 [tilespmem:s18], [sflag:$0x3], $0x80, s20, s21, $0xb8;
	[tilespmem:$0x1C800] =	vst v63  }
0xa2: {  	_ =	swait.ge [sflag:s19], $0x4000  }
0xa3: {  	[sflag:s19] =	ssyncset.done $0x0  }
0xa4: {  	[sflag:s19] =	ssyncadd.s32 $0xFFFFC000  }
0xa5: {  	[tilespmem:s18], [sflag:$0x1] =	stream.indirect.gather [hbm4b:s2+s21], $0x80, s24, s21, $0xb8;
	[tilespmem:$0x1C800] =	vst v63  }
0xa6: {  	_ =	swait.ge [sflag:s25], $0x4000  }
0xa7: {  	[sflag:s25] =	ssyncset.done $0x0  }
0xa8: {  	[sflag:s25] =	ssyncadd.s32 $0xFFFFC000  }
0xa9: {  	[spmem:s3] =	stream.indirect.scatter.add.f32 [tilespmem:s22], [sflag:$0x3], $0x80, s26, s21, $0xb8;
	[tilespmem:$0x1C800] =	vst v63  }
0xaa: {  	_ =	swait.ge [sflag:s19], $0x4000  }
0xab: {  	[sflag:s19] =	ssyncset.done $0x0  }
0xac: {  	[sflag:s19] =	ssyncadd.s32 $0xFFFFC000  }
0xad: {  	[tilespmem:s22], [sflag:$0x2] =	stream.indirect.gather [hbm4b:s2+s21], $0x80, s28, s21, $0xb8;
	[tilespmem:$0x1C800] =	vst v63  }
0xae: {  	_ =	swait.ge [sflag:s23], $0x4000  }
0xaf: {  	[sflag:s23] =	ssyncset.done $0x0  }
0xb0: {  	[sflag:s23] =	ssyncadd.s32 $0xFFFFC000  }
0xb1: {  	[spmem:s3] =	stream.indirect.scatter.add.f32 [tilespmem:s18], [sflag:$0x3], $0x80, s29, s21, $0xb8;
	[tilespmem:$0x1C800] =	vst v63  }
0xb2: {  	_ =	swait.ge [sflag:s19], $0x4000  }
0xb3: {  	[sflag:s19] =	ssyncset.done $0x0  }
0xb4: {  	[sflag:s19] =	ssyncadd.s32 $0xFFFFC000  }
0xb5: {  	[tilespmem:s18], [sflag:$0x1] =	stream.indirect.gather [hbm4b:s2+s21], $0x80, s30, s21, $0xb8;
	[tilespmem:$0x1C800] =	vst v63  }
0xb6: {  	_ =	swait.ge [sflag:s25], $0x4000  }
0xb7: {  	[sflag:s25] =	ssyncset.done $0x0  }
0xb8: {  	[sflag:s25] =	ssyncadd.s32 $0xFFFFC000  }
0xb9: {  	[spmem:s3] =	stream.indirect.scatter.add.f32 [tilespmem:s22], [sflag:$0x3], $0x80, s31, s21, $0xb8;
	[tilespmem:$0x1C800] =	vst v63  }
0xba: {  	_ =	swait.ge [sflag:s19], $0x4000  }
0xbb: {  	[sflag:s19] =	ssyncset.done $0x0  }
0xbc: {  	[sflag:s19] =	ssyncadd.s32 $0xFFFFC000  }
0xbd: {  	[tilespmem:s22], [sflag:$0x2] =	stream.indirect.gather [hbm4b:s2+s21], $0x80, s0, s21, $0xb8;
	[tilespmem:$0x1C800] =	vst v63  }
0xbe: {  	_ =	swait.ge [sflag:s23], $0x4000  }
0xbf: {  	[sflag:s23] =	ssyncset.done $0x0  }
0xc0: {  	[sflag:s23] =	ssyncadd.s32 $0xFFFFC000  }
0xc1: {  	[spmem:s3] =	stream.indirect.scatter.add.f32 [tilespmem:s18], [sflag:$0x3], $0x80, s5, s21, $0xb8;
	[tilespmem:$0x1C800] =	vst v63  }
0xc2: {  	_ =	swait.ge [sflag:s19], $0x4000  }
0xc3: {  	[sflag:s19] =	ssyncset.done $0x0  }
0xc4: {  	[sflag:s19] =	ssyncadd.s32 $0xFFFFC000  }
0xc5: {  	[tilespmem:s18], [sflag:$0x1] =	stream.indirect.gather [hbm4b:s2+s21], $0x80, s8, s21, $0xb8;
	[tilespmem:$0x1C800] =	vst v63  }
0xc6: {  	_ =	swait.ge [sflag:s25], $0x4000  }
0xc7: {  	[sflag:s25] =	ssyncset.done $0x0  }
0xc8: {  	[sflag:s25] =	ssyncadd.s32 $0xFFFFC000  }
0xc9: {  	[spmem:s3] =	stream.indirect.scatter.add.f32 [tilespmem:s22], [sflag:$0x3], $0x80, s9, s21, $0xb8;
	[tilespmem:$0x1C800] =	vst v63  }
0xca: {  	_ =	swait.ge [sflag:s19], $0x4000  }
0xcb: {  	[sflag:s19] =	ssyncset.done $0x0  }
0xcc: {  	[sflag:s19] =	ssyncadd.s32 $0xFFFFC000  }
0xcd: {  	[tilespmem:s22], [sflag:$0x2] =	stream.indirect.gather [hbm4b:s2+s21], $0x80, s6, s21, $0xb8;
	[tilespmem:$0x1C800] =	vst v63  }
0xce: {  	_ =	swait.ge [sflag:s23], $0x4000  }
0xcf: {  	[sflag:s23] =	ssyncset.done $0x0  }
0xd0: {  	[sflag:s23] =	ssyncadd.s32 $0xFFFFC000  }
0xd1: {  	[spmem:s3] =	stream.indirect.scatter.add.f32 [tilespmem:s18], [sflag:$0x3], $0x80, s1, s21, $0xb8;
	[tilespmem:$0x1C800] =	vst v63  }
0xd2: {  	_ =	swait.ge [sflag:s19], $0x4000  }
0xd3: {  	[sflag:s19] =	ssyncset.done $0x0  }
0xd4: {  	[sflag:s19] =	ssyncadd.s32 $0xFFFFC000  }
0xd5: {  	_ =	swait.ge [sflag:s25], $0x4000  }
0xd6: {  	[sflag:s25] =	ssyncset.done $0x0  }
0xd7: {  	[sflag:s25] =	ssyncadd.s32 $0xFFFFC000  }
0xd8: {  	[spmem:s3] =	stream.indirect.scatter.add.f32 [tilespmem:s22], [sflag:$0x3], $0x80, s10, s21, $0xb8;
	[tilespmem:$0x1C800] =	vst v63  }
0xd9: {  	_ =	swait.ge [sflag:s19], $0x4000  }
0xda: {  	s15 =	simm.s32 $0x100;
	s14 =	simm.s32 $0x80;
	[sflag:s19] =	ssyncset.done $0x0  }
.LBB2_5:
0xdb: {  	s17 =	sadd.s32 s14, s11  }
0xdc: {  	[sflag:s19] =	ssyncadd.s32 $0xFFFFC000;
	s7 =	smov.u32 s15;
	s16 =	sadd.s32 $0x80, s15  }
0xdd: {  	[tilespmem:s4], [sflag:$0x3] =	stream.linear.gather [hbm4b:s17+s4], $0x400, $0x38;
	[tilespmem:$0x1C800] =	vst v63  }
0xde: {  	p1 =	seq.s32 s15, $0x900;
	_ =	swait.ge [sflag:s19], $0x400  }
0xdf: {  	[sflag:s19] =	ssyncset.done $0x0  }
0xe0: {  	s15 =	sadd.s32 s14, s12;
	s14 =	smov.u32 s7;
	[sflag:s19] =	ssyncadd.s32 $0xFFFFFC00  }
0xe1: {  	[tilespmem:s20], [sflag:$0x3] =	stream.linear.gather [hbm4b:s15+s4], $0x400, $0x38;
	[tilespmem:$0x1C800] =	vst v63  }
0xe2: {  	_ =	swait.ge [sflag:s19], $0x400  }
0xe3: {  	[sflag:s19] =	ssyncset.done $0x0  }
0xe4: {  	[sflag:s19] =	ssyncadd.s32 $0xFFFFFC00  }
0xe5: {  	[tilespmem:s18], [sflag:$0x1] =	stream.indirect.gather [hbm4b:s2+s21], $0x80, s4, s21, $0xb8;
	[tilespmem:$0x1C800] =	vst v63  }
0xe6: {  	_ = 	snop  }
0xe7: {  	[tilespmem:s22], [sflag:$0x2] =	stream.indirect.gather [hbm4b:s2+s21], $0x80, s21, s21, $0xb8;
	[tilespmem:$0x1C800] =	vst v63  }
0xe8: {  	_ =	swait.ge [sflag:s23], $0x4000  }
0xe9: {  	[sflag:s23] =	ssyncset.done $0x0  }
0xea: {  	[sflag:s23] =	ssyncadd.s32 $0xFFFFC000  }
0xeb: {  	[spmem:s3] =	stream.indirect.scatter.add.f32 [tilespmem:s18], [sflag:$0x3], $0x80, s20, s21, $0xb8;
	[tilespmem:$0x1C800] =	vst v63  }
0xec: {  	_ =	swait.ge [sflag:s19], $0x4000  }
0xed: {  	[sflag:s19] =	ssyncset.done $0x0  }
0xee: {  	[sflag:s19] =	ssyncadd.s32 $0xFFFFC000  }
0xef: {  	[tilespmem:s18], [sflag:$0x1] =	stream.indirect.gather [hbm4b:s2+s21], $0x80, s24, s21, $0xb8;
	[tilespmem:$0x1C800] =	vst v63  }
0xf0: {  	_ =	swait.ge [sflag:s25], $0x4000  }
0xf1: {  	[sflag:s25] =	ssyncset.done $0x0  }
0xf2: {  	[sflag:s25] =	ssyncadd.s32 $0xFFFFC000  }
0xf3: {  	[spmem:s3] =	stream.indirect.scatter.add.f32 [tilespmem:s22], [sflag:$0x3], $0x80, s26, s21, $0xb8;
	[tilespmem:$0x1C800] =	vst v63  }
0xf4: {  	_ =	swait.ge [sflag:s19], $0x4000  }
0xf5: {  	[sflag:s19] =	ssyncset.done $0x0  }
0xf6: {  	[sflag:s19] =	ssyncadd.s32 $0xFFFFC000  }
0xf7: {  	[tilespmem:s22], [sflag:$0x2] =	stream.indirect.gather [hbm4b:s2+s21], $0x80, s28, s21, $0xb8;
	[tilespmem:$0x1C800] =	vst v63  }
0xf8: {  	_ =	swait.ge [sflag:s23], $0x4000  }
0xf9: {  	[sflag:s23] =	ssyncset.done $0x0  }
0xfa: {  	[sflag:s23] =	ssyncadd.s32 $0xFFFFC000  }
0xfb: {  	[spmem:s3] =	stream.indirect.scatter.add.f32 [tilespmem:s18], [sflag:$0x3], $0x80, s29, s21, $0xb8;
	[tilespmem:$0x1C800] =	vst v63  }
0xfc: {  	_ =	swait.ge [sflag:s19], $0x4000  }
0xfd: {  	[sflag:s19] =	ssyncset.done $0x0  }
0xfe: {  	[sflag:s19] =	ssyncadd.s32 $0xFFFFC000  }
0xff: {  	[tilespmem:s18], [sflag:$0x1] =	stream.indirect.gather [hbm4b:s2+s21], $0x80, s30, s21, $0xb8;
	[tilespmem:$0x1C800] =	vst v63  }
0x100: {  	_ =	swait.ge [sflag:s25], $0x4000  }
0x101: {  	[sflag:s25] =	ssyncset.done $0x0  }
0x102: {  	[sflag:s25] =	ssyncadd.s32 $0xFFFFC000  }
0x103: {  	[spmem:s3] =	stream.indirect.scatter.add.f32 [tilespmem:s22], [sflag:$0x3], $0x80, s31, s21, $0xb8;
	[tilespmem:$0x1C800] =	vst v63  }
0x104: {  	_ =	swait.ge [sflag:s19], $0x4000  }
0x105: {  	[sflag:s19] =	ssyncset.done $0x0  }
0x106: {  	[sflag:s19] =	ssyncadd.s32 $0xFFFFC000  }
0x107: {  	[tilespmem:s22], [sflag:$0x2] =	stream.indirect.gather [hbm4b:s2+s21], $0x80, s0, s21, $0xb8;
	[tilespmem:$0x1C800] =	vst v63  }
0x108: {  	_ =	swait.ge [sflag:s23], $0x4000  }
0x109: {  	[sflag:s23] =	ssyncset.done $0x0  }
0x10a: {  	[sflag:s23] =	ssyncadd.s32 $0xFFFFC000  }
0x10b: {  	[spmem:s3] =	stream.indirect.scatter.add.f32 [tilespmem:s18], [sflag:$0x3], $0x80, s5, s21, $0xb8;
	[tilespmem:$0x1C800] =	vst v63  }
0x10c: {  	_ =	swait.ge [sflag:s19], $0x4000  }
0x10d: {  	[sflag:s19] =	ssyncset.done $0x0  }
0x10e: {  	[sflag:s19] =	ssyncadd.s32 $0xFFFFC000  }
0x10f: {  	[tilespmem:s18], [sflag:$0x1] =	stream.indirect.gather [hbm4b:s2+s21], $0x80, s8, s21, $0xb8;
	[tilespmem:$0x1C800] =	vst v63  }
0x110: {  	_ =	swait.ge [sflag:s25], $0x4000  }
0x111: {  	[sflag:s25] =	ssyncset.done $0x0  }
0x112: {  	[sflag:s25] =	ssyncadd.s32 $0xFFFFC000  }
0x113: {  	[spmem:s3] =	stream.indirect.scatter.add.f32 [tilespmem:s22], [sflag:$0x3], $0x80, s9, s21, $0xb8;
	[tilespmem:$0x1C800] =	vst v63  }
0x114: {  	_ =	swait.ge [sflag:s19], $0x4000  }
0x115: {  	[sflag:s19] =	ssyncset.done $0x0  }
0x116: {  	[sflag:s19] =	ssyncadd.s32 $0xFFFFC000  }
0x117: {  	[tilespmem:s22], [sflag:$0x2] =	stream.indirect.gather [hbm4b:s2+s21], $0x80, s6, s21, $0xb8;
	[tilespmem:$0x1C800] =	vst v63  }
0x118: {  	_ =	swait.ge [sflag:s23], $0x4000  }
0x119: {  	[sflag:s23] =	ssyncset.done $0x0  }
0x11a: {  	[sflag:s23] =	ssyncadd.s32 $0xFFFFC000  }
0x11b: {  	[spmem:s3] =	stream.indirect.scatter.add.f32 [tilespmem:s18], [sflag:$0x3], $0x80, s1, s21, $0xb8;
	[tilespmem:$0x1C800] =	vst v63  }
0x11c: {  	_ =	swait.ge [sflag:s19], $0x4000  }
0x11d: {  	[sflag:s19] =	ssyncset.done $0x0  }
0x11e: {  	[sflag:s19] =	ssyncadd.s32 $0xFFFFC000  }
0x11f: {  	_ =	swait.ge [sflag:s25], $0x4000  }
.Ltmp4:
0x120: {  	[sflag:s25] =	ssyncset.done $0x0;
	(pc) =	sbr.rel @!p1 .LBB2_5-.Ltmp4, $4  }
0x121: {  	[sflag:s25] =	ssyncadd.s32 $0xFFFFC000  }
0x122: {  	[spmem:s3] =	stream.indirect.scatter.add.f32 [tilespmem:s22], [sflag:$0x3], $0x80, s10, s21, $0xb8;
	[tilespmem:$0x1C800] =	vst v63  }
0x123: {  	_ =	swait.ge [sflag:s19], $0x4000  }
0x124: {  	s15 =	smov.u32 s16;
	[sflag:s19] =	ssyncset.done $0x0  }
0x125: {  	s7 =	sadd.s32 s14, s11;
	[sflag:s19] =	ssyncadd.s32 $0xFFFFC000  }
0x126: {  	[tilespmem:s4], [sflag:$0x3] =	stream.linear.gather [hbm4b:s7+s4], $0x400, $0x38;
	[tilespmem:$0x1C800] =	vst v63  }
0x127: {  	_ =	swait.ge [sflag:s19], $0x400  }
0x128: {  	[sflag:s19] =	ssyncset.done $0x0  }
0x129: {  	s17 =	sadd.s32 s14, s12;
	[sflag:s19] =	ssyncadd.s32 $0xFFFFFC00  }
0x12a: {  	[tilespmem:s20], [sflag:$0x3] =	stream.linear.gather [hbm4b:s17+s4], $0x400, $0x38;
	[tilespmem:$0x1C800] =	vst v63  }
0x12b: {  	_ =	swait.ge [sflag:s19], $0x400  }
0x12c: {  	[sflag:s19] =	ssyncset.done $0x0  }
0x12d: {  	[sflag:s19] =	ssyncadd.s32 $0xFFFFFC00  }
0x12e: {  	[tilespmem:s18], [sflag:$0x1] =	stream.indirect.gather [hbm4b:s2+s21], $0x80, s4, s21, $0xb8;
	[tilespmem:$0x1C800] =	vst v63  }
0x12f: {  	_ = 	snop  }
0x130: {  	[tilespmem:s22], [sflag:$0x2] =	stream.indirect.gather [hbm4b:s2+s21], $0x80, s21, s21, $0xb8;
	[tilespmem:$0x1C800] =	vst v63  }
0x131: {  	_ =	swait.ge [sflag:s23], $0x4000  }
0x132: {  	[sflag:s23] =	ssyncset.done $0x0  }
0x133: {  	[sflag:s23] =	ssyncadd.s32 $0xFFFFC000  }
0x134: {  	[spmem:s3] =	stream.indirect.scatter.add.f32 [tilespmem:s18], [sflag:$0x3], $0x80, s20, s21, $0xb8;
	[tilespmem:$0x1C800] =	vst v63  }
0x135: {  	_ =	swait.ge [sflag:s19], $0x4000  }
0x136: {  	[sflag:s19] =	ssyncset.done $0x0  }
0x137: {  	[sflag:s19] =	ssyncadd.s32 $0xFFFFC000  }
0x138: {  	[tilespmem:s18], [sflag:$0x1] =	stream.indirect.gather [hbm4b:s2+s21], $0x80, s24, s21, $0xb8;
	[tilespmem:$0x1C800] =	vst v63  }
0x139: {  	_ =	swait.ge [sflag:s25], $0x4000  }
0x13a: {  	[sflag:s25] =	ssyncset.done $0x0  }
0x13b: {  	[sflag:s25] =	ssyncadd.s32 $0xFFFFC000  }
0x13c: {  	[spmem:s3] =	stream.indirect.scatter.add.f32 [tilespmem:s22], [sflag:$0x3], $0x80, s26, s21, $0xb8;
	[tilespmem:$0x1C800] =	vst v63  }
0x13d: {  	_ =	swait.ge [sflag:s19], $0x4000  }
0x13e: {  	[sflag:s19] =	ssyncset.done $0x0  }
0x13f: {  	[sflag:s19] =	ssyncadd.s32 $0xFFFFC000  }
0x140: {  	[tilespmem:s22], [sflag:$0x2] =	stream.indirect.gather [hbm4b:s2+s21], $0x80, s28, s21, $0xb8;
	[tilespmem:$0x1C800] =	vst v63  }
0x141: {  	_ =	swait.ge [sflag:s23], $0x4000  }
0x142: {  	[sflag:s23] =	ssyncset.done $0x0  }
0x143: {  	[sflag:s23] =	ssyncadd.s32 $0xFFFFC000  }
0x144: {  	[spmem:s3] =	stream.indirect.scatter.add.f32 [tilespmem:s18], [sflag:$0x3], $0x80, s29, s21, $0xb8;
	[tilespmem:$0x1C800] =	vst v63  }
0x145: {  	_ =	swait.ge [sflag:s19], $0x4000  }
0x146: {  	[sflag:s19] =	ssyncset.done $0x0  }
0x147: {  	[sflag:s19] =	ssyncadd.s32 $0xFFFFC000  }
0x148: {  	[tilespmem:s18], [sflag:$0x1] =	stream.indirect.gather [hbm4b:s2+s21], $0x80, s30, s21, $0xb8;
	[tilespmem:$0x1C800] =	vst v63  }
0x149: {  	_ =	swait.ge [sflag:s25], $0x4000  }
0x14a: {  	[sflag:s25] =	ssyncset.done $0x0  }
0x14b: {  	[sflag:s25] =	ssyncadd.s32 $0xFFFFC000  }
0x14c: {  	[spmem:s3] =	stream.indirect.scatter.add.f32 [tilespmem:s22], [sflag:$0x3], $0x80, s31, s21, $0xb8;
	[tilespmem:$0x1C800] =	vst v63  }
0x14d: {  	_ =	swait.ge [sflag:s19], $0x4000  }
0x14e: {  	[sflag:s19] =	ssyncset.done $0x0  }
0x14f: {  	[sflag:s19] =	ssyncadd.s32 $0xFFFFC000  }
0x150: {  	[tilespmem:s22], [sflag:$0x2] =	stream.indirect.gather [hbm4b:s2+s21], $0x80, s0, s21, $0xb8;
	[tilespmem:$0x1C800] =	vst v63  }
0x151: {  	_ =	swait.ge [sflag:s23], $0x4000  }
0x152: {  	[sflag:s23] =	ssyncset.done $0x0  }
0x153: {  	[sflag:s23] =	ssyncadd.s32 $0xFFFFC000  }
0x154: {  	[spmem:s3] =	stream.indirect.scatter.add.f32 [tilespmem:s18], [sflag:$0x3], $0x80, s5, s21, $0xb8;
	[tilespmem:$0x1C800] =	vst v63  }
0x155: {  	_ =	swait.ge [sflag:s19], $0x4000  }
0x156: {  	[sflag:s19] =	ssyncset.done $0x0  }
0x157: {  	[sflag:s19] =	ssyncadd.s32 $0xFFFFC000  }
0x158: {  	[tilespmem:s18], [sflag:$0x1] =	stream.indirect.gather [hbm4b:s2+s21], $0x80, s8, s21, $0xb8;
	[tilespmem:$0x1C800] =	vst v63  }
0x159: {  	_ =	swait.ge [sflag:s25], $0x4000  }
0x15a: {  	[sflag:s25] =	ssyncset.done $0x0  }
0x15b: {  	[sflag:s25] =	ssyncadd.s32 $0xFFFFC000  }
0x15c: {  	[spmem:s3] =	stream.indirect.scatter.add.f32 [tilespmem:s22], [sflag:$0x3], $0x80, s9, s21, $0xb8;
	[tilespmem:$0x1C800] =	vst v63  }
0x15d: {  	_ =	swait.ge [sflag:s19], $0x4000  }
0x15e: {  	[sflag:s19] =	ssyncset.done $0x0  }
0x15f: {  	[sflag:s19] =	ssyncadd.s32 $0xFFFFC000  }
0x160: {  	[tilespmem:s22], [sflag:$0x2] =	stream.indirect.gather [hbm4b:s2+s21], $0x80, s6, s21, $0xb8;
	[tilespmem:$0x1C800] =	vst v63  }
0x161: {  	_ =	swait.ge [sflag:s23], $0x4000  }
0x162: {  	[sflag:s23] =	ssyncset.done $0x0  }
0x163: {  	[sflag:s23] =	ssyncadd.s32 $0xFFFFC000  }
0x164: {  	[spmem:s3] =	stream.indirect.scatter.add.f32 [tilespmem:s18], [sflag:$0x3], $0x80, s1, s21, $0xb8;
	[tilespmem:$0x1C800] =	vst v63  }
0x165: {  	_ =	swait.ge [sflag:s19], $0x4000  }
0x166: {  	[sflag:s19] =	ssyncset.done $0x0  }
0x167: {  	[sflag:s19] =	ssyncadd.s32 $0xFFFFC000  }
0x168: {  	_ =	swait.ge [sflag:s25], $0x4000  }
0x169: {  	[sflag:s25] =	ssyncset.done $0x0  }
.Ltmp5:
0x16a: {  	[sflag:s25] =	ssyncadd.s32 $0xFFFFC000;
	(pc) =	sbr.rel .LBB2_8-.Ltmp5, $4  }
0x16b: {  	[spmem:s3] =	stream.indirect.scatter.add.f32 [tilespmem:s22], [sflag:$0x3], $0x80, s10, s21, $0xb8;
	[tilespmem:$0x1C800] =	vst v63  }
0x16c: {  	_ =	swait.ge [sflag:s19], $0x4000  }
0x16d: {  	[sflag:s19] =	ssyncset.done $0x0;
	s14 =	rddreg [dreg:$0x4]  }
0x16e: {  	s16 =	stileid.u32;
	s17 =	rddreg [dreg:$0x6];
	[sflag:s19] =	ssyncadd.s32 $0xFFFFC000  }
.LBB2_9:
0x16f: {  	_ =	sfence.sel $0x180000  }
0x170: {  	[bflag:$0x0] =	sbarrier.arrive $0xFFFF  }
0x171: {  	_ =	strace $0x9000004A  }
0x172: {  	[bflag:$0x2] =	sbarrier.arrive $0xFFFF  }
0x173: {  	p0 =	sne.s32 s16, $0x0;
	s0 =	rddreg [dreg:$0x3]  }
0x174: {  	s0 =	sadd.s32 @!p0 $0x100000, s0  }
0x175: {  	[sflag:s0] =	ssyncadd.tile.s32 @!p0 $0x1;
	_ =	shalt  }
.Lfunc_end2:
_tile_overlayer_lowered:
.L_overlay_start_2:
0x176: {  	(tag) =	ssettag $0x2  }
0x177: {  	s0 =	rddreg [dreg:$0x0];
	s2 =	stileid.u32  }
0x178: {  	s1 =	rddreg [dreg:$0x1];
	p0 =	sne.s32 s2, $0x0  }
0x179: {  	s3 =	rddreg [dreg:$0x2];
	[bflag:$0x3] =	sbarrier.arrive $0xFFFF;
	s2 =	simm.s32 @!p0 $0x1C03  }
0x17a: {  	[timem:s3], [sflag:s2] =	dma.local @!p0 [hbm:s0], s1  }
0x17b: {  	s0 =	simm.s32 @!p0 $0x3  }
0x17c: {  	_ =	swait.ge @!p0 [sflag:s0], s1  }
0x17d: {  	s1 =	ssub.s32 @!p0 $0x0, s1;
	[sflag:s0] =	ssyncset.done @!p0 $0x0  }
0x17e: {  	[sflag:s0] =	ssyncadd.s32 @!p0 s1  }
0x17f: {  	[bflag:$0x3] =	sbarrier.arrive $0xFFFF  }
0x180: {  	_ =	shalt  }

</sc_bundles>
